<compile_context>
chip_gen: v7x
topology: tpu7x:2x2x1
jax: 0.10.2.dev20260603
libtpu: 0.0.44.dev20260713+nightly
codegen_flags: <defaults>
</compile_context>

<pallas_src>
import functools

import jax
import jax.numpy as jnp
from jax import lax
from jax.experimental import pallas as pl
from jax.experimental.pallas import tpu as pltpu
from jax.experimental.pallas import tpu_sc as plsc

_N = 10000
_E = 320000
_F = 128
_H = 128
_C = 40
_EPS = 1e-7


_R = 1000
_G = _N // _R


def _table(h2, t_ref):
    u = h2 + _EPS
    q = jnp.exp(u)
    t_ref[0] = u * q
    t_ref[1] = q


def _enc_body(x_ref, w_ref, b_ref, h_ref, t_ref):
    h = jnp.dot(x_ref[...], w_ref[...], preferred_element_type=jnp.float32)
    h = h + b_ref[...]
    h_ref[...] = h
    _table(jnp.maximum(h, 0.0), t_ref)


def _ln_relu(hc, g_ref, be_ref):
    mu = jnp.mean(hc, axis=-1, keepdims=True)
    d = hc - mu
    var = jnp.mean(d * d, axis=-1, keepdims=True)
    h1 = d / jnp.sqrt(var + 1e-5) * g_ref[...] + be_ref[...]
    return jnp.maximum(h1, 0.0)


def _combine(hin_ref, res_ref, s_ref, w_ref, b_ref):
    m = s_ref[0] / (s_ref[1] + 1e-16)
    hc = jnp.dot(hin_ref[...] + m, w_ref[...],
                 preferred_element_type=jnp.float32)
    return hc + b_ref[...] + res_ref[...]


def _mid_body(hin_ref, res_ref, s_ref, w_ref, b_ref, g_ref, be_ref,
              hc_ref, h2_ref, t_ref):
    hc = _combine(hin_ref, res_ref, s_ref, w_ref, b_ref)
    hc_ref[...] = hc
    h2 = _ln_relu(hc, g_ref, be_ref)
    h2_ref[...] = h2
    _table(h2, t_ref)


def _fin_body(hin_ref, res_ref, s_ref, w_ref, b_ref, g_ref, be_ref,
              wp_ref, bp_ref, o_ref):
    hc = _combine(hin_ref, res_ref, s_ref, w_ref, b_ref)
    h3 = _ln_relu(hc, g_ref, be_ref)
    z = jnp.dot(h3, wp_ref[...], preferred_element_type=jnp.float32)
    z = z + bp_ref[...]
    zm = jnp.max(z, axis=-1, keepdims=True)
    lse = jnp.log(jnp.sum(jnp.exp(z - zm), axis=-1, keepdims=True))
    o_ref[...] = z - zm - lse


_rowspec = pl.BlockSpec((_R, _H), lambda i: (i, 0))
_sspec = pl.BlockSpec((2, _R, _H), lambda i: (0, i, 0))
_wspec = pl.BlockSpec((_H, _H), lambda i: (0, 0))
_vspec = pl.BlockSpec((1, _H), lambda i: (0, 0))

_enc = pl.pallas_call(
    _enc_body,
    grid=(_G,),
    in_specs=[pl.BlockSpec((_R, _F), lambda i: (i, 0)), _wspec, _vspec],
    out_specs=[_rowspec, _sspec],
    out_shape=[jax.ShapeDtypeStruct((_N, _H), jnp.float32),
               jax.ShapeDtypeStruct((2, _N, _H), jnp.float32)],
)

_mid = pl.pallas_call(
    _mid_body,
    grid=(_G,),
    in_specs=[_rowspec, _rowspec, _sspec, _wspec, _vspec, _vspec, _vspec],
    out_specs=[_rowspec, _rowspec, _sspec],
    out_shape=[jax.ShapeDtypeStruct((_N, _H), jnp.float32),
               jax.ShapeDtypeStruct((_N, _H), jnp.float32),
               jax.ShapeDtypeStruct((2, _N, _H), jnp.float32)],
)

_fin = pl.pallas_call(
    _fin_body,
    grid=(_G,),
    in_specs=[_rowspec, _rowspec, _sspec, _wspec, _vspec, _vspec, _vspec,
              pl.BlockSpec((_H, _C), lambda i: (0, 0)),
              pl.BlockSpec((1, _C), lambda i: (0, 0))],
    out_specs=pl.BlockSpec((_R, _C), lambda i: (i, 0)),
    out_shape=jax.ShapeDtypeStruct((_N, _C), jnp.float32),
)


_NSUB = 16
_EPT = _E // _NSUB
_CH = 125
_GC = 40
_NG = _EPT // (_CH * _GC)
_RPT = 624
_RTAIL = _N - _NSUB * _RPT


def _agg_body(t_hbm, src2_hbm, dst_hbm, zro_hbm, out_hbm,
              sidx, didx, rows, sem0, sem1, acc):
    c = lax.axis_index("c")
    s = lax.axis_index("s")
    r0 = pl.multiple_of(s * _RPT, 8)
    pltpu.sync_copy(zro_hbm.at[pl.ds(r0, _RPT)], acc.at[pl.ds(r0, _RPT)])

    @pl.when(s == _NSUB - 1)
    def _():
        pltpu.sync_copy(zro_hbm.at[pl.ds(_NSUB * _RPT, _RTAIL)],
                        acc.at[pl.ds(_NSUB * _RPT, _RTAIL)])

    sems = (sem0, sem1)

    def start_gather(k, b):
        pltpu.async_copy(t_hbm.at[sidx.at[k]], rows.at[b], sems[b])

    def wait_gather(k, b):
        pltpu.make_async_copy(t_hbm.at[sidx.at[k]], rows.at[b],
                              sems[b]).wait()

    plsc.subcore_barrier()

    def group(g, carry):
        pltpu.sync_copy(src2_hbm.at[c, s, g], sidx)
        pltpu.sync_copy(dst_hbm.at[s, g], didx)
        start_gather(0, 0)
        start_gather(1, 1)

        def step(i, carry2):
            k0 = 2 * i
            for b in range(2):
                k = k0 + b
                wait_gather(k, b)
                pltpu.sync_copy(rows.at[b], acc.at[didx.at[k]], add=True)
                start_gather(k + 2, b)
            return carry2

        lax.fori_loop(0, _GC // 2 - 1, step, 0)
        for b in range(2):
            k = _GC - 2 + b
            wait_gather(k, b)
            pltpu.sync_copy(rows.at[b], acc.at[didx.at[k]], add=True)
        return carry

    lax.fori_loop(0, _NG, group, 0)
    plsc.subcore_barrier()
    pltpu.sync_copy(acc.at[pl.ds(r0, _RPT)],
                    out_hbm.at[pl.ds(pl.multiple_of(c * _N + r0, 8), _RPT)])

    @pl.when(s == _NSUB - 1)
    def _():
        o0 = pl.multiple_of(c * _N + _NSUB * _RPT, 8)
        pltpu.sync_copy(acc.at[pl.ds(_NSUB * _RPT, _RTAIL)],
                        out_hbm.at[pl.ds(o0, _RTAIL)])


@functools.cache
def _agg():
    return pl.kernel(
        _agg_body,
        out_type=jax.ShapeDtypeStruct((2 * _N, _H), jnp.float32),
        mesh=plsc.VectorSubcoreMesh(core_axis_name="c", subcore_axis_name="s"),
        scratch_types=[
            pltpu.VMEM((_GC, _CH), jnp.int32),
            pltpu.VMEM((_GC, _CH), jnp.int32),
            pltpu.VMEM((2, _CH, _H), jnp.float32),
            pltpu.SemaphoreType.DMA,
            pltpu.SemaphoreType.DMA,
            pltpu.VMEM_SHARED((_N, _H), jnp.float32),
        ],
    )



def kernel(x, edge_index, W_enc, b_enc, W0, b0, g0, be0, W1, b1, g1, be1,
           W2, b2, g2, be2, W_pred, b_pred):
    src = edge_index[0]
    dst = edge_index[1]
    src2 = jnp.stack([src, src + _N]).reshape(2, _NSUB, _NG, _GC, _CH)
    dstc = dst.reshape(_NSUB, _NG, _GC, _CH)
    zro = jnp.zeros((_N, _H), jnp.float32)
    r = lambda v: v.reshape(1, -1)

    agg = _agg()
    h, t0 = _enc(x, W_enc, r(b_enc))
    s0 = agg(t0.reshape(2 * _N, _H), src2, dstc, zro).reshape(2, _N, _H)
    ha, h2a, t1 = _mid(h, zro, s0, W0, r(b0), r(g0), r(be0))
    s1 = agg(t1.reshape(2 * _N, _H), src2, dstc, zro).reshape(2, _N, _H)
    hb, h2b, t2 = _mid(h2a, ha, s1, W1, r(b1), r(g1), r(be1))
    s2 = agg(t2.reshape(2 * _N, _H), src2, dstc, zro).reshape(2, _N, _H)
    return _fin(h2b, hb, s2, W2, r(b2), r(g2), r(be2), W_pred, r(b_pred))

# --- scband reference (transcript-rebuilt; emitter-appended) ---
"""Pipeline reference for scband-deeper-gcn-36687610642611 (READ-ONLY COPY).

The authoritative reference and input builder live on the scoring server;
editing this copy changes nothing except your own understanding.
"""

import jax, jax.numpy as jnp
import numpy as np

N = 10000
E = 320000
F_IN = 128
H = 128
C = 40
L = 3
EPS = 1e-7

def setup_inputs(seed: int = 0):
    key = jax.random.key(seed)
    ks = jax.random.split(key, 32)
    s = 0.05
    inp = {}
    inp["x"] = jax.random.normal(ks[0], (N, F_IN), dtype=jnp.float32)
    inp["edge_index"] = jax.random.randint(ks[1], (2, E), 0, N, dtype=jnp.int32)
    inp["W_enc"] = jax.random.normal(ks[2], (F_IN, H), dtype=jnp.float32) * s
    inp["b_enc"] = jnp.zeros((H,), dtype=jnp.float32)
    for l in range(L):
        inp["W%d" % l] = jax.random.normal(ks[3 + l], (H, H), dtype=jnp.float32) * s
        inp["b%d" % l] = jnp.zeros((H,), dtype=jnp.float32)
        inp["g%d" % l] = jnp.ones((H,), dtype=jnp.float32)
        inp["be%d" % l] = jnp.zeros((H,), dtype=jnp.float32)
    inp["W_pred"] = jax.random.normal(ks[10], (H, C), dtype=jnp.float32) * s
    inp["b_pred"] = jnp.zeros((C,), dtype=jnp.float32)
    return inp

def _layer_norm(h, g, b):
    mu = jnp.mean(h, axis=-1, keepdims=True)
    var = jnp.mean((h - mu) ** 2, axis=-1, keepdims=True)
    return (h - mu) / jnp.sqrt(var + 1e-5) * g + b

def _segment_softmax(data, seg, num_segments):
    seg_max = jax.ops.segment_max(data, seg, num_segments=num_segments)
    seg_max = jnp.where(jnp.isfinite(seg_max), seg_max, 0.0)
    e = jnp.exp(data - seg_max[seg])
    denom = jax.ops.segment_sum(e, seg, num_segments=num_segments)
    return e / (denom[seg] + 1e-16)

def _gen_conv(h, src, dst, W, b):
    # GENConv with aggr='softmax', t=1.0, mlp_layers=1, no msg_norm, no edge_attr
    msg = jax.nn.relu(h[src]) + EPS
    alpha = _segment_softmax(msg * 1.0, dst, N)
    m = jax.ops.segment_sum(msg * alpha, dst, num_segments=N)
    out = h + m
    return out @ W + b

def reference(x, edge_index, W_enc, b_enc, W0, b0, g0, be0, W1, b1, g1, be1, W2, b2, g2, be2, W_pred, b_pred):
    src = edge_index[0]
    dst = edge_index[1]
    Ws = [(W0, b0), (W1, b1), (W2, b2)]
    gs = [(g0, be0), (g1, be1), (g2, be2)]
    h = x @ W_enc + b_enc
    # block 'res+': first conv, then LN->ReLU->conv->residual; dropout p=0.0 is a no-op
    h = _gen_conv(h, src, dst, Ws[0][0], Ws[0][1])
    for layer in range(1, L):
        h1 = _layer_norm(h, gs[layer - 1][0], gs[layer - 1][1])
        h2 = jax.nn.relu(h1)
        h = _gen_conv(h2, src, dst, Ws[layer][0], Ws[layer][1]) + h
    h = jax.nn.relu(_layer_norm(h, gs[L - 1][0], gs[L - 1][1]))
    h = h @ W_pred + b_pred
    return jax.nn.log_softmax(h, axis=-1)

if __name__ == "__main__":
    import jax
    _d = setup_inputs()
    print(jax.jit(kernel)(*tuple(_d.values())))

</pallas_src>

<mosaic_0001>
#map = affine_map<(d0, d1) -> (0, 0)>
#map1 = affine_map<(d0, d1) -> (0, 0, 0, 0, 0)>
#map2 = affine_map<(d0, d1) -> (0, 0, 0, 0)>
module attributes {stable_mosaic.version = 14 : i64} {
  func.func @_agg_body(%arg0: i32, %arg1: i32, %arg2: memref<20000x128xf32, #tpu.memory_space<hbm>>, %arg3: memref<2x16x4x40x125xi32, #tpu.memory_space<hbm>>, %arg4: memref<16x4x40x125xi32, #tpu.memory_space<hbm>>, %arg5: memref<10000x128xf32, #tpu.memory_space<hbm>>, %arg6: memref<20000x128xf32, #tpu.memory_space<hbm>>, %arg7: memref<40x125xi32, #tpu.memory_space<vmem>>, %arg8: memref<40x125xi32, #tpu.memory_space<vmem>>, %arg9: memref<2x125x128xf32, #tpu.memory_space<vmem>>, %arg10: memref<!tpu.dma_semaphore, #tpu.memory_space<semaphore_mem>>, %arg11: memref<!tpu.dma_semaphore, #tpu.memory_space<semaphore_mem>>, %arg12: memref<10000x128xf32, #tpu.memory_space<vmem_shared>>) attributes {dimension_semantics = [#tpu.dimension_semantics<core_parallel>, #tpu.dimension_semantics<subcore_parallel>], iteration_bounds = array<i64: 2, 16>, scalar_prefetch = 0 : i64, scratch_operands = 6 : i64, tpu.core_type = #tpu.core_type<sc_vector_subcore>, window_params = [{transform_indices = #map}, {transform_indices = #map1}, {transform_indices = #map2}, {transform_indices = #map}, {transform_indices = #map}]} {
    %mul3A = arith.constant 624 : i32
    %mul3A_0 = arith.muli %arg1, %mul3A : i32
    %multiple_of3A = tpu.assume_multiple %mul3A_0, 8 : i32
    "tpu.region"() ({
      %run_scoped3A = tpu.sem_alloc : memref<!tpu.dma_semaphore, #tpu.memory_space<semaphore_mem>>
      %dma_start3A = arith.constant 0 : i32
      %dma_start3A_17 = tpu.memref_slice %arg12[%multiple_of3A, %dma_start3A] : memref<10000x128xf32, #tpu.memory_space<vmem_shared>> -> memref<624x128xf32, #tpu.memory_space<vmem_shared>>
      %dma_start3A_18 = arith.constant 0 : i32
      %dma_start3A_19 = tpu.memref_slice %arg5[%multiple_of3A, %dma_start3A_18] : memref<10000x128xf32, #tpu.memory_space<hbm>> -> memref<624x128xf32, #tpu.memory_space<hbm>>
      tpu.enqueue_dma source(%dma_start3A_19 : memref<624x128xf32, #tpu.memory_space<hbm>>) target(%dma_start3A_17 : memref<624x128xf32, #tpu.memory_space<vmem_shared>>) target_semaphore(%run_scoped3A : memref<!tpu.dma_semaphore, #tpu.memory_space<semaphore_mem>>)
      %dma_wait3A = arith.constant 0 : i32
      %dma_wait3A_20 = tpu.memref_slice %arg12[%multiple_of3A, %dma_wait3A] : memref<10000x128xf32, #tpu.memory_space<vmem_shared>> -> memref<624x128xf32, #tpu.memory_space<vmem_shared>>
      %dma_wait3A_21 = arith.constant 0 : i32
      %dma_wait3A_22 = tpu.memref_slice %arg5[%multiple_of3A, %dma_wait3A_21] : memref<10000x128xf32, #tpu.memory_space<hbm>> -> memref<624x128xf32, #tpu.memory_space<hbm>>
      tpu.wait_dma2 semaphore(%run_scoped3A : memref<!tpu.dma_semaphore, #tpu.memory_space<semaphore_mem>>) src(%dma_wait3A_22 : memref<624x128xf32, #tpu.memory_space<hbm>>) dst(%dma_wait3A_20 : memref<624x128xf32, #tpu.memory_space<vmem_shared>>)
      tpu.yield
    }) : () -> ()
    %eq3A = arith.constant 15 : i32
    %eq3A_1 = arith.cmpi eq, %arg1, %eq3A : i32
    %convert_element_type3A = arith.extui %eq3A_1 : i1 to i32
    %cond3A = arith.constant 0 : i32
    %cond3A_2 = arith.cmpi ne, %convert_element_type3A, %cond3A : i32
    scf.if %cond3A_2 {
      "tpu.region"() ({
        %run_scoped3A = tpu.sem_alloc : memref<!tpu.dma_semaphore, #tpu.memory_space<semaphore_mem>>
        %dma_start3A = arith.constant 9984 : i32
        %dma_start3A_17 = arith.constant 0 : i32
        %dma_start3A_18 = tpu.memref_slice %arg12[%dma_start3A, %dma_start3A_17] : memref<10000x128xf32, #tpu.memory_space<vmem_shared>> -> memref<16x128xf32, #tpu.memory_space<vmem_shared>>
        %dma_start3A_19 = arith.constant 9984 : i32
        %dma_start3A_20 = arith.constant 0 : i32
        %dma_start3A_21 = tpu.memref_slice %arg5[%dma_start3A_19, %dma_start3A_20] : memref<10000x128xf32, #tpu.memory_space<hbm>> -> memref<16x128xf32, #tpu.memory_space<hbm>>
        tpu.enqueue_dma source(%dma_start3A_21 : memref<16x128xf32, #tpu.memory_space<hbm>>) target(%dma_start3A_18 : memref<16x128xf32, #tpu.memory_space<vmem_shared>>) target_semaphore(%run_scoped3A : memref<!tpu.dma_semaphore, #tpu.memory_space<semaphore_mem>>)
        %dma_wait3A = arith.constant 9984 : i32
        %dma_wait3A_22 = arith.constant 0 : i32
        %dma_wait3A_23 = tpu.memref_slice %arg12[%dma_wait3A, %dma_wait3A_22] : memref<10000x128xf32, #tpu.memory_space<vmem_shared>> -> memref<16x128xf32, #tpu.memory_space<vmem_shared>>
        %dma_wait3A_24 = arith.constant 9984 : i32
        %dma_wait3A_25 = arith.constant 0 : i32
        %dma_wait3A_26 = tpu.memref_slice %arg5[%dma_wait3A_24, %dma_wait3A_25] : memref<10000x128xf32, #tpu.memory_space<hbm>> -> memref<16x128xf32, #tpu.memory_space<hbm>>
        tpu.wait_dma2 semaphore(%run_scoped3A : memref<!tpu.dma_semaphore, #tpu.memory_space<semaphore_mem>>) src(%dma_wait3A_26 : memref<16x128xf32, #tpu.memory_space<hbm>>) dst(%dma_wait3A_23 : memref<16x128xf32, #tpu.memory_space<vmem_shared>>)
        tpu.yield
      }) : () -> ()
    } else {
    }
    %barrier3A = arith.constant 0 : index
    tpu.barrier barrier_id(%barrier3A)
    %scan3A = arith.constant 0 : i32
    %scan3A_3 = arith.constant 0 : i32
    %scan3A_4 = arith.constant 4 : i32
    %scan3A_5 = arith.addi %scan3A_3, %scan3A_4 : i32
    %scan3A_6 = arith.constant 1 : i32
    scf.for %scan3A_17 = %scan3A_3 to %scan3A_5 step %scan3A_6  : i32 {
      "tpu.region"() ({
        %run_scoped3A_73 = tpu.sem_alloc : memref<!tpu.dma_semaphore, #tpu.memory_space<semaphore_mem>>
        %dma_start3A_74 = arith.constant 0 : i32
        %dma_start3A_75 = arith.constant 0 : i32
        %dma_start3A_76 = tpu.memref_slice %arg3[%arg0, %arg1, %scan3A_17, %dma_start3A_74, %dma_start3A_75] : memref<2x16x4x40x125xi32, #tpu.memory_space<hbm>> -> memref<1x1x1x40x125xi32, #tpu.memory_space<hbm>>
        %dma_start3A_77 = tpu.memref_squeeze %dma_start3A_76 : memref<1x1x1x40x125xi32, #tpu.memory_space<hbm>> -> memref<40x125xi32, #tpu.memory_space<hbm>>
        %dma_start3A_78 = arith.constant 0 : i32
        %dma_start3A_79 = arith.constant 0 : i32
        %dma_start3A_80 = tpu.memref_slice %arg3[%arg0, %arg1, %scan3A_17, %dma_start3A_78, %dma_start3A_79] : memref<2x16x4x40x125xi32, #tpu.memory_space<hbm>> -> memref<1x1x1x40x125xi32, #tpu.memory_space<hbm>>
        %dma_start3A_81 = tpu.memref_squeeze %dma_start3A_80 : memref<1x1x1x40x125xi32, #tpu.memory_space<hbm>> -> memref<40x125xi32, #tpu.memory_space<hbm>>
        tpu.enqueue_dma source(%dma_start3A_81 : memref<40x125xi32, #tpu.memory_space<hbm>>) target(%arg7 : memref<40x125xi32, #tpu.memory_space<vmem>>) target_semaphore(%run_scoped3A_73 : memref<!tpu.dma_semaphore, #tpu.memory_space<semaphore_mem>>)
        %dma_wait3A_82 = arith.constant 0 : i32
        %dma_wait3A_83 = arith.constant 0 : i32
        %dma_wait3A_84 = tpu.memref_slice %arg3[%arg0, %arg1, %scan3A_17, %dma_wait3A_82, %dma_wait3A_83] : memref<2x16x4x40x125xi32, #tpu.memory_space<hbm>> -> memref<1x1x1x40x125xi32, #tpu.memory_space<hbm>>
        %dma_wait3A_85 = tpu.memref_squeeze %dma_wait3A_84 : memref<1x1x1x40x125xi32, #tpu.memory_space<hbm>> -> memref<40x125xi32, #tpu.memory_space<hbm>>
        %dma_wait3A_86 = arith.constant 0 : i32
        %dma_wait3A_87 = arith.constant 0 : i32
        %dma_wait3A_88 = tpu.memref_slice %arg3[%arg0, %arg1, %scan3A_17, %dma_wait3A_86, %dma_wait3A_87] : memref<2x16x4x40x125xi32, #tpu.memory_space<hbm>> -> memref<1x1x1x40x125xi32, #tpu.memory_space<hbm>>
        %dma_wait3A_89 = tpu.memref_squeeze %dma_wait3A_88 : memref<1x1x1x40x125xi32, #tpu.memory_space<hbm>> -> memref<40x125xi32, #tpu.memory_space<hbm>>
        tpu.wait_dma2 semaphore(%run_scoped3A_73 : memref<!tpu.dma_semaphore, #tpu.memory_space<semaphore_mem>>) src(%dma_wait3A_89 : memref<40x125xi32, #tpu.memory_space<hbm>>) dst(%arg7 : memref<40x125xi32, #tpu.memory_space<vmem>>)
        tpu.yield
      }) : () -> ()
      "tpu.region"() ({
        %run_scoped3A_73 = tpu.sem_alloc : memref<!tpu.dma_semaphore, #tpu.memory_space<semaphore_mem>>
        %dma_start3A_74 = arith.constant 0 : i32
        %dma_start3A_75 = arith.constant 0 : i32
        %dma_start3A_76 = tpu.memref_slice %arg4[%arg1, %scan3A_17, %dma_start3A_74, %dma_start3A_75] : memref<16x4x40x125xi32, #tpu.memory_space<hbm>> -> memref<1x1x40x125xi32, #tpu.memory_space<hbm>>
        %dma_start3A_77 = tpu.memref_squeeze %dma_start3A_76 : memref<1x1x40x125xi32, #tpu.memory_space<hbm>> -> memref<40x125xi32, #tpu.memory_space<hbm>>
        %dma_start3A_78 = arith.constant 0 : i32
        %dma_start3A_79 = arith.constant 0 : i32
        %dma_start3A_80 = tpu.memref_slice %arg4[%arg1, %scan3A_17, %dma_start3A_78, %dma_start3A_79] : memref<16x4x40x125xi32, #tpu.memory_space<hbm>> -> memref<1x1x40x125xi32, #tpu.memory_space<hbm>>
        %dma_start3A_81 = tpu.memref_squeeze %dma_start3A_80 : memref<1x1x40x125xi32, #tpu.memory_space<hbm>> -> memref<40x125xi32, #tpu.memory_space<hbm>>
        tpu.enqueue_dma source(%dma_start3A_81 : memref<40x125xi32, #tpu.memory_space<hbm>>) target(%arg8 : memref<40x125xi32, #tpu.memory_space<vmem>>) target_semaphore(%run_scoped3A_73 : memref<!tpu.dma_semaphore, #tpu.memory_space<semaphore_mem>>)
        %dma_wait3A_82 = arith.constant 0 : i32
        %dma_wait3A_83 = arith.constant 0 : i32
        %dma_wait3A_84 = tpu.memref_slice %arg4[%arg1, %scan3A_17, %dma_wait3A_82, %dma_wait3A_83] : memref<16x4x40x125xi32, #tpu.memory_space<hbm>> -> memref<1x1x40x125xi32, #tpu.memory_space<hbm>>
        %dma_wait3A_85 = tpu.memref_squeeze %dma_wait3A_84 : memref<1x1x40x125xi32, #tpu.memory_space<hbm>> -> memref<40x125xi32, #tpu.memory_space<hbm>>
        %dma_wait3A_86 = arith.constant 0 : i32
        %dma_wait3A_87 = arith.constant 0 : i32
        %dma_wait3A_88 = tpu.memref_slice %arg4[%arg1, %scan3A_17, %dma_wait3A_86, %dma_wait3A_87] : memref<16x4x40x125xi32, #tpu.memory_space<hbm>> -> memref<1x1x40x125xi32, #tpu.memory_space<hbm>>
        %dma_wait3A_89 = tpu.memref_squeeze %dma_wait3A_88 : memref<1x1x40x125xi32, #tpu.memory_space<hbm>> -> memref<40x125xi32, #tpu.memory_space<hbm>>
        tpu.wait_dma2 semaphore(%run_scoped3A_73 : memref<!tpu.dma_semaphore, #tpu.memory_space<semaphore_mem>>) src(%dma_wait3A_89 : memref<40x125xi32, #tpu.memory_space<hbm>>) dst(%arg8 : memref<40x125xi32, #tpu.memory_space<vmem>>)
        tpu.yield
      }) : () -> ()
      %dma_start3A = arith.constant 0 : i32
      %dma_start3A_18 = arith.constant 0 : i32
      %dma_start3A_19 = arith.constant 0 : i32
      %dma_start3A_20 = arith.constant 0 : i32
      %dma_start3A_21 = tpu.memref_slice %arg9[%dma_start3A_18, %dma_start3A_19, %dma_start3A_20] : memref<2x125x128xf32, #tpu.memory_space<vmem>> -> memref<1x125x128xf32, #tpu.memory_space<vmem>>
      %dma_start3A_22 = tpu.memref_squeeze %dma_start3A_21 : memref<1x125x128xf32, #tpu.memory_space<vmem>> -> memref<125x128xf32, #tpu.memory_space<vmem>>
      %dma_start3A_23 = arith.constant 0 : i32
      %dma_start3A_24 = tpu.memref_slice %arg7[%dma_start3A, %dma_start3A_23] : memref<40x125xi32, #tpu.memory_space<vmem>> -> memref<1x125xi32, #tpu.memory_space<vmem>>
      %dma_start3A_25 = tpu.memref_squeeze %dma_start3A_24 : memref<1x125xi32, #tpu.memory_space<vmem>> -> memref<125xi32, #tpu.memory_space<vmem>>
      %dma_start3A_26 = arith.constant 0 : i32
      %dma_start3A_27 = arith.constant 0 : i32
      %dma_start3A_28 = tpu.memref_slice %arg2[%dma_start3A_26, %dma_start3A_27] : memref<20000x128xf32, #tpu.memory_space<hbm>> -> memref<20000x128xf32, #tpu.memory_space<hbm>>
      tpu.enqueue_indirect_dma source(%dma_start3A_28 : memref<20000x128xf32, #tpu.memory_space<hbm>>) target(%dma_start3A_22 : memref<125x128xf32, #tpu.memory_space<vmem>>) offsets(%dma_start3A_25 : memref<125xi32, #tpu.memory_space<vmem>>) semaphore(%arg10 : memref<!tpu.dma_semaphore, #tpu.memory_space<semaphore_mem>>)
      %dma_start3A_29 = arith.constant 1 : i32
      %dma_start3A_30 = arith.constant 1 : i32
      %dma_start3A_31 = arith.constant 0 : i32
      %dma_start3A_32 = arith.constant 0 : i32
      %dma_start3A_33 = tpu.memref_slice %arg9[%dma_start3A_30, %dma_start3A_31, %dma_start3A_32] : memref<2x125x128xf32, #tpu.memory_space<vmem>> -> memref<1x125x128xf32, #tpu.memory_space<vmem>>
      %dma_start3A_34 = tpu.memref_squeeze %dma_start3A_33 : memref<1x125x128xf32, #tpu.memory_space<vmem>> -> memref<125x128xf32, #tpu.memory_space<vmem>>
      %dma_start3A_35 = arith.constant 0 : i32
      %dma_start3A_36 = tpu.memref_slice %arg7[%dma_start3A_29, %dma_start3A_35] : memref<40x125xi32, #tpu.memory_space<vmem>> -> memref<1x125xi32, #tpu.memory_space<vmem>>
      %dma_start3A_37 = tpu.memref_squeeze %dma_start3A_36 : memref<1x125xi32, #tpu.memory_space<vmem>> -> memref<125xi32, #tpu.memory_space<vmem>>
      %dma_start3A_38 = arith.constant 0 : i32
      %dma_start3A_39 = arith.constant 0 : i32
      %dma_start3A_40 = tpu.memref_slice %arg2[%dma_start3A_38, %dma_start3A_39] : memref<20000x128xf32, #tpu.memory_space<hbm>> -> memref<20000x128xf32, #tpu.memory_space<hbm>>
      tpu.enqueue_indirect_dma source(%dma_start3A_40 : memref<20000x128xf32, #tpu.memory_space<hbm>>) target(%dma_start3A_34 : memref<125x128xf32, #tpu.memory_space<vmem>>) offsets(%dma_start3A_37 : memref<125xi32, #tpu.memory_space<vmem>>) semaphore(%arg11 : memref<!tpu.dma_semaphore, #tpu.memory_space<semaphore_mem>>)
      %scan3A_41 = arith.constant 0 : i32
      %scan3A_42 = arith.constant 0 : i32
      %scan3A_43 = arith.constant 19 : i32
      %scan3A_44 = arith.addi %scan3A_42, %scan3A_43 : i32
      %scan3A_45 = arith.constant 1 : i32
      scf.for %scan3A_73 = %scan3A_42 to %scan3A_44 step %scan3A_45  : i32 {
        %mul3A_74 = arith.constant 2 : i32
        %mul3A_75 = arith.muli %mul3A_74, %scan3A_73 : i32
        %add3A_76 = arith.constant 0 : i32
        %add3A_77 = arith.addi %mul3A_75, %add3A_76 : i32
        %dma_wait3A_78 = arith.constant 0 : i32
        %dma_wait3A_79 = arith.constant 0 : i32
        %dma_wait3A_80 = arith.constant 0 : i32
        %dma_wait3A_81 = tpu.memref_slice %arg9[%dma_wait3A_78, %dma_wait3A_79, %dma_wait3A_80] : memref<2x125x128xf32, #tpu.memory_space<vmem>> -> memref<1x125x128xf32, #tpu.memory_space<vmem>>
        %dma_wait3A_82 = tpu.memref_squeeze %dma_wait3A_81 : memref<1x125x128xf32, #tpu.memory_space<vmem>> -> memref<125x128xf32, #tpu.memory_space<vmem>>
        %dma_wait3A_83 = arith.constant 0 : i32
        %dma_wait3A_84 = tpu.memref_slice %arg7[%add3A_77, %dma_wait3A_83] : memref<40x125xi32, #tpu.memory_space<vmem>> -> memref<1x125xi32, #tpu.memory_space<vmem>>
        %dma_wait3A_85 = tpu.memref_squeeze %dma_wait3A_84 : memref<1x125xi32, #tpu.memory_space<vmem>> -> memref<125xi32, #tpu.memory_space<vmem>>
        %dma_wait3A_86 = arith.constant 0 : i32
        %dma_wait3A_87 = arith.constant 0 : i32
        %dma_wait3A_88 = tpu.memref_slice %arg2[%dma_wait3A_86, %dma_wait3A_87] : memref<20000x128xf32, #tpu.memory_space<hbm>> -> memref<20000x128xf32, #tpu.memory_space<hbm>>
        tpu.wait_indirect_dma semaphore(%arg10 : memref<!tpu.dma_semaphore, #tpu.memory_space<semaphore_mem>>) src(%dma_wait3A_88 : memref<20000x128xf32, #tpu.memory_space<hbm>>) dst(%dma_wait3A_82 : memref<125x128xf32, #tpu.memory_space<vmem>>)
        %run_scoped3A_89 = arith.constant 0 : i32
        "tpu.region"() ({
          %run_scoped3A_130 = tpu.sem_alloc : memref<!tpu.dma_semaphore, #tpu.memory_space<semaphore_mem>>
          %dma_start3A_131 = arith.constant 0 : i32
          %dma_start3A_132 = arith.constant 0 : i32
          %dma_start3A_133 = tpu.memref_slice %arg9[%run_scoped3A_89, %dma_start3A_131, %dma_start3A_132] : memref<2x125x128xf32, #tpu.memory_space<vmem>> -> memref<1x125x128xf32, #tpu.memory_space<vmem>>
          %dma_start3A_134 = tpu.memref_squeeze %dma_start3A_133 : memref<1x125x128xf32, #tpu.memory_space<vmem>> -> memref<125x128xf32, #tpu.memory_space<vmem>>
          %dma_start3A_135 = arith.constant 0 : i32
          %dma_start3A_136 = tpu.memref_slice %arg8[%add3A_77, %dma_start3A_135] : memref<40x125xi32, #tpu.memory_space<vmem>> -> memref<1x125xi32, #tpu.memory_space<vmem>>
          %dma_start3A_137 = tpu.memref_squeeze %dma_start3A_136 : memref<1x125xi32, #tpu.memory_space<vmem>> -> memref<125xi32, #tpu.memory_space<vmem>>
          %dma_start3A_138 = arith.constant 0 : i32
          %dma_start3A_139 = arith.constant 0 : i32
          %dma_start3A_140 = tpu.memref_slice %arg12[%dma_start3A_138, %dma_start3A_139] : memref<10000x128xf32, #tpu.memory_space<vmem_shared>> -> memref<10000x128xf32, #tpu.memory_space<vmem_shared>>
          tpu.enqueue_indirect_dma source(%dma_start3A_134 : memref<125x128xf32, #tpu.memory_space<vmem>>) target(%dma_start3A_140 : memref<10000x128xf32, #tpu.memory_space<vmem_shared>>) offsets(%dma_start3A_137 : memref<125xi32, #tpu.memory_space<vmem>>) semaphore(%run_scoped3A_130 : memref<!tpu.dma_semaphore, #tpu.memory_space<semaphore_mem>>) {add = true}
          %dma_wait3A_141 = arith.constant 0 : i32
          %dma_wait3A_142 = arith.constant 0 : i32
          %dma_wait3A_143 = tpu.memref_slice %arg9[%run_scoped3A_89, %dma_wait3A_141, %dma_wait3A_142] : memref<2x125x128xf32, #tpu.memory_space<vmem>> -> memref<1x125x128xf32, #tpu.memory_space<vmem>>
          %dma_wait3A_144 = tpu.memref_squeeze %dma_wait3A_143 : memref<1x125x128xf32, #tpu.memory_space<vmem>> -> memref<125x128xf32, #tpu.memory_space<vmem>>
          %dma_wait3A_145 = arith.constant 0 : i32
          %dma_wait3A_146 = tpu.memref_slice %arg8[%add3A_77, %dma_wait3A_145] : memref<40x125xi32, #tpu.memory_space<vmem>> -> memref<1x125xi32, #tpu.memory_space<vmem>>
          %dma_wait3A_147 = tpu.memref_squeeze %dma_wait3A_146 : memref<1x125xi32, #tpu.memory_space<vmem>> -> memref<125xi32, #tpu.memory_space<vmem>>
          %dma_wait3A_148 = arith.constant 0 : i32
          %dma_wait3A_149 = arith.constant 0 : i32
          %dma_wait3A_150 = tpu.memref_slice %arg12[%dma_wait3A_148, %dma_wait3A_149] : memref<10000x128xf32, #tpu.memory_space<vmem_shared>> -> memref<10000x128xf32, #tpu.memory_space<vmem_shared>>
          tpu.wait_indirect_dma semaphore(%run_scoped3A_130 : memref<!tpu.dma_semaphore, #tpu.memory_space<semaphore_mem>>) src(%dma_wait3A_144 : memref<125x128xf32, #tpu.memory_space<vmem>>) dst(%dma_wait3A_150 : memref<10000x128xf32, #tpu.memory_space<vmem_shared>>)
          tpu.yield
        }) : () -> ()
        %add3A_90 = arith.constant 2 : i32
        %add3A_91 = arith.addi %add3A_77, %add3A_90 : i32
        %dma_start3A_92 = arith.constant 0 : i32
        %dma_start3A_93 = arith.constant 0 : i32
        %dma_start3A_94 = arith.constant 0 : i32
        %dma_start3A_95 = tpu.memref_slice %arg9[%dma_start3A_92, %dma_start3A_93, %dma_start3A_94] : memref<2x125x128xf32, #tpu.memory_space<vmem>> -> memref<1x125x128xf32, #tpu.memory_space<vmem>>
        %dma_start3A_96 = tpu.memref_squeeze %dma_start3A_95 : memref<1x125x128xf32, #tpu.memory_space<vmem>> -> memref<125x128xf32, #tpu.memory_space<vmem>>
        %dma_start3A_97 = arith.constant 0 : i32
        %dma_start3A_98 = tpu.memref_slice %arg7[%add3A_91, %dma_start3A_97] : memref<40x125xi32, #tpu.memory_space<vmem>> -> memref<1x125xi32, #tpu.memory_space<vmem>>
        %dma_start3A_99 = tpu.memref_squeeze %dma_start3A_98 : memref<1x125xi32, #tpu.memory_space<vmem>> -> memref<125xi32, #tpu.memory_space<vmem>>
        %dma_start3A_100 = arith.constant 0 : i32
        %dma_start3A_101 = arith.constant 0 : i32
        %dma_start3A_102 = tpu.memref_slice %arg2[%dma_start3A_100, %dma_start3A_101] : memref<20000x128xf32, #tpu.memory_space<hbm>> -> memref<20000x128xf32, #tpu.memory_space<hbm>>
        tpu.enqueue_indirect_dma source(%dma_start3A_102 : memref<20000x128xf32, #tpu.memory_space<hbm>>) target(%dma_start3A_96 : memref<125x128xf32, #tpu.memory_space<vmem>>) offsets(%dma_start3A_99 : memref<125xi32, #tpu.memory_space<vmem>>) semaphore(%arg10 : memref<!tpu.dma_semaphore, #tpu.memory_space<semaphore_mem>>)
        %add3A_103 = arith.constant 1 : i32
        %add3A_104 = arith.addi %mul3A_75, %add3A_103 : i32
        %dma_wait3A_105 = arith.constant 1 : i32
        %dma_wait3A_106 = arith.constant 0 : i32
        %dma_wait3A_107 = arith.constant 0 : i32
        %dma_wait3A_108 = tpu.memref_slice %arg9[%dma_wait3A_105, %dma_wait3A_106, %dma_wait3A_107] : memref<2x125x128xf32, #tpu.memory_space<vmem>> -> memref<1x125x128xf32, #tpu.memory_space<vmem>>
        %dma_wait3A_109 = tpu.memref_squeeze %dma_wait3A_108 : memref<1x125x128xf32, #tpu.memory_space<vmem>> -> memref<125x128xf32, #tpu.memory_space<vmem>>
        %dma_wait3A_110 = arith.constant 0 : i32
        %dma_wait3A_111 = tpu.memref_slice %arg7[%add3A_104, %dma_wait3A_110] : memref<40x125xi32, #tpu.memory_space<vmem>> -> memref<1x125xi32, #tpu.memory_space<vmem>>
        %dma_wait3A_112 = tpu.memref_squeeze %dma_wait3A_111 : memref<1x125xi32, #tpu.memory_space<vmem>> -> memref<125xi32, #tpu.memory_space<vmem>>
        %dma_wait3A_113 = arith.constant 0 : i32
        %dma_wait3A_114 = arith.constant 0 : i32
        %dma_wait3A_115 = tpu.memref_slice %arg2[%dma_wait3A_113, %dma_wait3A_114] : memref<20000x128xf32, #tpu.memory_space<hbm>> -> memref<20000x128xf32, #tpu.memory_space<hbm>>
        tpu.wait_indirect_dma semaphore(%arg11 : memref<!tpu.dma_semaphore, #tpu.memory_space<semaphore_mem>>) src(%dma_wait3A_115 : memref<20000x128xf32, #tpu.memory_space<hbm>>) dst(%dma_wait3A_109 : memref<125x128xf32, #tpu.memory_space<vmem>>)
        %run_scoped3A_116 = arith.constant 1 : i32
        "tpu.region"() ({
          %run_scoped3A_130 = tpu.sem_alloc : memref<!tpu.dma_semaphore, #tpu.memory_space<semaphore_mem>>
          %dma_start3A_131 = arith.constant 0 : i32
          %dma_start3A_132 = arith.constant 0 : i32
          %dma_start3A_133 = tpu.memref_slice %arg9[%run_scoped3A_116, %dma_start3A_131, %dma_start3A_132] : memref<2x125x128xf32, #tpu.memory_space<vmem>> -> memref<1x125x128xf32, #tpu.memory_space<vmem>>
          %dma_start3A_134 = tpu.memref_squeeze %dma_start3A_133 : memref<1x125x128xf32, #tpu.memory_space<vmem>> -> memref<125x128xf32, #tpu.memory_space<vmem>>
          %dma_start3A_135 = arith.constant 0 : i32
          %dma_start3A_136 = tpu.memref_slice %arg8[%add3A_104, %dma_start3A_135] : memref<40x125xi32, #tpu.memory_space<vmem>> -> memref<1x125xi32, #tpu.memory_space<vmem>>
          %dma_start3A_137 = tpu.memref_squeeze %dma_start3A_136 : memref<1x125xi32, #tpu.memory_space<vmem>> -> memref<125xi32, #tpu.memory_space<vmem>>
          %dma_start3A_138 = arith.constant 0 : i32
          %dma_start3A_139 = arith.constant 0 : i32
          %dma_start3A_140 = tpu.memref_slice %arg12[%dma_start3A_138, %dma_start3A_139] : memref<10000x128xf32, #tpu.memory_space<vmem_shared>> -> memref<10000x128xf32, #tpu.memory_space<vmem_shared>>
          tpu.enqueue_indirect_dma source(%dma_start3A_134 : memref<125x128xf32, #tpu.memory_space<vmem>>) target(%dma_start3A_140 : memref<10000x128xf32, #tpu.memory_space<vmem_shared>>) offsets(%dma_start3A_137 : memref<125xi32, #tpu.memory_space<vmem>>) semaphore(%run_scoped3A_130 : memref<!tpu.dma_semaphore, #tpu.memory_space<semaphore_mem>>) {add = true}
          %dma_wait3A_141 = arith.constant 0 : i32
          %dma_wait3A_142 = arith.constant 0 : i32
          %dma_wait3A_143 = tpu.memref_slice %arg9[%run_scoped3A_116, %dma_wait3A_141, %dma_wait3A_142] : memref<2x125x128xf32, #tpu.memory_space<vmem>> -> memref<1x125x128xf32, #tpu.memory_space<vmem>>
          %dma_wait3A_144 = tpu.memref_squeeze %dma_wait3A_143 : memref<1x125x128xf32, #tpu.memory_space<vmem>> -> memref<125x128xf32, #tpu.memory_space<vmem>>
          %dma_wait3A_145 = arith.constant 0 : i32
          %dma_wait3A_146 = tpu.memref_slice %arg8[%add3A_104, %dma_wait3A_145] : memref<40x125xi32, #tpu.memory_space<vmem>> -> memref<1x125xi32, #tpu.memory_space<vmem>>
          %dma_wait3A_147 = tpu.memref_squeeze %dma_wait3A_146 : memref<1x125xi32, #tpu.memory_space<vmem>> -> memref<125xi32, #tpu.memory_space<vmem>>
          %dma_wait3A_148 = arith.constant 0 : i32
          %dma_wait3A_149 = arith.constant 0 : i32
          %dma_wait3A_150 = tpu.memref_slice %arg12[%dma_wait3A_148, %dma_wait3A_149] : memref<10000x128xf32, #tpu.memory_space<vmem_shared>> -> memref<10000x128xf32, #tpu.memory_space<vmem_shared>>
          tpu.wait_indirect_dma semaphore(%run_scoped3A_130 : memref<!tpu.dma_semaphore, #tpu.memory_space<semaphore_mem>>) src(%dma_wait3A_144 : memref<125x128xf32, #tpu.memory_space<vmem>>) dst(%dma_wait3A_150 : memref<10000x128xf32, #tpu.memory_space<vmem_shared>>)
          tpu.yield
        }) : () -> ()
        %add3A_117 = arith.constant 2 : i32
        %add3A_118 = arith.addi %add3A_104, %add3A_117 : i32
        %dma_start3A_119 = arith.constant 1 : i32
        %dma_start3A_120 = arith.constant 0 : i32
        %dma_start3A_121 = arith.constant 0 : i32
        %dma_start3A_122 = tpu.memref_slice %arg9[%dma_start3A_119, %dma_start3A_120, %dma_start3A_121] : memref<2x125x128xf32, #tpu.memory_space<vmem>> -> memref<1x125x128xf32, #tpu.memory_space<vmem>>
        %dma_start3A_123 = tpu.memref_squeeze %dma_start3A_122 : memref<1x125x128xf32, #tpu.memory_space<vmem>> -> memref<125x128xf32, #tpu.memory_space<vmem>>
        %dma_start3A_124 = arith.constant 0 : i32
        %dma_start3A_125 = tpu.memref_slice %arg7[%add3A_118, %dma_start3A_124] : memref<40x125xi32, #tpu.memory_space<vmem>> -> memref<1x125xi32, #tpu.memory_space<vmem>>
        %dma_start3A_126 = tpu.memref_squeeze %dma_start3A_125 : memref<1x125xi32, #tpu.memory_space<vmem>> -> memref<125xi32, #tpu.memory_space<vmem>>
        %dma_start3A_127 = arith.constant 0 : i32
        %dma_start3A_128 = arith.constant 0 : i32
        %dma_start3A_129 = tpu.memref_slice %arg2[%dma_start3A_127, %dma_start3A_128] : memref<20000x128xf32, #tpu.memory_space<hbm>> -> memref<20000x128xf32, #tpu.memory_space<hbm>>
        tpu.enqueue_indirect_dma source(%dma_start3A_129 : memref<20000x128xf32, #tpu.memory_space<hbm>>) target(%dma_start3A_123 : memref<125x128xf32, #tpu.memory_space<vmem>>) offsets(%dma_start3A_126 : memref<125xi32, #tpu.memory_space<vmem>>) semaphore(%arg11 : memref<!tpu.dma_semaphore, #tpu.memory_space<semaphore_mem>>)
      }
      %scan3A_46 = arith.constant 19 : i32
      %dma_wait3A = arith.constant 38 : i32
      %dma_wait3A_47 = arith.constant 0 : i32
      %dma_wait3A_48 = arith.constant 0 : i32
      %dma_wait3A_49 = arith.constant 0 : i32
      %dma_wait3A_50 = tpu.memref_slice %arg9[%dma_wait3A_47, %dma_wait3A_48, %dma_wait3A_49] : memref<2x125x128xf32, #tpu.memory_space<vmem>> -> memref<1x125x128xf32, #tpu.memory_space<vmem>>
      %dma_wait3A_51 = tpu.memref_squeeze %dma_wait3A_50 : memref<1x125x128xf32, #tpu.memory_space<vmem>> -> memref<125x128xf32, #tpu.memory_space<vmem>>
      %dma_wait3A_52 = arith.constant 0 : i32
      %dma_wait3A_53 = tpu.memref_slice %arg7[%dma_wait3A, %dma_wait3A_52] : memref<40x125xi32, #tpu.memory_space<vmem>> -> memref<1x125xi32, #tpu.memory_space<vmem>>
      %dma_wait3A_54 = tpu.memref_squeeze %dma_wait3A_53 : memref<1x125xi32, #tpu.memory_space<vmem>> -> memref<125xi32, #tpu.memory_space<vmem>>
      %dma_wait3A_55 = arith.constant 0 : i32
      %dma_wait3A_56 = arith.constant 0 : i32
      %dma_wait3A_57 = tpu.memref_slice %arg2[%dma_wait3A_55, %dma_wait3A_56] : memref<20000x128xf32, #tpu.memory_space<hbm>> -> memref<20000x128xf32, #tpu.memory_space<hbm>>
      tpu.wait_indirect_dma semaphore(%arg10 : memref<!tpu.dma_semaphore, #tpu.memory_space<semaphore_mem>>) src(%dma_wait3A_57 : memref<20000x128xf32, #tpu.memory_space<hbm>>) dst(%dma_wait3A_51 : memref<125x128xf32, #tpu.memory_space<vmem>>)
      %run_scoped3A = arith.constant 0 : i32
      %run_scoped3A_58 = arith.constant 38 : i32
      "tpu.region"() ({
        %run_scoped3A_73 = tpu.sem_alloc : memref<!tpu.dma_semaphore, #tpu.memory_space<semaphore_mem>>
        %dma_start3A_74 = arith.constant 0 : i32
        %dma_start3A_75 = arith.constant 0 : i32
        %dma_start3A_76 = tpu.memref_slice %arg9[%run_scoped3A, %dma_start3A_74, %dma_start3A_75] : memref<2x125x128xf32, #tpu.memory_space<vmem>> -> memref<1x125x128xf32, #tpu.memory_space<vmem>>
        %dma_start3A_77 = tpu.memref_squeeze %dma_start3A_76 : memref<1x125x128xf32, #tpu.memory_space<vmem>> -> memref<125x128xf32, #tpu.memory_space<vmem>>
        %dma_start3A_78 = arith.constant 0 : i32
        %dma_start3A_79 = tpu.memref_slice %arg8[%run_scoped3A_58, %dma_start3A_78] : memref<40x125xi32, #tpu.memory_space<vmem>> -> memref<1x125xi32, #tpu.memory_space<vmem>>
        %dma_start3A_80 = tpu.memref_squeeze %dma_start3A_79 : memref<1x125xi32, #tpu.memory_space<vmem>> -> memref<125xi32, #tpu.memory_space<vmem>>
        %dma_start3A_81 = arith.constant 0 : i32
        %dma_start3A_82 = arith.constant 0 : i32
        %dma_start3A_83 = tpu.memref_slice %arg12[%dma_start3A_81, %dma_start3A_82] : memref<10000x128xf32, #tpu.memory_space<vmem_shared>> -> memref<10000x128xf32, #tpu.memory_space<vmem_shared>>
        tpu.enqueue_indirect_dma source(%dma_start3A_77 : memref<125x128xf32, #tpu.memory_space<vmem>>) target(%dma_start3A_83 : memref<10000x128xf32, #tpu.memory_space<vmem_shared>>) offsets(%dma_start3A_80 : memref<125xi32, #tpu.memory_space<vmem>>) semaphore(%run_scoped3A_73 : memref<!tpu.dma_semaphore, #tpu.memory_space<semaphore_mem>>) {add = true}
        %dma_wait3A_84 = arith.constant 0 : i32
        %dma_wait3A_85 = arith.constant 0 : i32
        %dma_wait3A_86 = tpu.memref_slice %arg9[%run_scoped3A, %dma_wait3A_84, %dma_wait3A_85] : memref<2x125x128xf32, #tpu.memory_space<vmem>> -> memref<1x125x128xf32, #tpu.memory_space<vmem>>
        %dma_wait3A_87 = tpu.memref_squeeze %dma_wait3A_86 : memref<1x125x128xf32, #tpu.memory_space<vmem>> -> memref<125x128xf32, #tpu.memory_space<vmem>>
        %dma_wait3A_88 = arith.constant 0 : i32
        %dma_wait3A_89 = tpu.memref_slice %arg8[%run_scoped3A_58, %dma_wait3A_88] : memref<40x125xi32, #tpu.memory_space<vmem>> -> memref<1x125xi32, #tpu.memory_space<vmem>>
        %dma_wait3A_90 = tpu.memref_squeeze %dma_wait3A_89 : memref<1x125xi32, #tpu.memory_space<vmem>> -> memref<125xi32, #tpu.memory_space<vmem>>
        %dma_wait3A_91 = arith.constant 0 : i32
        %dma_wait3A_92 = arith.constant 0 : i32
        %dma_wait3A_93 = tpu.memref_slice %arg12[%dma_wait3A_91, %dma_wait3A_92] : memref<10000x128xf32, #tpu.memory_space<vmem_shared>> -> memref<10000x128xf32, #tpu.memory_space<vmem_shared>>
        tpu.wait_indirect_dma semaphore(%run_scoped3A_73 : memref<!tpu.dma_semaphore, #tpu.memory_space<semaphore_mem>>) src(%dma_wait3A_87 : memref<125x128xf32, #tpu.memory_space<vmem>>) dst(%dma_wait3A_93 : memref<10000x128xf32, #tpu.memory_space<vmem_shared>>)
        tpu.yield
      }) : () -> ()
      %dma_wait3A_59 = arith.constant 39 : i32
      %dma_wait3A_60 = arith.constant 1 : i32
      %dma_wait3A_61 = arith.constant 0 : i32
      %dma_wait3A_62 = arith.constant 0 : i32
      %dma_wait3A_63 = tpu.memref_slice %arg9[%dma_wait3A_60, %dma_wait3A_61, %dma_wait3A_62] : memref<2x125x128xf32, #tpu.memory_space<vmem>> -> memref<1x125x128xf32, #tpu.memory_space<vmem>>
      %dma_wait3A_64 = tpu.memref_squeeze %dma_wait3A_63 : memref<1x125x128xf32, #tpu.memory_space<vmem>> -> memref<125x128xf32, #tpu.memory_space<vmem>>
      %dma_wait3A_65 = arith.constant 0 : i32
      %dma_wait3A_66 = tpu.memref_slice %arg7[%dma_wait3A_59, %dma_wait3A_65] : memref<40x125xi32, #tpu.memory_space<vmem>> -> memref<1x125xi32, #tpu.memory_space<vmem>>
      %dma_wait3A_67 = tpu.memref_squeeze %dma_wait3A_66 : memref<1x125xi32, #tpu.memory_space<vmem>> -> memref<125xi32, #tpu.memory_space<vmem>>
      %dma_wait3A_68 = arith.constant 0 : i32
      %dma_wait3A_69 = arith.constant 0 : i32
      %dma_wait3A_70 = tpu.memref_slice %arg2[%dma_wait3A_68, %dma_wait3A_69] : memref<20000x128xf32, #tpu.memory_space<hbm>> -> memref<20000x128xf32, #tpu.memory_space<hbm>>
      tpu.wait_indirect_dma semaphore(%arg11 : memref<!tpu.dma_semaphore, #tpu.memory_space<semaphore_mem>>) src(%dma_wait3A_70 : memref<20000x128xf32, #tpu.memory_space<hbm>>) dst(%dma_wait3A_64 : memref<125x128xf32, #tpu.memory_space<vmem>>)
      %run_scoped3A_71 = arith.constant 1 : i32
      %run_scoped3A_72 = arith.constant 39 : i32
      "tpu.region"() ({
        %run_scoped3A_73 = tpu.sem_alloc : memref<!tpu.dma_semaphore, #tpu.memory_space<semaphore_mem>>
        %dma_start3A_74 = arith.constant 0 : i32
        %dma_start3A_75 = arith.constant 0 : i32
        %dma_start3A_76 = tpu.memref_slice %arg9[%run_scoped3A_71, %dma_start3A_74, %dma_start3A_75] : memref<2x125x128xf32, #tpu.memory_space<vmem>> -> memref<1x125x128xf32, #tpu.memory_space<vmem>>
        %dma_start3A_77 = tpu.memref_squeeze %dma_start3A_76 : memref<1x125x128xf32, #tpu.memory_space<vmem>> -> memref<125x128xf32, #tpu.memory_space<vmem>>
        %dma_start3A_78 = arith.constant 0 : i32
        %dma_start3A_79 = tpu.memref_slice %arg8[%run_scoped3A_72, %dma_start3A_78] : memref<40x125xi32, #tpu.memory_space<vmem>> -> memref<1x125xi32, #tpu.memory_space<vmem>>
        %dma_start3A_80 = tpu.memref_squeeze %dma_start3A_79 : memref<1x125xi32, #tpu.memory_space<vmem>> -> memref<125xi32, #tpu.memory_space<vmem>>
        %dma_start3A_81 = arith.constant 0 : i32
        %dma_start3A_82 = arith.constant 0 : i32
        %dma_start3A_83 = tpu.memref_slice %arg12[%dma_start3A_81, %dma_start3A_82] : memref<10000x128xf32, #tpu.memory_space<vmem_shared>> -> memref<10000x128xf32, #tpu.memory_space<vmem_shared>>
        tpu.enqueue_indirect_dma source(%dma_start3A_77 : memref<125x128xf32, #tpu.memory_space<vmem>>) target(%dma_start3A_83 : memref<10000x128xf32, #tpu.memory_space<vmem_shared>>) offsets(%dma_start3A_80 : memref<125xi32, #tpu.memory_space<vmem>>) semaphore(%run_scoped3A_73 : memref<!tpu.dma_semaphore, #tpu.memory_space<semaphore_mem>>) {add = true}
        %dma_wait3A_84 = arith.constant 0 : i32
        %dma_wait3A_85 = arith.constant 0 : i32
        %dma_wait3A_86 = tpu.memref_slice %arg9[%run_scoped3A_71, %dma_wait3A_84, %dma_wait3A_85] : memref<2x125x128xf32, #tpu.memory_space<vmem>> -> memref<1x125x128xf32, #tpu.memory_space<vmem>>
        %dma_wait3A_87 = tpu.memref_squeeze %dma_wait3A_86 : memref<1x125x128xf32, #tpu.memory_space<vmem>> -> memref<125x128xf32, #tpu.memory_space<vmem>>
        %dma_wait3A_88 = arith.constant 0 : i32
        %dma_wait3A_89 = tpu.memref_slice %arg8[%run_scoped3A_72, %dma_wait3A_88] : memref<40x125xi32, #tpu.memory_space<vmem>> -> memref<1x125xi32, #tpu.memory_space<vmem>>
        %dma_wait3A_90 = tpu.memref_squeeze %dma_wait3A_89 : memref<1x125xi32, #tpu.memory_space<vmem>> -> memref<125xi32, #tpu.memory_space<vmem>>
        %dma_wait3A_91 = arith.constant 0 : i32
        %dma_wait3A_92 = arith.constant 0 : i32
        %dma_wait3A_93 = tpu.memref_slice %arg12[%dma_wait3A_91, %dma_wait3A_92] : memref<10000x128xf32, #tpu.memory_space<vmem_shared>> -> memref<10000x128xf32, #tpu.memory_space<vmem_shared>>
        tpu.wait_indirect_dma semaphore(%run_scoped3A_73 : memref<!tpu.dma_semaphore, #tpu.memory_space<semaphore_mem>>) src(%dma_wait3A_87 : memref<125x128xf32, #tpu.memory_space<vmem>>) dst(%dma_wait3A_93 : memref<10000x128xf32, #tpu.memory_space<vmem_shared>>)
        tpu.yield
      }) : () -> ()
    }
    %scan3A_7 = arith.constant 4 : i32
    %barrier3A_8 = arith.constant 0 : index
    tpu.barrier barrier_id(%barrier3A_8)
    %mul3A_9 = arith.constant 10000 : i32
    %mul3A_10 = arith.muli %arg0, %mul3A_9 : i32
    %add3A = arith.addi %mul3A_10, %multiple_of3A : i32
    %multiple_of3A_11 = tpu.assume_multiple %add3A, 8 : i32
    "tpu.region"() ({
      %run_scoped3A = tpu.sem_alloc : memref<!tpu.dma_semaphore, #tpu.memory_space<semaphore_mem>>
      %dma_start3A = arith.constant 0 : i32
      %dma_start3A_17 = tpu.memref_slice %arg6[%multiple_of3A_11, %dma_start3A] : memref<20000x128xf32, #tpu.memory_space<hbm>> -> memref<624x128xf32, #tpu.memory_space<hbm>>
      %dma_start3A_18 = arith.constant 0 : i32
      %dma_start3A_19 = tpu.memref_slice %arg12[%multiple_of3A, %dma_start3A_18] : memref<10000x128xf32, #tpu.memory_space<vmem_shared>> -> memref<624x128xf32, #tpu.memory_space<vmem_shared>>
      tpu.enqueue_dma source(%dma_start3A_19 : memref<624x128xf32, #tpu.memory_space<vmem_shared>>) target(%dma_start3A_17 : memref<624x128xf32, #tpu.memory_space<hbm>>) target_semaphore(%run_scoped3A : memref<!tpu.dma_semaphore, #tpu.memory_space<semaphore_mem>>)
      %dma_wait3A = arith.constant 0 : i32
      %dma_wait3A_20 = tpu.memref_slice %arg6[%multiple_of3A_11, %dma_wait3A] : memref<20000x128xf32, #tpu.memory_space<hbm>> -> memref<624x128xf32, #tpu.memory_space<hbm>>
      %dma_wait3A_21 = arith.constant 0 : i32
      %dma_wait3A_22 = tpu.memref_slice %arg12[%multiple_of3A, %dma_wait3A_21] : memref<10000x128xf32, #tpu.memory_space<vmem_shared>> -> memref<624x128xf32, #tpu.memory_space<vmem_shared>>
      tpu.wait_dma2 semaphore(%run_scoped3A : memref<!tpu.dma_semaphore, #tpu.memory_space<semaphore_mem>>) src(%dma_wait3A_22 : memref<624x128xf32, #tpu.memory_space<vmem_shared>>) dst(%dma_wait3A_20 : memref<624x128xf32, #tpu.memory_space<hbm>>)
      tpu.yield
    }) : () -> ()
    %eq3A_12 = arith.constant 15 : i32
    %eq3A_13 = arith.cmpi eq, %arg1, %eq3A_12 : i32
    %convert_element_type3A_14 = arith.extui %eq3A_13 : i1 to i32
    %cond3A_15 = arith.constant 0 : i32
    %cond3A_16 = arith.cmpi ne, %convert_element_type3A_14, %cond3A_15 : i32
    scf.if %cond3A_16 {
      %mul3A_17 = arith.constant 10000 : i32
      %mul3A_18 = arith.muli %arg0, %mul3A_17 : i32
      %add3A_19 = arith.constant 9984 : i32
      %add3A_20 = arith.addi %mul3A_18, %add3A_19 : i32
      %multiple_of3A_21 = tpu.assume_multiple %add3A_20, 8 : i32
      "tpu.region"() ({
        %run_scoped3A = tpu.sem_alloc : memref<!tpu.dma_semaphore, #tpu.memory_space<semaphore_mem>>
        %dma_start3A = arith.constant 0 : i32
        %dma_start3A_22 = tpu.memref_slice %arg6[%multiple_of3A_21, %dma_start3A] : memref<20000x128xf32, #tpu.memory_space<hbm>> -> memref<16x128xf32, #tpu.memory_space<hbm>>
        %dma_start3A_23 = arith.constant 9984 : i32
        %dma_start3A_24 = arith.constant 0 : i32
        %dma_start3A_25 = tpu.memref_slice %arg12[%dma_start3A_23, %dma_start3A_24] : memref<10000x128xf32, #tpu.memory_space<vmem_shared>> -> memref<16x128xf32, #tpu.memory_space<vmem_shared>>
        tpu.enqueue_dma source(%dma_start3A_25 : memref<16x128xf32, #tpu.memory_space<vmem_shared>>) target(%dma_start3A_22 : memref<16x128xf32, #tpu.memory_space<hbm>>) target_semaphore(%run_scoped3A : memref<!tpu.dma_semaphore, #tpu.memory_space<semaphore_mem>>)
        %dma_wait3A = arith.constant 0 : i32
        %dma_wait3A_26 = tpu.memref_slice %arg6[%multiple_of3A_21, %dma_wait3A] : memref<20000x128xf32, #tpu.memory_space<hbm>> -> memref<16x128xf32, #tpu.memory_space<hbm>>
        %dma_wait3A_27 = arith.constant 9984 : i32
        %dma_wait3A_28 = arith.constant 0 : i32
        %dma_wait3A_29 = tpu.memref_slice %arg12[%dma_wait3A_27, %dma_wait3A_28] : memref<10000x128xf32, #tpu.memory_space<vmem_shared>> -> memref<16x128xf32, #tpu.memory_space<vmem_shared>>
        tpu.wait_dma2 semaphore(%run_scoped3A : memref<!tpu.dma_semaphore, #tpu.memory_space<semaphore_mem>>) src(%dma_wait3A_29 : memref<16x128xf32, #tpu.memory_space<vmem_shared>>) dst(%dma_wait3A_26 : memref<16x128xf32, #tpu.memory_space<hbm>>)
        tpu.yield
      }) : () -> ()
    } else {
    }
    return
  }
}

#map = affine_map<(d0, d1) -> (0, 0)>
#map1 = affine_map<(d0, d1) -> (0, 0, 0, 0, 0)>
#map2 = affine_map<(d0, d1) -> (0, 0, 0, 0)>
module attributes {stable_mosaic.version = 14 : i64} {
  func.func @_agg_body(%arg0: i32, %arg1: i32, %arg2: memref<20000x128xf32, #tpu.memory_space<hbm>>, %arg3: memref<2x16x4x40x125xi32, #tpu.memory_space<hbm>>, %arg4: memref<16x4x40x125xi32, #tpu.memory_space<hbm>>, %arg5: memref<10000x128xf32, #tpu.memory_space<hbm>>, %arg6: memref<20000x128xf32, #tpu.memory_space<hbm>>, %arg7: memref<40x125xi32, #tpu.memory_space<vmem>>, %arg8: memref<40x125xi32, #tpu.memory_space<vmem>>, %arg9: memref<2x125x128xf32, #tpu.memory_space<vmem>>, %arg10: memref<!tpu.dma_semaphore, #tpu.memory_space<semaphore_mem>>, %arg11: memref<!tpu.dma_semaphore, #tpu.memory_space<semaphore_mem>>, %arg12: memref<10000x128xf32, #tpu.memory_space<vmem_shared>>) attributes {dimension_semantics = [#tpu.dimension_semantics<core_parallel>, #tpu.dimension_semantics<subcore_parallel>], iteration_bounds = array<i64: 2, 16>, scalar_prefetch = 0 : i64, scratch_operands = 6 : i64, tpu.core_type = #tpu.core_type<sc_vector_subcore>, window_params = [{transform_indices = #map}, {transform_indices = #map1}, {transform_indices = #map2}, {transform_indices = #map}, {transform_indices = #map}]} {
    %mul3A = arith.constant 624 : i32
    %mul3A_0 = arith.muli %arg1, %mul3A : i32
    %multiple_of3A = tpu.assume_multiple %mul3A_0, 8 : i32
    "tpu.region"() ({
      %run_scoped3A = tpu.sem_alloc : memref<!tpu.dma_semaphore, #tpu.memory_space<semaphore_mem>>
      %dma_start3A = arith.constant 0 : i32
      %dma_start3A_17 = tpu.memref_slice %arg12[%multiple_of3A, %dma_start3A] : memref<10000x128xf32, #tpu.memory_space<vmem_shared>> -> memref<624x128xf32, #tpu.memory_space<vmem_shared>>
      %dma_start3A_18 = arith.constant 0 : i32
      %dma_start3A_19 = tpu.memref_slice %arg5[%multiple_of3A, %dma_start3A_18] : memref<10000x128xf32, #tpu.memory_space<hbm>> -> memref<624x128xf32, #tpu.memory_space<hbm>>
      tpu.enqueue_dma source(%dma_start3A_19 : memref<624x128xf32, #tpu.memory_space<hbm>>) target(%dma_start3A_17 : memref<624x128xf32, #tpu.memory_space<vmem_shared>>) target_semaphore(%run_scoped3A : memref<!tpu.dma_semaphore, #tpu.memory_space<semaphore_mem>>)
      %dma_wait3A = arith.constant 0 : i32
      %dma_wait3A_20 = tpu.memref_slice %arg12[%multiple_of3A, %dma_wait3A] : memref<10000x128xf32, #tpu.memory_space<vmem_shared>> -> memref<624x128xf32, #tpu.memory_space<vmem_shared>>
      %dma_wait3A_21 = arith.constant 0 : i32
      %dma_wait3A_22 = tpu.memref_slice %arg5[%multiple_of3A, %dma_wait3A_21] : memref<10000x128xf32, #tpu.memory_space<hbm>> -> memref<624x128xf32, #tpu.memory_space<hbm>>
      tpu.wait_dma2 semaphore(%run_scoped3A : memref<!tpu.dma_semaphore, #tpu.memory_space<semaphore_mem>>) src(%dma_wait3A_22 : memref<624x128xf32, #tpu.memory_space<hbm>>) dst(%dma_wait3A_20 : memref<624x128xf32, #tpu.memory_space<vmem_shared>>)
      tpu.yield
    }) : () -> ()
    %eq3A = arith.constant 15 : i32
    %eq3A_1 = arith.cmpi eq, %arg1, %eq3A : i32
    %convert_element_type3A = arith.extui %eq3A_1 : i1 to i32
    %cond3A = arith.constant 0 : i32
    %cond3A_2 = arith.cmpi ne, %convert_element_type3A, %cond3A : i32
    scf.if %cond3A_2 {
      "tpu.region"() ({
        %run_scoped3A = tpu.sem_alloc : memref<!tpu.dma_semaphore, #tpu.memory_space<semaphore_mem>>
        %dma_start3A = arith.constant 9984 : i32
        %dma_start3A_17 = arith.constant 0 : i32
        %dma_start3A_18 = tpu.memref_slice %arg12[%dma_start3A, %dma_start3A_17] : memref<10000x128xf32, #tpu.memory_space<vmem_shared>> -> memref<16x128xf32, #tpu.memory_space<vmem_shared>>
        %dma_start3A_19 = arith.constant 9984 : i32
        %dma_start3A_20 = arith.constant 0 : i32
        %dma_start3A_21 = tpu.memref_slice %arg5[%dma_start3A_19, %dma_start3A_20] : memref<10000x128xf32, #tpu.memory_space<hbm>> -> memref<16x128xf32, #tpu.memory_space<hbm>>
        tpu.enqueue_dma source(%dma_start3A_21 : memref<16x128xf32, #tpu.memory_space<hbm>>) target(%dma_start3A_18 : memref<16x128xf32, #tpu.memory_space<vmem_shared>>) target_semaphore(%run_scoped3A : memref<!tpu.dma_semaphore, #tpu.memory_space<semaphore_mem>>)
        %dma_wait3A = arith.constant 9984 : i32
        %dma_wait3A_22 = arith.constant 0 : i32
        %dma_wait3A_23 = tpu.memref_slice %arg12[%dma_wait3A, %dma_wait3A_22] : memref<10000x128xf32, #tpu.memory_space<vmem_shared>> -> memref<16x128xf32, #tpu.memory_space<vmem_shared>>
        %dma_wait3A_24 = arith.constant 9984 : i32
        %dma_wait3A_25 = arith.constant 0 : i32
        %dma_wait3A_26 = tpu.memref_slice %arg5[%dma_wait3A_24, %dma_wait3A_25] : memref<10000x128xf32, #tpu.memory_space<hbm>> -> memref<16x128xf32, #tpu.memory_space<hbm>>
        tpu.wait_dma2 semaphore(%run_scoped3A : memref<!tpu.dma_semaphore, #tpu.memory_space<semaphore_mem>>) src(%dma_wait3A_26 : memref<16x128xf32, #tpu.memory_space<hbm>>) dst(%dma_wait3A_23 : memref<16x128xf32, #tpu.memory_space<vmem_shared>>)
        tpu.yield
      }) : () -> ()
    } else {
    }
    %barrier3A = arith.constant 0 : index
    tpu.barrier barrier_id(%barrier3A)
    %scan3A = arith.constant 0 : i32
    %scan3A_3 = arith.constant 0 : i32
    %scan3A_4 = arith.constant 4 : i32
    %scan3A_5 = arith.addi %scan3A_3, %scan3A_4 : i32
    %scan3A_6 = arith.constant 1 : i32
    scf.for %scan3A_17 = %scan3A_3 to %scan3A_5 step %scan3A_6  : i32 {
      "tpu.region"() ({
        %run_scoped3A_73 = tpu.sem_alloc : memref<!tpu.dma_semaphore, #tpu.memory_space<semaphore_mem>>
        %dma_start3A_74 = arith.constant 0 : i32
        %dma_start3A_75 = arith.constant 0 : i32
        %dma_start3A_76 = tpu.memref_slice %arg3[%arg0, %arg1, %scan3A_17, %dma_start3A_74, %dma_start3A_75] : memref<2x16x4x40x125xi32, #tpu.memory_space<hbm>> -> memref<1x1x1x40x125xi32, #tpu.memory_space<hbm>>
        %dma_start3A_77 = tpu.memref_squeeze %dma_start3A_76 : memref<1x1x1x40x125xi32, #tpu.memory_space<hbm>> -> memref<40x125xi32, #tpu.memory_space<hbm>>
        %dma_start3A_78 = arith.constant 0 : i32
        %dma_start3A_79 = arith.constant 0 : i32
        %dma_start3A_80 = tpu.memref_slice %arg3[%arg0, %arg1, %scan3A_17, %dma_start3A_78, %dma_start3A_79] : memref<2x16x4x40x125xi32, #tpu.memory_space<hbm>> -> memref<1x1x1x40x125xi32, #tpu.memory_space<hbm>>
        %dma_start3A_81 = tpu.memref_squeeze %dma_start3A_80 : memref<1x1x1x40x125xi32, #tpu.memory_space<hbm>> -> memref<40x125xi32, #tpu.memory_space<hbm>>
        tpu.enqueue_dma source(%dma_start3A_81 : memref<40x125xi32, #tpu.memory_space<hbm>>) target(%arg7 : memref<40x125xi32, #tpu.memory_space<vmem>>) target_semaphore(%run_scoped3A_73 : memref<!tpu.dma_semaphore, #tpu.memory_space<semaphore_mem>>)
        %dma_wait3A_82 = arith.constant 0 : i32
        %dma_wait3A_83 = arith.constant 0 : i32
        %dma_wait3A_84 = tpu.memref_slice %arg3[%arg0, %arg1, %scan3A_17, %dma_wait3A_82, %dma_wait3A_83] : memref<2x16x4x40x125xi32, #tpu.memory_space<hbm>> -> memref<1x1x1x40x125xi32, #tpu.memory_space<hbm>>
        %dma_wait3A_85 = tpu.memref_squeeze %dma_wait3A_84 : memref<1x1x1x40x125xi32, #tpu.memory_space<hbm>> -> memref<40x125xi32, #tpu.memory_space<hbm>>
        %dma_wait3A_86 = arith.constant 0 : i32
        %dma_wait3A_87 = arith.constant 0 : i32
        %dma_wait3A_88 = tpu.memref_slice %arg3[%arg0, %arg1, %scan3A_17, %dma_wait3A_86, %dma_wait3A_87] : memref<2x16x4x40x125xi32, #tpu.memory_space<hbm>> -> memref<1x1x1x40x125xi32, #tpu.memory_space<hbm>>
        %dma_wait3A_89 = tpu.memref_squeeze %dma_wait3A_88 : memref<1x1x1x40x125xi32, #tpu.memory_space<hbm>> -> memref<40x125xi32, #tpu.memory_space<hbm>>
        tpu.wait_dma2 semaphore(%run_scoped3A_73 : memref<!tpu.dma_semaphore, #tpu.memory_space<semaphore_mem>>) src(%dma_wait3A_89 : memref<40x125xi32, #tpu.memory_space<hbm>>) dst(%arg7 : memref<40x125xi32, #tpu.memory_space<vmem>>)
        tpu.yield
      }) : () -> ()
      "tpu.region"() ({
        %run_scoped3A_73 = tpu.sem_alloc : memref<!tpu.dma_semaphore, #tpu.memory_space<semaphore_mem>>
        %dma_start3A_74 = arith.constant 0 : i32
        %dma_start3A_75 = arith.constant 0 : i32
        %dma_start3A_76 = tpu.memref_slice %arg4[%arg1, %scan3A_17, %dma_start3A_74, %dma_start3A_75] : memref<16x4x40x125xi32, #tpu.memory_space<hbm>> -> memref<1x1x40x125xi32, #tpu.memory_space<hbm>>
        %dma_start3A_77 = tpu.memref_squeeze %dma_start3A_76 : memref<1x1x40x125xi32, #tpu.memory_space<hbm>> -> memref<40x125xi32, #tpu.memory_space<hbm>>
        %dma_start3A_78 = arith.constant 0 : i32
        %dma_start3A_79 = arith.constant 0 : i32
        %dma_start3A_80 = tpu.memref_slice %arg4[%arg1, %scan3A_17, %dma_start3A_78, %dma_start3A_79] : memref<16x4x40x125xi32, #tpu.memory_space<hbm>> -> memref<1x1x40x125xi32, #tpu.memory_space<hbm>>
        %dma_start3A_81 = tpu.memref_squeeze %dma_start3A_80 : memref<1x1x40x125xi32, #tpu.memory_space<hbm>> -> memref<40x125xi32, #tpu.memory_space<hbm>>
        tpu.enqueue_dma source(%dma_start3A_81 : memref<40x125xi32, #tpu.memory_space<hbm>>) target(%arg8 : memref<40x125xi32, #tpu.memory_space<vmem>>) target_semaphore(%run_scoped3A_73 : memref<!tpu.dma_semaphore, #tpu.memory_space<semaphore_mem>>)
        %dma_wait3A_82 = arith.constant 0 : i32
        %dma_wait3A_83 = arith.constant 0 : i32
        %dma_wait3A_84 = tpu.memref_slice %arg4[%arg1, %scan3A_17, %dma_wait3A_82, %dma_wait3A_83] : memref<16x4x40x125xi32, #tpu.memory_space<hbm>> -> memref<1x1x40x125xi32, #tpu.memory_space<hbm>>
        %dma_wait3A_85 = tpu.memref_squeeze %dma_wait3A_84 : memref<1x1x40x125xi32, #tpu.memory_space<hbm>> -> memref<40x125xi32, #tpu.memory_space<hbm>>
        %dma_wait3A_86 = arith.constant 0 : i32
        %dma_wait3A_87 = arith.constant 0 : i32
        %dma_wait3A_88 = tpu.memref_slice %arg4[%arg1, %scan3A_17, %dma_wait3A_86, %dma_wait3A_87] : memref<16x4x40x125xi32, #tpu.memory_space<hbm>> -> memref<1x1x40x125xi32, #tpu.memory_space<hbm>>
        %dma_wait3A_89 = tpu.memref_squeeze %dma_wait3A_88 : memref<1x1x40x125xi32, #tpu.memory_space<hbm>> -> memref<40x125xi32, #tpu.memory_space<hbm>>
        tpu.wait_dma2 semaphore(%run_scoped3A_73 : memref<!tpu.dma_semaphore, #tpu.memory_space<semaphore_mem>>) src(%dma_wait3A_89 : memref<40x125xi32, #tpu.memory_space<hbm>>) dst(%arg8 : memref<40x125xi32, #tpu.memory_space<vmem>>)
        tpu.yield
      }) : () -> ()
      %dma_start3A = arith.constant 0 : i32
      %dma_start3A_18 = arith.constant 0 : i32
      %dma_start3A_19 = arith.constant 0 : i32
      %dma_start3A_20 = arith.constant 0 : i32
      %dma_start3A_21 = tpu.memref_slice %arg9[%dma_start3A_18, %dma_start3A_19, %dma_start3A_20] : memref<2x125x128xf32, #tpu.memory_space<vmem>> -> memref<1x125x128xf32, #tpu.memory_space<vmem>>
      %dma_start3A_22 = tpu.memref_squeeze %dma_start3A_21 : memref<1x125x128xf32, #tpu.memory_space<vmem>> -> memref<125x128xf32, #tpu.memory_space<vmem>>
      %dma_start3A_23 = arith.constant 0 : i32
      %dma_start3A_24 = tpu.memref_slice %arg7[%dma_start3A, %dma_start3A_23] : memref<40x125xi32, #tpu.memory_space<vmem>> -> memref<1x125xi32, #tpu.memory_space<vmem>>
      %dma_start3A_25 = tpu.memref_squeeze %dma_start3A_24 : memref<1x125xi32, #tpu.memory_space<vmem>> -> memref<125xi32, #tpu.memory_space<vmem>>
      %dma_start3A_26 = arith.constant 0 : i32
      %dma_start3A_27 = arith.constant 0 : i32
      %dma_start3A_28 = tpu.memref_slice %arg2[%dma_start3A_26, %dma_start3A_27] : memref<20000x128xf32, #tpu.memory_space<hbm>> -> memref<20000x128xf32, #tpu.memory_space<hbm>>
      tpu.enqueue_indirect_dma source(%dma_start3A_28 : memref<20000x128xf32, #tpu.memory_space<hbm>>) target(%dma_start3A_22 : memref<125x128xf32, #tpu.memory_space<vmem>>) offsets(%dma_start3A_25 : memref<125xi32, #tpu.memory_space<vmem>>) semaphore(%arg10 : memref<!tpu.dma_semaphore, #tpu.memory_space<semaphore_mem>>)
      %dma_start3A_29 = arith.constant 1 : i32
      %dma_start3A_30 = arith.constant 1 : i32
      %dma_start3A_31 = arith.constant 0 : i32
      %dma_start3A_32 = arith.constant 0 : i32
      %dma_start3A_33 = tpu.memref_slice %arg9[%dma_start3A_30, %dma_start3A_31, %dma_start3A_32] : memref<2x125x128xf32, #tpu.memory_space<vmem>> -> memref<1x125x128xf32, #tpu.memory_space<vmem>>
      %dma_start3A_34 = tpu.memref_squeeze %dma_start3A_33 : memref<1x125x128xf32, #tpu.memory_space<vmem>> -> memref<125x128xf32, #tpu.memory_space<vmem>>
      %dma_start3A_35 = arith.constant 0 : i32
      %dma_start3A_36 = tpu.memref_slice %arg7[%dma_start3A_29, %dma_start3A_35] : memref<40x125xi32, #tpu.memory_space<vmem>> -> memref<1x125xi32, #tpu.memory_space<vmem>>
      %dma_start3A_37 = tpu.memref_squeeze %dma_start3A_36 : memref<1x125xi32, #tpu.memory_space<vmem>> -> memref<125xi32, #tpu.memory_space<vmem>>
      %dma_start3A_38 = arith.constant 0 : i32
      %dma_start3A_39 = arith.constant 0 : i32
      %dma_start3A_40 = tpu.memref_slice %arg2[%dma_start3A_38, %dma_start3A_39] : memref<20000x128xf32, #tpu.memory_space<hbm>> -> memref<20000x128xf32, #tpu.memory_space<hbm>>
      tpu.enqueue_indirect_dma source(%dma_start3A_40 : memref<20000x128xf32, #tpu.memory_space<hbm>>) target(%dma_start3A_34 : memref<125x128xf32, #tpu.memory_space<vmem>>) offsets(%dma_start3A_37 : memref<125xi32, #tpu.memory_space<vmem>>) semaphore(%arg11 : memref<!tpu.dma_semaphore, #tpu.memory_space<semaphore_mem>>)
      %scan3A_41 = arith.constant 0 : i32
      %scan3A_42 = arith.constant 0 : i32
      %scan3A_43 = arith.constant 19 : i32
      %scan3A_44 = arith.addi %scan3A_42, %scan3A_43 : i32
      %scan3A_45 = arith.constant 1 : i32
      scf.for %scan3A_73 = %scan3A_42 to %scan3A_44 step %scan3A_45  : i32 {
        %mul3A_74 = arith.constant 2 : i32
        %mul3A_75 = arith.muli %mul3A_74, %scan3A_73 : i32
        %add3A_76 = arith.constant 0 : i32
        %add3A_77 = arith.addi %mul3A_75, %add3A_76 : i32
        %dma_wait3A_78 = arith.constant 0 : i32
        %dma_wait3A_79 = arith.constant 0 : i32
        %dma_wait3A_80 = arith.constant 0 : i32
        %dma_wait3A_81 = tpu.memref_slice %arg9[%dma_wait3A_78, %dma_wait3A_79, %dma_wait3A_80] : memref<2x125x128xf32, #tpu.memory_space<vmem>> -> memref<1x125x128xf32, #tpu.memory_space<vmem>>
        %dma_wait3A_82 = tpu.memref_squeeze %dma_wait3A_81 : memref<1x125x128xf32, #tpu.memory_space<vmem>> -> memref<125x128xf32, #tpu.memory_space<vmem>>
        %dma_wait3A_83 = arith.constant 0 : i32
        %dma_wait3A_84 = tpu.memref_slice %arg7[%add3A_77, %dma_wait3A_83] : memref<40x125xi32, #tpu.memory_space<vmem>> -> memref<1x125xi32, #tpu.memory_space<vmem>>
        %dma_wait3A_85 = tpu.memref_squeeze %dma_wait3A_84 : memref<1x125xi32, #tpu.memory_space<vmem>> -> memref<125xi32, #tpu.memory_space<vmem>>
        %dma_wait3A_86 = arith.constant 0 : i32
        %dma_wait3A_87 = arith.constant 0 : i32
        %dma_wait3A_88 = tpu.memref_slice %arg2[%dma_wait3A_86, %dma_wait3A_87] : memref<20000x128xf32, #tpu.memory_space<hbm>> -> memref<20000x128xf32, #tpu.memory_space<hbm>>
        tpu.wait_indirect_dma semaphore(%arg10 : memref<!tpu.dma_semaphore, #tpu.memory_space<semaphore_mem>>) src(%dma_wait3A_88 : memref<20000x128xf32, #tpu.memory_space<hbm>>) dst(%dma_wait3A_82 : memref<125x128xf32, #tpu.memory_space<vmem>>)
        %run_scoped3A_89 = arith.constant 0 : i32
        "tpu.region"() ({
          %run_scoped3A_130 = tpu.sem_alloc : memref<!tpu.dma_semaphore, #tpu.memory_space<semaphore_mem>>
          %dma_start3A_131 = arith.constant 0 : i32
          %dma_start3A_132 = arith.constant 0 : i32
          %dma_start3A_133 = tpu.memref_slice %arg9[%run_scoped3A_89, %dma_start3A_131, %dma_start3A_132] : memref<2x125x128xf32, #tpu.memory_space<vmem>> -> memref<1x125x128xf32, #tpu.memory_space<vmem>>
          %dma_start3A_134 = tpu.memref_squeeze %dma_start3A_133 : memref<1x125x128xf32, #tpu.memory_space<vmem>> -> memref<125x128xf32, #tpu.memory_space<vmem>>
          %dma_start3A_135 = arith.constant 0 : i32
          %dma_start3A_136 = tpu.memref_slice %arg8[%add3A_77, %dma_start3A_135] : memref<40x125xi32, #tpu.memory_space<vmem>> -> memref<1x125xi32, #tpu.memory_space<vmem>>
          %dma_start3A_137 = tpu.memref_squeeze %dma_start3A_136 : memref<1x125xi32, #tpu.memory_space<vmem>> -> memref<125xi32, #tpu.memory_space<vmem>>
          %dma_start3A_138 = arith.constant 0 : i32
          %dma_start3A_139 = arith.constant 0 : i32
          %dma_start3A_140 = tpu.memref_slice %arg12[%dma_start3A_138, %dma_start3A_139] : memref<10000x128xf32, #tpu.memory_space<vmem_shared>> -> memref<10000x128xf32, #tpu.memory_space<vmem_shared>>
          tpu.enqueue_indirect_dma source(%dma_start3A_134 : memref<125x128xf32, #tpu.memory_space<vmem>>) target(%dma_start3A_140 : memref<10000x128xf32, #tpu.memory_space<vmem_shared>>) offsets(%dma_start3A_137 : memref<125xi32, #tpu.memory_space<vmem>>) semaphore(%run_scoped3A_130 : memref<!tpu.dma_semaphore, #tpu.memory_space<semaphore_mem>>) {add = true}
          %dma_wait3A_141 = arith.constant 0 : i32
          %dma_wait3A_142 = arith.constant 0 : i32
          %dma_wait3A_143 = tpu.memref_slice %arg9[%run_scoped3A_89, %dma_wait3A_141, %dma_wait3A_142] : memref<2x125x128xf32, #tpu.memory_space<vmem>> -> memref<1x125x128xf32, #tpu.memory_space<vmem>>
          %dma_wait3A_144 = tpu.memref_squeeze %dma_wait3A_143 : memref<1x125x128xf32, #tpu.memory_space<vmem>> -> memref<125x128xf32, #tpu.memory_space<vmem>>
          %dma_wait3A_145 = arith.constant 0 : i32
          %dma_wait3A_146 = tpu.memref_slice %arg8[%add3A_77, %dma_wait3A_145] : memref<40x125xi32, #tpu.memory_space<vmem>> -> memref<1x125xi32, #tpu.memory_space<vmem>>
          %dma_wait3A_147 = tpu.memref_squeeze %dma_wait3A_146 : memref<1x125xi32, #tpu.memory_space<vmem>> -> memref<125xi32, #tpu.memory_space<vmem>>
          %dma_wait3A_148 = arith.constant 0 : i32
          %dma_wait3A_149 = arith.constant 0 : i32
          %dma_wait3A_150 = tpu.memref_slice %arg12[%dma_wait3A_148, %dma_wait3A_149] : memref<10000x128xf32, #tpu.memory_space<vmem_shared>> -> memref<10000x128xf32, #tpu.memory_space<vmem_shared>>
          tpu.wait_indirect_dma semaphore(%run_scoped3A_130 : memref<!tpu.dma_semaphore, #tpu.memory_space<semaphore_mem>>) src(%dma_wait3A_144 : memref<125x128xf32, #tpu.memory_space<vmem>>) dst(%dma_wait3A_150 : memref<10000x128xf32, #tpu.memory_space<vmem_shared>>)
          tpu.yield
        }) : () -> ()
        %add3A_90 = arith.constant 2 : i32
        %add3A_91 = arith.addi %add3A_77, %add3A_90 : i32
        %dma_start3A_92 = arith.constant 0 : i32
        %dma_start3A_93 = arith.constant 0 : i32
        %dma_start3A_94 = arith.constant 0 : i32
        %dma_start3A_95 = tpu.memref_slice %arg9[%dma_start3A_92, %dma_start3A_93, %dma_start3A_94] : memref<2x125x128xf32, #tpu.memory_space<vmem>> -> memref<1x125x128xf32, #tpu.memory_space<vmem>>
        %dma_start3A_96 = tpu.memref_squeeze %dma_start3A_95 : memref<1x125x128xf32, #tpu.memory_space<vmem>> -> memref<125x128xf32, #tpu.memory_space<vmem>>
        %dma_start3A_97 = arith.constant 0 : i32
        %dma_start3A_98 = tpu.memref_slice %arg7[%add3A_91, %dma_start3A_97] : memref<40x125xi32, #tpu.memory_space<vmem>> -> memref<1x125xi32, #tpu.memory_space<vmem>>
        %dma_start3A_99 = tpu.memref_squeeze %dma_start3A_98 : memref<1x125xi32, #tpu.memory_space<vmem>> -> memref<125xi32, #tpu.memory_space<vmem>>
        %dma_start3A_100 = arith.constant 0 : i32
        %dma_start3A_101 = arith.constant 0 : i32
        %dma_start3A_102 = tpu.memref_slice %arg2[%dma_start3A_100, %dma_start3A_101] : memref<20000x128xf32, #tpu.memory_space<hbm>> -> memref<20000x128xf32, #tpu.memory_space<hbm>>
        tpu.enqueue_indirect_dma source(%dma_start3A_102 : memref<20000x128xf32, #tpu.memory_space<hbm>>) target(%dma_start3A_96 : memref<125x128xf32, #tpu.memory_space<vmem>>) offsets(%dma_start3A_99 : memref<125xi32, #tpu.memory_space<vmem>>) semaphore(%arg10 : memref<!tpu.dma_semaphore, #tpu.memory_space<semaphore_mem>>)
        %add3A_103 = arith.constant 1 : i32
        %add3A_104 = arith.addi %mul3A_75, %add3A_103 : i32
        %dma_wait3A_105 = arith.constant 1 : i32
        %dma_wait3A_106 = arith.constant 0 : i32
        %dma_wait3A_107 = arith.constant 0 : i32
        %dma_wait3A_108 = tpu.memref_slice %arg9[%dma_wait3A_105, %dma_wait3A_106, %dma_wait3A_107] : memref<2x125x128xf32, #tpu.memory_space<vmem>> -> memref<1x125x128xf32, #tpu.memory_space<vmem>>
        %dma_wait3A_109 = tpu.memref_squeeze %dma_wait3A_108 : memref<1x125x128xf32, #tpu.memory_space<vmem>> -> memref<125x128xf32, #tpu.memory_space<vmem>>
        %dma_wait3A_110 = arith.constant 0 : i32
        %dma_wait3A_111 = tpu.memref_slice %arg7[%add3A_104, %dma_wait3A_110] : memref<40x125xi32, #tpu.memory_space<vmem>> -> memref<1x125xi32, #tpu.memory_space<vmem>>
        %dma_wait3A_112 = tpu.memref_squeeze %dma_wait3A_111 : memref<1x125xi32, #tpu.memory_space<vmem>> -> memref<125xi32, #tpu.memory_space<vmem>>
        %dma_wait3A_113 = arith.constant 0 : i32
        %dma_wait3A_114 = arith.constant 0 : i32
        %dma_wait3A_115 = tpu.memref_slice %arg2[%dma_wait3A_113, %dma_wait3A_114] : memref<20000x128xf32, #tpu.memory_space<hbm>> -> memref<20000x128xf32, #tpu.memory_space<hbm>>
        tpu.wait_indirect_dma semaphore(%arg11 : memref<!tpu.dma_semaphore, #tpu.memory_space<semaphore_mem>>) src(%dma_wait3A_115 : memref<20000x128xf32, #tpu.memory_space<hbm>>) dst(%dma_wait3A_109 : memref<125x128xf32, #tpu.memory_space<vmem>>)
        %run_scoped3A_116 = arith.constant 1 : i32
        "tpu.region"() ({
          %run_scoped3A_130 = tpu.sem_alloc : memref<!tpu.dma_semaphore, #tpu.memory_space<semaphore_mem>>
          %dma_start3A_131 = arith.constant 0 : i32
          %dma_start3A_132 = arith.constant 0 : i32
          %dma_start3A_133 = tpu.memref_slice %arg9[%run_scoped3A_116, %dma_start3A_131, %dma_start3A_132] : memref<2x125x128xf32, #tpu.memory_space<vmem>> -> memref<1x125x128xf32, #tpu.memory_space<vmem>>
          %dma_start3A_134 = tpu.memref_squeeze %dma_start3A_133 : memref<1x125x128xf32, #tpu.memory_space<vmem>> -> memref<125x128xf32, #tpu.memory_space<vmem>>
          %dma_start3A_135 = arith.constant 0 : i32
          %dma_start3A_136 = tpu.memref_slice %arg8[%add3A_104, %dma_start3A_135] : memref<40x125xi32, #tpu.memory_space<vmem>> -> memref<1x125xi32, #tpu.memory_space<vmem>>
          %dma_start3A_137 = tpu.memref_squeeze %dma_start3A_136 : memref<1x125xi32, #tpu.memory_space<vmem>> -> memref<125xi32, #tpu.memory_space<vmem>>
          %dma_start3A_138 = arith.constant 0 : i32
          %dma_start3A_139 = arith.constant 0 : i32
          %dma_start3A_140 = tpu.memref_slice %arg12[%dma_start3A_138, %dma_start3A_139] : memref<10000x128xf32, #tpu.memory_space<vmem_shared>> -> memref<10000x128xf32, #tpu.memory_space<vmem_shared>>
          tpu.enqueue_indirect_dma source(%dma_start3A_134 : memref<125x128xf32, #tpu.memory_space<vmem>>) target(%dma_start3A_140 : memref<10000x128xf32, #tpu.memory_space<vmem_shared>>) offsets(%dma_start3A_137 : memref<125xi32, #tpu.memory_space<vmem>>) semaphore(%run_scoped3A_130 : memref<!tpu.dma_semaphore, #tpu.memory_space<semaphore_mem>>) {add = true}
          %dma_wait3A_141 = arith.constant 0 : i32
          %dma_wait3A_142 = arith.constant 0 : i32
          %dma_wait3A_143 = tpu.memref_slice %arg9[%run_scoped3A_116, %dma_wait3A_141, %dma_wait3A_142] : memref<2x125x128xf32, #tpu.memory_space<vmem>> -> memref<1x125x128xf32, #tpu.memory_space<vmem>>
          %dma_wait3A_144 = tpu.memref_squeeze %dma_wait3A_143 : memref<1x125x128xf32, #tpu.memory_space<vmem>> -> memref<125x128xf32, #tpu.memory_space<vmem>>
          %dma_wait3A_145 = arith.constant 0 : i32
          %dma_wait3A_146 = tpu.memref_slice %arg8[%add3A_104, %dma_wait3A_145] : memref<40x125xi32, #tpu.memory_space<vmem>> -> memref<1x125xi32, #tpu.memory_space<vmem>>
          %dma_wait3A_147 = tpu.memref_squeeze %dma_wait3A_146 : memref<1x125xi32, #tpu.memory_space<vmem>> -> memref<125xi32, #tpu.memory_space<vmem>>
          %dma_wait3A_148 = arith.constant 0 : i32
          %dma_wait3A_149 = arith.constant 0 : i32
          %dma_wait3A_150 = tpu.memref_slice %arg12[%dma_wait3A_148, %dma_wait3A_149] : memref<10000x128xf32, #tpu.memory_space<vmem_shared>> -> memref<10000x128xf32, #tpu.memory_space<vmem_shared>>
          tpu.wait_indirect_dma semaphore(%run_scoped3A_130 : memref<!tpu.dma_semaphore, #tpu.memory_space<semaphore_mem>>) src(%dma_wait3A_144 : memref<125x128xf32, #tpu.memory_space<vmem>>) dst(%dma_wait3A_150 : memref<10000x128xf32, #tpu.memory_space<vmem_shared>>)
          tpu.yield
        }) : () -> ()
        %add3A_117 = arith.constant 2 : i32
        %add3A_118 = arith.addi %add3A_104, %add3A_117 : i32
        %dma_start3A_119 = arith.constant 1 : i32
        %dma_start3A_120 = arith.constant 0 : i32
        %dma_start3A_121 = arith.constant 0 : i32
        %dma_start3A_122 = tpu.memref_slice %arg9[%dma_start3A_119, %dma_start3A_120, %dma_start3A_121] : memref<2x125x128xf32, #tpu.memory_space<vmem>> -> memref<1x125x128xf32, #tpu.memory_space<vmem>>
        %dma_start3A_123 = tpu.memref_squeeze %dma_start3A_122 : memref<1x125x128xf32, #tpu.memory_space<vmem>> -> memref<125x128xf32, #tpu.memory_space<vmem>>
        %dma_start3A_124 = arith.constant 0 : i32
        %dma_start3A_125 = tpu.memref_slice %arg7[%add3A_118, %dma_start3A_124] : memref<40x125xi32, #tpu.memory_space<vmem>> -> memref<1x125xi32, #tpu.memory_space<vmem>>
        %dma_start3A_126 = tpu.memref_squeeze %dma_start3A_125 : memref<1x125xi32, #tpu.memory_space<vmem>> -> memref<125xi32, #tpu.memory_space<vmem>>
        %dma_start3A_127 = arith.constant 0 : i32
        %dma_start3A_128 = arith.constant 0 : i32
        %dma_start3A_129 = tpu.memref_slice %arg2[%dma_start3A_127, %dma_start3A_128] : memref<20000x128xf32, #tpu.memory_space<hbm>> -> memref<20000x128xf32, #tpu.memory_space<hbm>>
        tpu.enqueue_indirect_dma source(%dma_start3A_129 : memref<20000x128xf32, #tpu.memory_space<hbm>>) target(%dma_start3A_123 : memref<125x128xf32, #tpu.memory_space<vmem>>) offsets(%dma_start3A_126 : memref<125xi32, #tpu.memory_space<vmem>>) semaphore(%arg11 : memref<!tpu.dma_semaphore, #tpu.memory_space<semaphore_mem>>)
      }
      %scan3A_46 = arith.constant 19 : i32
      %dma_wait3A = arith.constant 38 : i32
      %dma_wait3A_47 = arith.constant 0 : i32
      %dma_wait3A_48 = arith.constant 0 : i32
      %dma_wait3A_49 = arith.constant 0 : i32
      %dma_wait3A_50 = tpu.memref_slice %arg9[%dma_wait3A_47, %dma_wait3A_48, %dma_wait3A_49] : memref<2x125x128xf32, #tpu.memory_space<vmem>> -> memref<1x125x128xf32, #tpu.memory_space<vmem>>
      %dma_wait3A_51 = tpu.memref_squeeze %dma_wait3A_50 : memref<1x125x128xf32, #tpu.memory_space<vmem>> -> memref<125x128xf32, #tpu.memory_space<vmem>>
      %dma_wait3A_52 = arith.constant 0 : i32
      %dma_wait3A_53 = tpu.memref_slice %arg7[%dma_wait3A, %dma_wait3A_52] : memref<40x125xi32, #tpu.memory_space<vmem>> -> memref<1x125xi32, #tpu.memory_space<vmem>>
      %dma_wait3A_54 = tpu.memref_squeeze %dma_wait3A_53 : memref<1x125xi32, #tpu.memory_space<vmem>> -> memref<125xi32, #tpu.memory_space<vmem>>
      %dma_wait3A_55 = arith.constant 0 : i32
      %dma_wait3A_56 = arith.constant 0 : i32
      %dma_wait3A_57 = tpu.memref_slice %arg2[%dma_wait3A_55, %dma_wait3A_56] : memref<20000x128xf32, #tpu.memory_space<hbm>> -> memref<20000x128xf32, #tpu.memory_space<hbm>>
      tpu.wait_indirect_dma semaphore(%arg10 : memref<!tpu.dma_semaphore, #tpu.memory_space<semaphore_mem>>) src(%dma_wait3A_57 : memref<20000x128xf32, #tpu.memory_space<hbm>>) dst(%dma_wait3A_51 : memref<125x128xf32, #tpu.memory_space<vmem>>)
      %run_scoped3A = arith.constant 0 : i32
      %run_scoped3A_58 = arith.constant 38 : i32
      "tpu.region"() ({
        %run_scoped3A_73 = tpu.sem_alloc : memref<!tpu.dma_semaphore, #tpu.memory_space<semaphore_mem>>
        %dma_start3A_74 = arith.constant 0 : i32
        %dma_start3A_75 = arith.constant 0 : i32
        %dma_start3A_76 = tpu.memref_slice %arg9[%run_scoped3A, %dma_start3A_74, %dma_start3A_75] : memref<2x125x128xf32, #tpu.memory_space<vmem>> -> memref<1x125x128xf32, #tpu.memory_space<vmem>>
        %dma_start3A_77 = tpu.memref_squeeze %dma_start3A_76 : memref<1x125x128xf32, #tpu.memory_space<vmem>> -> memref<125x128xf32, #tpu.memory_space<vmem>>
        %dma_start3A_78 = arith.constant 0 : i32
        %dma_start3A_79 = tpu.memref_slice %arg8[%run_scoped3A_58, %dma_start3A_78] : memref<40x125xi32, #tpu.memory_space<vmem>> -> memref<1x125xi32, #tpu.memory_space<vmem>>
        %dma_start3A_80 = tpu.memref_squeeze %dma_start3A_79 : memref<1x125xi32, #tpu.memory_space<vmem>> -> memref<125xi32, #tpu.memory_space<vmem>>
        %dma_start3A_81 = arith.constant 0 : i32
        %dma_start3A_82 = arith.constant 0 : i32
        %dma_start3A_83 = tpu.memref_slice %arg12[%dma_start3A_81, %dma_start3A_82] : memref<10000x128xf32, #tpu.memory_space<vmem_shared>> -> memref<10000x128xf32, #tpu.memory_space<vmem_shared>>
        tpu.enqueue_indirect_dma source(%dma_start3A_77 : memref<125x128xf32, #tpu.memory_space<vmem>>) target(%dma_start3A_83 : memref<10000x128xf32, #tpu.memory_space<vmem_shared>>) offsets(%dma_start3A_80 : memref<125xi32, #tpu.memory_space<vmem>>) semaphore(%run_scoped3A_73 : memref<!tpu.dma_semaphore, #tpu.memory_space<semaphore_mem>>) {add = true}
        %dma_wait3A_84 = arith.constant 0 : i32
        %dma_wait3A_85 = arith.constant 0 : i32
        %dma_wait3A_86 = tpu.memref_slice %arg9[%run_scoped3A, %dma_wait3A_84, %dma_wait3A_85] : memref<2x125x128xf32, #tpu.memory_space<vmem>> -> memref<1x125x128xf32, #tpu.memory_space<vmem>>
        %dma_wait3A_87 = tpu.memref_squeeze %dma_wait3A_86 : memref<1x125x128xf32, #tpu.memory_space<vmem>> -> memref<125x128xf32, #tpu.memory_space<vmem>>
        %dma_wait3A_88 = arith.constant 0 : i32
        %dma_wait3A_89 = tpu.memref_slice %arg8[%run_scoped3A_58, %dma_wait3A_88] : memref<40x125xi32, #tpu.memory_space<vmem>> -> memref<1x125xi32, #tpu.memory_space<vmem>>
        %dma_wait3A_90 = tpu.memref_squeeze %dma_wait3A_89 : memref<1x125xi32, #tpu.memory_space<vmem>> -> memref<125xi32, #tpu.memory_space<vmem>>
        %dma_wait3A_91 = arith.constant 0 : i32
        %dma_wait3A_92 = arith.constant 0 : i32
        %dma_wait3A_93 = tpu.memref_slice %arg12[%dma_wait3A_91, %dma_wait3A_92] : memref<10000x128xf32, #tpu.memory_space<vmem_shared>> -> memref<10000x128xf32, #tpu.memory_space<vmem_shared>>
        tpu.wait_indirect_dma semaphore(%run_scoped3A_73 : memref<!tpu.dma_semaphore, #tpu.memory_space<semaphore_mem>>) src(%dma_wait3A_87 : memref<125x128xf32, #tpu.memory_space<vmem>>) dst(%dma_wait3A_93 : memref<10000x128xf32, #tpu.memory_space<vmem_shared>>)
        tpu.yield
      }) : () -> ()
      %dma_wait3A_59 = arith.constant 39 : i32
      %dma_wait3A_60 = arith.constant 1 : i32
      %dma_wait3A_61 = arith.constant 0 : i32
      %dma_wait3A_62 = arith.constant 0 : i32
      %dma_wait3A_63 = tpu.memref_slice %arg9[%dma_wait3A_60, %dma_wait3A_61, %dma_wait3A_62] : memref<2x125x128xf32, #tpu.memory_space<vmem>> -> memref<1x125x128xf32, #tpu.memory_space<vmem>>
      %dma_wait3A_64 = tpu.memref_squeeze %dma_wait3A_63 : memref<1x125x128xf32, #tpu.memory_space<vmem>> -> memref<125x128xf32, #tpu.memory_space<vmem>>
      %dma_wait3A_65 = arith.constant 0 : i32
      %dma_wait3A_66 = tpu.memref_slice %arg7[%dma_wait3A_59, %dma_wait3A_65] : memref<40x125xi32, #tpu.memory_space<vmem>> -> memref<1x125xi32, #tpu.memory_space<vmem>>
      %dma_wait3A_67 = tpu.memref_squeeze %dma_wait3A_66 : memref<1x125xi32, #tpu.memory_space<vmem>> -> memref<125xi32, #tpu.memory_space<vmem>>
      %dma_wait3A_68 = arith.constant 0 : i32
      %dma_wait3A_69 = arith.constant 0 : i32
      %dma_wait3A_70 = tpu.memref_slice %arg2[%dma_wait3A_68, %dma_wait3A_69] : memref<20000x128xf32, #tpu.memory_space<hbm>> -> memref<20000x128xf32, #tpu.memory_space<hbm>>
      tpu.wait_indirect_dma semaphore(%arg11 : memref<!tpu.dma_semaphore, #tpu.memory_space<semaphore_mem>>) src(%dma_wait3A_70 : memref<20000x128xf32, #tpu.memory_space<hbm>>) dst(%dma_wait3A_64 : memref<125x128xf32, #tpu.memory_space<vmem>>)
      %run_scoped3A_71 = arith.constant 1 : i32
      %run_scoped3A_72 = arith.constant 39 : i32
      "tpu.region"() ({
        %run_scoped3A_73 = tpu.sem_alloc : memref<!tpu.dma_semaphore, #tpu.memory_space<semaphore_mem>>
        %dma_start3A_74 = arith.constant 0 : i32
        %dma_start3A_75 = arith.constant 0 : i32
        %dma_start3A_76 = tpu.memref_slice %arg9[%run_scoped3A_71, %dma_start3A_74, %dma_start3A_75] : memref<2x125x128xf32, #tpu.memory_space<vmem>> -> memref<1x125x128xf32, #tpu.memory_space<vmem>>
        %dma_start3A_77 = tpu.memref_squeeze %dma_start3A_76 : memref<1x125x128xf32, #tpu.memory_space<vmem>> -> memref<125x128xf32, #tpu.memory_space<vmem>>
        %dma_start3A_78 = arith.constant 0 : i32
        %dma_start3A_79 = tpu.memref_slice %arg8[%run_scoped3A_72, %dma_start3A_78] : memref<40x125xi32, #tpu.memory_space<vmem>> -> memref<1x125xi32, #tpu.memory_space<vmem>>
        %dma_start3A_80 = tpu.memref_squeeze %dma_start3A_79 : memref<1x125xi32, #tpu.memory_space<vmem>> -> memref<125xi32, #tpu.memory_space<vmem>>
        %dma_start3A_81 = arith.constant 0 : i32
        %dma_start3A_82 = arith.constant 0 : i32
        %dma_start3A_83 = tpu.memref_slice %arg12[%dma_start3A_81, %dma_start3A_82] : memref<10000x128xf32, #tpu.memory_space<vmem_shared>> -> memref<10000x128xf32, #tpu.memory_space<vmem_shared>>
        tpu.enqueue_indirect_dma source(%dma_start3A_77 : memref<125x128xf32, #tpu.memory_space<vmem>>) target(%dma_start3A_83 : memref<10000x128xf32, #tpu.memory_space<vmem_shared>>) offsets(%dma_start3A_80 : memref<125xi32, #tpu.memory_space<vmem>>) semaphore(%run_scoped3A_73 : memref<!tpu.dma_semaphore, #tpu.memory_space<semaphore_mem>>) {add = true}
        %dma_wait3A_84 = arith.constant 0 : i32
        %dma_wait3A_85 = arith.constant 0 : i32
        %dma_wait3A_86 = tpu.memref_slice %arg9[%run_scoped3A_71, %dma_wait3A_84, %dma_wait3A_85] : memref<2x125x128xf32, #tpu.memory_space<vmem>> -> memref<1x125x128xf32, #tpu.memory_space<vmem>>
        %dma_wait3A_87 = tpu.memref_squeeze %dma_wait3A_86 : memref<1x125x128xf32, #tpu.memory_space<vmem>> -> memref<125x128xf32, #tpu.memory_space<vmem>>
        %dma_wait3A_88 = arith.constant 0 : i32
        %dma_wait3A_89 = tpu.memref_slice %arg8[%run_scoped3A_72, %dma_wait3A_88] : memref<40x125xi32, #tpu.memory_space<vmem>> -> memref<1x125xi32, #tpu.memory_space<vmem>>
        %dma_wait3A_90 = tpu.memref_squeeze %dma_wait3A_89 : memref<1x125xi32, #tpu.memory_space<vmem>> -> memref<125xi32, #tpu.memory_space<vmem>>
        %dma_wait3A_91 = arith.constant 0 : i32
        %dma_wait3A_92 = arith.constant 0 : i32
        %dma_wait3A_93 = tpu.memref_slice %arg12[%dma_wait3A_91, %dma_wait3A_92] : memref<10000x128xf32, #tpu.memory_space<vmem_shared>> -> memref<10000x128xf32, #tpu.memory_space<vmem_shared>>
        tpu.wait_indirect_dma semaphore(%run_scoped3A_73 : memref<!tpu.dma_semaphore, #tpu.memory_space<semaphore_mem>>) src(%dma_wait3A_87 : memref<125x128xf32, #tpu.memory_space<vmem>>) dst(%dma_wait3A_93 : memref<10000x128xf32, #tpu.memory_space<vmem_shared>>)
        tpu.yield
      }) : () -> ()
    }
    %scan3A_7 = arith.constant 4 : i32
    %barrier3A_8 = arith.constant 0 : index
    tpu.barrier barrier_id(%barrier3A_8)
    %mul3A_9 = arith.constant 10000 : i32
    %mul3A_10 = arith.muli %arg0, %mul3A_9 : i32
    %add3A = arith.addi %mul3A_10, %multiple_of3A : i32
    %multiple_of3A_11 = tpu.assume_multiple %add3A, 8 : i32
    "tpu.region"() ({
      %run_scoped3A = tpu.sem_alloc : memref<!tpu.dma_semaphore, #tpu.memory_space<semaphore_mem>>
      %dma_start3A = arith.constant 0 : i32
      %dma_start3A_17 = tpu.memref_slice %arg6[%multiple_of3A_11, %dma_start3A] : memref<20000x128xf32, #tpu.memory_space<hbm>> -> memref<624x128xf32, #tpu.memory_space<hbm>>
      %dma_start3A_18 = arith.constant 0 : i32
      %dma_start3A_19 = tpu.memref_slice %arg12[%multiple_of3A, %dma_start3A_18] : memref<10000x128xf32, #tpu.memory_space<vmem_shared>> -> memref<624x128xf32, #tpu.memory_space<vmem_shared>>
      tpu.enqueue_dma source(%dma_start3A_19 : memref<624x128xf32, #tpu.memory_space<vmem_shared>>) target(%dma_start3A_17 : memref<624x128xf32, #tpu.memory_space<hbm>>) target_semaphore(%run_scoped3A : memref<!tpu.dma_semaphore, #tpu.memory_space<semaphore_mem>>)
      %dma_wait3A = arith.constant 0 : i32
      %dma_wait3A_20 = tpu.memref_slice %arg6[%multiple_of3A_11, %dma_wait3A] : memref<20000x128xf32, #tpu.memory_space<hbm>> -> memref<624x128xf32, #tpu.memory_space<hbm>>
      %dma_wait3A_21 = arith.constant 0 : i32
      %dma_wait3A_22 = tpu.memref_slice %arg12[%multiple_of3A, %dma_wait3A_21] : memref<10000x128xf32, #tpu.memory_space<vmem_shared>> -> memref<624x128xf32, #tpu.memory_space<vmem_shared>>
      tpu.wait_dma2 semaphore(%run_scoped3A : memref<!tpu.dma_semaphore, #tpu.memory_space<semaphore_mem>>) src(%dma_wait3A_22 : memref<624x128xf32, #tpu.memory_space<vmem_shared>>) dst(%dma_wait3A_20 : memref<624x128xf32, #tpu.memory_space<hbm>>)
      tpu.yield
    }) : () -> ()
    %eq3A_12 = arith.constant 15 : i32
    %eq3A_13 = arith.cmpi eq, %arg1, %eq3A_12 : i32
    %convert_element_type3A_14 = arith.extui %eq3A_13 : i1 to i32
    %cond3A_15 = arith.constant 0 : i32
    %cond3A_16 = arith.cmpi ne, %convert_element_type3A_14, %cond3A_15 : i32
    scf.if %cond3A_16 {
      %mul3A_17 = arith.constant 10000 : i32
      %mul3A_18 = arith.muli %arg0, %mul3A_17 : i32
      %add3A_19 = arith.constant 9984 : i32
      %add3A_20 = arith.addi %mul3A_18, %add3A_19 : i32
      %multiple_of3A_21 = tpu.assume_multiple %add3A_20, 8 : i32
      "tpu.region"() ({
        %run_scoped3A = tpu.sem_alloc : memref<!tpu.dma_semaphore, #tpu.memory_space<semaphore_mem>>
        %dma_start3A = arith.constant 0 : i32
        %dma_start3A_22 = tpu.memref_slice %arg6[%multiple_of3A_21, %dma_start3A] : memref<20000x128xf32, #tpu.memory_space<hbm>> -> memref<16x128xf32, #tpu.memory_space<hbm>>
        %dma_start3A_23 = arith.constant 9984 : i32
        %dma_start3A_24 = arith.constant 0 : i32
        %dma_start3A_25 = tpu.memref_slice %arg12[%dma_start3A_23, %dma_start3A_24] : memref<10000x128xf32, #tpu.memory_space<vmem_shared>> -> memref<16x128xf32, #tpu.memory_space<vmem_shared>>
        tpu.enqueue_dma source(%dma_start3A_25 : memref<16x128xf32, #tpu.memory_space<vmem_shared>>) target(%dma_start3A_22 : memref<16x128xf32, #tpu.memory_space<hbm>>) target_semaphore(%run_scoped3A : memref<!tpu.dma_semaphore, #tpu.memory_space<semaphore_mem>>)
        %dma_wait3A = arith.constant 0 : i32
        %dma_wait3A_26 = tpu.memref_slice %arg6[%multiple_of3A_21, %dma_wait3A] : memref<20000x128xf32, #tpu.memory_space<hbm>> -> memref<16x128xf32, #tpu.memory_space<hbm>>
        %dma_wait3A_27 = arith.constant 9984 : i32
        %dma_wait3A_28 = arith.constant 0 : i32
        %dma_wait3A_29 = tpu.memref_slice %arg12[%dma_wait3A_27, %dma_wait3A_28] : memref<10000x128xf32, #tpu.memory_space<vmem_shared>> -> memref<16x128xf32, #tpu.memory_space<vmem_shared>>
        tpu.wait_dma2 semaphore(%run_scoped3A : memref<!tpu.dma_semaphore, #tpu.memory_space<semaphore_mem>>) src(%dma_wait3A_29 : memref<16x128xf32, #tpu.memory_space<vmem_shared>>) dst(%dma_wait3A_26 : memref<16x128xf32, #tpu.memory_space<hbm>>)
        tpu.yield
      }) : () -> ()
    } else {
    }
    return
  }
}

#map = affine_map<(d0, d1) -> (0, 0)>
#map1 = affine_map<(d0, d1) -> (0, 0, 0, 0, 0)>
#map2 = affine_map<(d0, d1) -> (0, 0, 0, 0)>
module attributes {stable_mosaic.version = 14 : i64} {
  func.func @_agg_body(%arg0: i32, %arg1: i32, %arg2: memref<20000x128xf32, #tpu.memory_space<hbm>>, %arg3: memref<2x16x4x40x125xi32, #tpu.memory_space<hbm>>, %arg4: memref<16x4x40x125xi32, #tpu.memory_space<hbm>>, %arg5: memref<10000x128xf32, #tpu.memory_space<hbm>>, %arg6: memref<20000x128xf32, #tpu.memory_space<hbm>>, %arg7: memref<40x125xi32, #tpu.memory_space<vmem>>, %arg8: memref<40x125xi32, #tpu.memory_space<vmem>>, %arg9: memref<2x125x128xf32, #tpu.memory_space<vmem>>, %arg10: memref<!tpu.dma_semaphore, #tpu.memory_space<semaphore_mem>>, %arg11: memref<!tpu.dma_semaphore, #tpu.memory_space<semaphore_mem>>, %arg12: memref<10000x128xf32, #tpu.memory_space<vmem_shared>>) attributes {dimension_semantics = [#tpu.dimension_semantics<core_parallel>, #tpu.dimension_semantics<subcore_parallel>], iteration_bounds = array<i64: 2, 16>, scalar_prefetch = 0 : i64, scratch_operands = 6 : i64, tpu.core_type = #tpu.core_type<sc_vector_subcore>, window_params = [{transform_indices = #map}, {transform_indices = #map1}, {transform_indices = #map2}, {transform_indices = #map}, {transform_indices = #map}]} {
    %mul3A = arith.constant 624 : i32
    %mul3A_0 = arith.muli %arg1, %mul3A : i32
    %multiple_of3A = tpu.assume_multiple %mul3A_0, 8 : i32
    "tpu.region"() ({
      %run_scoped3A = tpu.sem_alloc : memref<!tpu.dma_semaphore, #tpu.memory_space<semaphore_mem>>
      %dma_start3A = arith.constant 0 : i32
      %dma_start3A_17 = tpu.memref_slice %arg12[%multiple_of3A, %dma_start3A] : memref<10000x128xf32, #tpu.memory_space<vmem_shared>> -> memref<624x128xf32, #tpu.memory_space<vmem_shared>>
      %dma_start3A_18 = arith.constant 0 : i32
      %dma_start3A_19 = tpu.memref_slice %arg5[%multiple_of3A, %dma_start3A_18] : memref<10000x128xf32, #tpu.memory_space<hbm>> -> memref<624x128xf32, #tpu.memory_space<hbm>>
      tpu.enqueue_dma source(%dma_start3A_19 : memref<624x128xf32, #tpu.memory_space<hbm>>) target(%dma_start3A_17 : memref<624x128xf32, #tpu.memory_space<vmem_shared>>) target_semaphore(%run_scoped3A : memref<!tpu.dma_semaphore, #tpu.memory_space<semaphore_mem>>)
      %dma_wait3A = arith.constant 0 : i32
      %dma_wait3A_20 = tpu.memref_slice %arg12[%multiple_of3A, %dma_wait3A] : memref<10000x128xf32, #tpu.memory_space<vmem_shared>> -> memref<624x128xf32, #tpu.memory_space<vmem_shared>>
      %dma_wait3A_21 = arith.constant 0 : i32
      %dma_wait3A_22 = tpu.memref_slice %arg5[%multiple_of3A, %dma_wait3A_21] : memref<10000x128xf32, #tpu.memory_space<hbm>> -> memref<624x128xf32, #tpu.memory_space<hbm>>
      tpu.wait_dma2 semaphore(%run_scoped3A : memref<!tpu.dma_semaphore, #tpu.memory_space<semaphore_mem>>) src(%dma_wait3A_22 : memref<624x128xf32, #tpu.memory_space<hbm>>) dst(%dma_wait3A_20 : memref<624x128xf32, #tpu.memory_space<vmem_shared>>)
      tpu.yield
    }) : () -> ()
    %eq3A = arith.constant 15 : i32
    %eq3A_1 = arith.cmpi eq, %arg1, %eq3A : i32
    %convert_element_type3A = arith.extui %eq3A_1 : i1 to i32
    %cond3A = arith.constant 0 : i32
    %cond3A_2 = arith.cmpi ne, %convert_element_type3A, %cond3A : i32
    scf.if %cond3A_2 {
      "tpu.region"() ({
        %run_scoped3A = tpu.sem_alloc : memref<!tpu.dma_semaphore, #tpu.memory_space<semaphore_mem>>
        %dma_start3A = arith.constant 9984 : i32
        %dma_start3A_17 = arith.constant 0 : i32
        %dma_start3A_18 = tpu.memref_slice %arg12[%dma_start3A, %dma_start3A_17] : memref<10000x128xf32, #tpu.memory_space<vmem_shared>> -> memref<16x128xf32, #tpu.memory_space<vmem_shared>>
        %dma_start3A_19 = arith.constant 9984 : i32
        %dma_start3A_20 = arith.constant 0 : i32
        %dma_start3A_21 = tpu.memref_slice %arg5[%dma_start3A_19, %dma_start3A_20] : memref<10000x128xf32, #tpu.memory_space<hbm>> -> memref<16x128xf32, #tpu.memory_space<hbm>>
        tpu.enqueue_dma source(%dma_start3A_21 : memref<16x128xf32, #tpu.memory_space<hbm>>) target(%dma_start3A_18 : memref<16x128xf32, #tpu.memory_space<vmem_shared>>) target_semaphore(%run_scoped3A : memref<!tpu.dma_semaphore, #tpu.memory_space<semaphore_mem>>)
        %dma_wait3A = arith.constant 9984 : i32
        %dma_wait3A_22 = arith.constant 0 : i32
        %dma_wait3A_23 = tpu.memref_slice %arg12[%dma_wait3A, %dma_wait3A_22] : memref<10000x128xf32, #tpu.memory_space<vmem_shared>> -> memref<16x128xf32, #tpu.memory_space<vmem_shared>>
        %dma_wait3A_24 = arith.constant 9984 : i32
        %dma_wait3A_25 = arith.constant 0 : i32
        %dma_wait3A_26 = tpu.memref_slice %arg5[%dma_wait3A_24, %dma_wait3A_25] : memref<10000x128xf32, #tpu.memory_space<hbm>> -> memref<16x128xf32, #tpu.memory_space<hbm>>
        tpu.wait_dma2 semaphore(%run_scoped3A : memref<!tpu.dma_semaphore, #tpu.memory_space<semaphore_mem>>) src(%dma_wait3A_26 : memref<16x128xf32, #tpu.memory_space<hbm>>) dst(%dma_wait3A_23 : memref<16x128xf32, #tpu.memory_space<vmem_shared>>)
        tpu.yield
      }) : () -> ()
    } else {
    }
    %barrier3A = arith.constant 0 : index
    tpu.barrier barrier_id(%barrier3A)
    %scan3A = arith.constant 0 : i32
    %scan3A_3 = arith.constant 0 : i32
    %scan3A_4 = arith.constant 4 : i32
    %scan3A_5 = arith.addi %scan3A_3, %scan3A_4 : i32
    %scan3A_6 = arith.constant 1 : i32
    scf.for %scan3A_17 = %scan3A_3 to %scan3A_5 step %scan3A_6  : i32 {
      "tpu.region"() ({
        %run_scoped3A_73 = tpu.sem_alloc : memref<!tpu.dma_semaphore, #tpu.memory_space<semaphore_mem>>
        %dma_start3A_74 = arith.constant 0 : i32
        %dma_start3A_75 = arith.constant 0 : i32
        %dma_start3A_76 = tpu.memref_slice %arg3[%arg0, %arg1, %scan3A_17, %dma_start3A_74, %dma_start3A_75] : memref<2x16x4x40x125xi32, #tpu.memory_space<hbm>> -> memref<1x1x1x40x125xi32, #tpu.memory_space<hbm>>
        %dma_start3A_77 = tpu.memref_squeeze %dma_start3A_76 : memref<1x1x1x40x125xi32, #tpu.memory_space<hbm>> -> memref<40x125xi32, #tpu.memory_space<hbm>>
        %dma_start3A_78 = arith.constant 0 : i32
        %dma_start3A_79 = arith.constant 0 : i32
        %dma_start3A_80 = tpu.memref_slice %arg3[%arg0, %arg1, %scan3A_17, %dma_start3A_78, %dma_start3A_79] : memref<2x16x4x40x125xi32, #tpu.memory_space<hbm>> -> memref<1x1x1x40x125xi32, #tpu.memory_space<hbm>>
        %dma_start3A_81 = tpu.memref_squeeze %dma_start3A_80 : memref<1x1x1x40x125xi32, #tpu.memory_space<hbm>> -> memref<40x125xi32, #tpu.memory_space<hbm>>
        tpu.enqueue_dma source(%dma_start3A_81 : memref<40x125xi32, #tpu.memory_space<hbm>>) target(%arg7 : memref<40x125xi32, #tpu.memory_space<vmem>>) target_semaphore(%run_scoped3A_73 : memref<!tpu.dma_semaphore, #tpu.memory_space<semaphore_mem>>)
        %dma_wait3A_82 = arith.constant 0 : i32
        %dma_wait3A_83 = arith.constant 0 : i32
        %dma_wait3A_84 = tpu.memref_slice %arg3[%arg0, %arg1, %scan3A_17, %dma_wait3A_82, %dma_wait3A_83] : memref<2x16x4x40x125xi32, #tpu.memory_space<hbm>> -> memref<1x1x1x40x125xi32, #tpu.memory_space<hbm>>
        %dma_wait3A_85 = tpu.memref_squeeze %dma_wait3A_84 : memref<1x1x1x40x125xi32, #tpu.memory_space<hbm>> -> memref<40x125xi32, #tpu.memory_space<hbm>>
        %dma_wait3A_86 = arith.constant 0 : i32
        %dma_wait3A_87 = arith.constant 0 : i32
        %dma_wait3A_88 = tpu.memref_slice %arg3[%arg0, %arg1, %scan3A_17, %dma_wait3A_86, %dma_wait3A_87] : memref<2x16x4x40x125xi32, #tpu.memory_space<hbm>> -> memref<1x1x1x40x125xi32, #tpu.memory_space<hbm>>
        %dma_wait3A_89 = tpu.memref_squeeze %dma_wait3A_88 : memref<1x1x1x40x125xi32, #tpu.memory_space<hbm>> -> memref<40x125xi32, #tpu.memory_space<hbm>>
        tpu.wait_dma2 semaphore(%run_scoped3A_73 : memref<!tpu.dma_semaphore, #tpu.memory_space<semaphore_mem>>) src(%dma_wait3A_89 : memref<40x125xi32, #tpu.memory_space<hbm>>) dst(%arg7 : memref<40x125xi32, #tpu.memory_space<vmem>>)
        tpu.yield
      }) : () -> ()
      "tpu.region"() ({
        %run_scoped3A_73 = tpu.sem_alloc : memref<!tpu.dma_semaphore, #tpu.memory_space<semaphore_mem>>
        %dma_start3A_74 = arith.constant 0 : i32
        %dma_start3A_75 = arith.constant 0 : i32
        %dma_start3A_76 = tpu.memref_slice %arg4[%arg1, %scan3A_17, %dma_start3A_74, %dma_start3A_75] : memref<16x4x40x125xi32, #tpu.memory_space<hbm>> -> memref<1x1x40x125xi32, #tpu.memory_space<hbm>>
        %dma_start3A_77 = tpu.memref_squeeze %dma_start3A_76 : memref<1x1x40x125xi32, #tpu.memory_space<hbm>> -> memref<40x125xi32, #tpu.memory_space<hbm>>
        %dma_start3A_78 = arith.constant 0 : i32
        %dma_start3A_79 = arith.constant 0 : i32
        %dma_start3A_80 = tpu.memref_slice %arg4[%arg1, %scan3A_17, %dma_start3A_78, %dma_start3A_79] : memref<16x4x40x125xi32, #tpu.memory_space<hbm>> -> memref<1x1x40x125xi32, #tpu.memory_space<hbm>>
        %dma_start3A_81 = tpu.memref_squeeze %dma_start3A_80 : memref<1x1x40x125xi32, #tpu.memory_space<hbm>> -> memref<40x125xi32, #tpu.memory_space<hbm>>
        tpu.enqueue_dma source(%dma_start3A_81 : memref<40x125xi32, #tpu.memory_space<hbm>>) target(%arg8 : memref<40x125xi32, #tpu.memory_space<vmem>>) target_semaphore(%run_scoped3A_73 : memref<!tpu.dma_semaphore, #tpu.memory_space<semaphore_mem>>)
        %dma_wait3A_82 = arith.constant 0 : i32
        %dma_wait3A_83 = arith.constant 0 : i32
        %dma_wait3A_84 = tpu.memref_slice %arg4[%arg1, %scan3A_17, %dma_wait3A_82, %dma_wait3A_83] : memref<16x4x40x125xi32, #tpu.memory_space<hbm>> -> memref<1x1x40x125xi32, #tpu.memory_space<hbm>>
        %dma_wait3A_85 = tpu.memref_squeeze %dma_wait3A_84 : memref<1x1x40x125xi32, #tpu.memory_space<hbm>> -> memref<40x125xi32, #tpu.memory_space<hbm>>
        %dma_wait3A_86 = arith.constant 0 : i32
        %dma_wait3A_87 = arith.constant 0 : i32
        %dma_wait3A_88 = tpu.memref_slice %arg4[%arg1, %scan3A_17, %dma_wait3A_86, %dma_wait3A_87] : memref<16x4x40x125xi32, #tpu.memory_space<hbm>> -> memref<1x1x40x125xi32, #tpu.memory_space<hbm>>
        %dma_wait3A_89 = tpu.memref_squeeze %dma_wait3A_88 : memref<1x1x40x125xi32, #tpu.memory_space<hbm>> -> memref<40x125xi32, #tpu.memory_space<hbm>>
        tpu.wait_dma2 semaphore(%run_scoped3A_73 : memref<!tpu.dma_semaphore, #tpu.memory_space<semaphore_mem>>) src(%dma_wait3A_89 : memref<40x125xi32, #tpu.memory_space<hbm>>) dst(%arg8 : memref<40x125xi32, #tpu.memory_space<vmem>>)
        tpu.yield
      }) : () -> ()
      %dma_start3A = arith.constant 0 : i32
      %dma_start3A_18 = arith.constant 0 : i32
      %dma_start3A_19 = arith.constant 0 : i32
      %dma_start3A_20 = arith.constant 0 : i32
      %dma_start3A_21 = tpu.memref_slice %arg9[%dma_start3A_18, %dma_start3A_19, %dma_start3A_20] : memref<2x125x128xf32, #tpu.memory_space<vmem>> -> memref<1x125x128xf32, #tpu.memory_space<vmem>>
      %dma_start3A_22 = tpu.memref_squeeze %dma_start3A_21 : memref<1x125x128xf32, #tpu.memory_space<vmem>> -> memref<125x128xf32, #tpu.memory_space<vmem>>
      %dma_start3A_23 = arith.constant 0 : i32
      %dma_start3A_24 = tpu.memref_slice %arg7[%dma_start3A, %dma_start3A_23] : memref<40x125xi32, #tpu.memory_space<vmem>> -> memref<1x125xi32, #tpu.memory_space<vmem>>
      %dma_start3A_25 = tpu.memref_squeeze %dma_start3A_24 : memref<1x125xi32, #tpu.memory_space<vmem>> -> memref<125xi32, #tpu.memory_space<vmem>>
      %dma_start3A_26 = arith.constant 0 : i32
      %dma_start3A_27 = arith.constant 0 : i32
      %dma_start3A_28 = tpu.memref_slice %arg2[%dma_start3A_26, %dma_start3A_27] : memref<20000x128xf32, #tpu.memory_space<hbm>> -> memref<20000x128xf32, #tpu.memory_space<hbm>>
      tpu.enqueue_indirect_dma source(%dma_start3A_28 : memref<20000x128xf32, #tpu.memory_space<hbm>>) target(%dma_start3A_22 : memref<125x128xf32, #tpu.memory_space<vmem>>) offsets(%dma_start3A_25 : memref<125xi32, #tpu.memory_space<vmem>>) semaphore(%arg10 : memref<!tpu.dma_semaphore, #tpu.memory_space<semaphore_mem>>)
      %dma_start3A_29 = arith.constant 1 : i32
      %dma_start3A_30 = arith.constant 1 : i32
      %dma_start3A_31 = arith.constant 0 : i32
      %dma_start3A_32 = arith.constant 0 : i32
      %dma_start3A_33 = tpu.memref_slice %arg9[%dma_start3A_30, %dma_start3A_31, %dma_start3A_32] : memref<2x125x128xf32, #tpu.memory_space<vmem>> -> memref<1x125x128xf32, #tpu.memory_space<vmem>>
      %dma_start3A_34 = tpu.memref_squeeze %dma_start3A_33 : memref<1x125x128xf32, #tpu.memory_space<vmem>> -> memref<125x128xf32, #tpu.memory_space<vmem>>
      %dma_start3A_35 = arith.constant 0 : i32
      %dma_start3A_36 = tpu.memref_slice %arg7[%dma_start3A_29, %dma_start3A_35] : memref<40x125xi32, #tpu.memory_space<vmem>> -> memref<1x125xi32, #tpu.memory_space<vmem>>
      %dma_start3A_37 = tpu.memref_squeeze %dma_start3A_36 : memref<1x125xi32, #tpu.memory_space<vmem>> -> memref<125xi32, #tpu.memory_space<vmem>>
      %dma_start3A_38 = arith.constant 0 : i32
      %dma_start3A_39 = arith.constant 0 : i32
      %dma_start3A_40 = tpu.memref_slice %arg2[%dma_start3A_38, %dma_start3A_39] : memref<20000x128xf32, #tpu.memory_space<hbm>> -> memref<20000x128xf32, #tpu.memory_space<hbm>>
      tpu.enqueue_indirect_dma source(%dma_start3A_40 : memref<20000x128xf32, #tpu.memory_space<hbm>>) target(%dma_start3A_34 : memref<125x128xf32, #tpu.memory_space<vmem>>) offsets(%dma_start3A_37 : memref<125xi32, #tpu.memory_space<vmem>>) semaphore(%arg11 : memref<!tpu.dma_semaphore, #tpu.memory_space<semaphore_mem>>)
      %scan3A_41 = arith.constant 0 : i32
      %scan3A_42 = arith.constant 0 : i32
      %scan3A_43 = arith.constant 19 : i32
      %scan3A_44 = arith.addi %scan3A_42, %scan3A_43 : i32
      %scan3A_45 = arith.constant 1 : i32
      scf.for %scan3A_73 = %scan3A_42 to %scan3A_44 step %scan3A_45  : i32 {
        %mul3A_74 = arith.constant 2 : i32
        %mul3A_75 = arith.muli %mul3A_74, %scan3A_73 : i32
        %add3A_76 = arith.constant 0 : i32
        %add3A_77 = arith.addi %mul3A_75, %add3A_76 : i32
        %dma_wait3A_78 = arith.constant 0 : i32
        %dma_wait3A_79 = arith.constant 0 : i32
        %dma_wait3A_80 = arith.constant 0 : i32
        %dma_wait3A_81 = tpu.memref_slice %arg9[%dma_wait3A_78, %dma_wait3A_79, %dma_wait3A_80] : memref<2x125x128xf32, #tpu.memory_space<vmem>> -> memref<1x125x128xf32, #tpu.memory_space<vmem>>
        %dma_wait3A_82 = tpu.memref_squeeze %dma_wait3A_81 : memref<1x125x128xf32, #tpu.memory_space<vmem>> -> memref<125x128xf32, #tpu.memory_space<vmem>>
        %dma_wait3A_83 = arith.constant 0 : i32
        %dma_wait3A_84 = tpu.memref_slice %arg7[%add3A_77, %dma_wait3A_83] : memref<40x125xi32, #tpu.memory_space<vmem>> -> memref<1x125xi32, #tpu.memory_space<vmem>>
        %dma_wait3A_85 = tpu.memref_squeeze %dma_wait3A_84 : memref<1x125xi32, #tpu.memory_space<vmem>> -> memref<125xi32, #tpu.memory_space<vmem>>
        %dma_wait3A_86 = arith.constant 0 : i32
        %dma_wait3A_87 = arith.constant 0 : i32
        %dma_wait3A_88 = tpu.memref_slice %arg2[%dma_wait3A_86, %dma_wait3A_87] : memref<20000x128xf32, #tpu.memory_space<hbm>> -> memref<20000x128xf32, #tpu.memory_space<hbm>>
        tpu.wait_indirect_dma semaphore(%arg10 : memref<!tpu.dma_semaphore, #tpu.memory_space<semaphore_mem>>) src(%dma_wait3A_88 : memref<20000x128xf32, #tpu.memory_space<hbm>>) dst(%dma_wait3A_82 : memref<125x128xf32, #tpu.memory_space<vmem>>)
        %run_scoped3A_89 = arith.constant 0 : i32
        "tpu.region"() ({
          %run_scoped3A_130 = tpu.sem_alloc : memref<!tpu.dma_semaphore, #tpu.memory_space<semaphore_mem>>
          %dma_start3A_131 = arith.constant 0 : i32
          %dma_start3A_132 = arith.constant 0 : i32
          %dma_start3A_133 = tpu.memref_slice %arg9[%run_scoped3A_89, %dma_start3A_131, %dma_start3A_132] : memref<2x125x128xf32, #tpu.memory_space<vmem>> -> memref<1x125x128xf32, #tpu.memory_space<vmem>>
          %dma_start3A_134 = tpu.memref_squeeze %dma_start3A_133 : memref<1x125x128xf32, #tpu.memory_space<vmem>> -> memref<125x128xf32, #tpu.memory_space<vmem>>
          %dma_start3A_135 = arith.constant 0 : i32
          %dma_start3A_136 = tpu.memref_slice %arg8[%add3A_77, %dma_start3A_135] : memref<40x125xi32, #tpu.memory_space<vmem>> -> memref<1x125xi32, #tpu.memory_space<vmem>>
          %dma_start3A_137 = tpu.memref_squeeze %dma_start3A_136 : memref<1x125xi32, #tpu.memory_space<vmem>> -> memref<125xi32, #tpu.memory_space<vmem>>
          %dma_start3A_138 = arith.constant 0 : i32
          %dma_start3A_139 = arith.constant 0 : i32
          %dma_start3A_140 = tpu.memref_slice %arg12[%dma_start3A_138, %dma_start3A_139] : memref<10000x128xf32, #tpu.memory_space<vmem_shared>> -> memref<10000x128xf32, #tpu.memory_space<vmem_shared>>
          tpu.enqueue_indirect_dma source(%dma_start3A_134 : memref<125x128xf32, #tpu.memory_space<vmem>>) target(%dma_start3A_140 : memref<10000x128xf32, #tpu.memory_space<vmem_shared>>) offsets(%dma_start3A_137 : memref<125xi32, #tpu.memory_space<vmem>>) semaphore(%run_scoped3A_130 : memref<!tpu.dma_semaphore, #tpu.memory_space<semaphore_mem>>) {add = true}
          %dma_wait3A_141 = arith.constant 0 : i32
          %dma_wait3A_142 = arith.constant 0 : i32
          %dma_wait3A_143 = tpu.memref_slice %arg9[%run_scoped3A_89, %dma_wait3A_141, %dma_wait3A_142] : memref<2x125x128xf32, #tpu.memory_space<vmem>> -> memref<1x125x128xf32, #tpu.memory_space<vmem>>
          %dma_wait3A_144 = tpu.memref_squeeze %dma_wait3A_143 : memref<1x125x128xf32, #tpu.memory_space<vmem>> -> memref<125x128xf32, #tpu.memory_space<vmem>>
          %dma_wait3A_145 = arith.constant 0 : i32
          %dma_wait3A_146 = tpu.memref_slice %arg8[%add3A_77, %dma_wait3A_145] : memref<40x125xi32, #tpu.memory_space<vmem>> -> memref<1x125xi32, #tpu.memory_space<vmem>>
          %dma_wait3A_147 = tpu.memref_squeeze %dma_wait3A_146 : memref<1x125xi32, #tpu.memory_space<vmem>> -> memref<125xi32, #tpu.memory_space<vmem>>
          %dma_wait3A_148 = arith.constant 0 : i32
          %dma_wait3A_149 = arith.constant 0 : i32
          %dma_wait3A_150 = tpu.memref_slice %arg12[%dma_wait3A_148, %dma_wait3A_149] : memref<10000x128xf32, #tpu.memory_space<vmem_shared>> -> memref<10000x128xf32, #tpu.memory_space<vmem_shared>>
          tpu.wait_indirect_dma semaphore(%run_scoped3A_130 : memref<!tpu.dma_semaphore, #tpu.memory_space<semaphore_mem>>) src(%dma_wait3A_144 : memref<125x128xf32, #tpu.memory_space<vmem>>) dst(%dma_wait3A_150 : memref<10000x128xf32, #tpu.memory_space<vmem_shared>>)
          tpu.yield
        }) : () -> ()
        %add3A_90 = arith.constant 2 : i32
        %add3A_91 = arith.addi %add3A_77, %add3A_90 : i32
        %dma_start3A_92 = arith.constant 0 : i32
        %dma_start3A_93 = arith.constant 0 : i32
        %dma_start3A_94 = arith.constant 0 : i32
        %dma_start3A_95 = tpu.memref_slice %arg9[%dma_start3A_92, %dma_start3A_93, %dma_start3A_94] : memref<2x125x128xf32, #tpu.memory_space<vmem>> -> memref<1x125x128xf32, #tpu.memory_space<vmem>>
        %dma_start3A_96 = tpu.memref_squeeze %dma_start3A_95 : memref<1x125x128xf32, #tpu.memory_space<vmem>> -> memref<125x128xf32, #tpu.memory_space<vmem>>
        %dma_start3A_97 = arith.constant 0 : i32
        %dma_start3A_98 = tpu.memref_slice %arg7[%add3A_91, %dma_start3A_97] : memref<40x125xi32, #tpu.memory_space<vmem>> -> memref<1x125xi32, #tpu.memory_space<vmem>>
        %dma_start3A_99 = tpu.memref_squeeze %dma_start3A_98 : memref<1x125xi32, #tpu.memory_space<vmem>> -> memref<125xi32, #tpu.memory_space<vmem>>
        %dma_start3A_100 = arith.constant 0 : i32
        %dma_start3A_101 = arith.constant 0 : i32
        %dma_start3A_102 = tpu.memref_slice %arg2[%dma_start3A_100, %dma_start3A_101] : memref<20000x128xf32, #tpu.memory_space<hbm>> -> memref<20000x128xf32, #tpu.memory_space<hbm>>
        tpu.enqueue_indirect_dma source(%dma_start3A_102 : memref<20000x128xf32, #tpu.memory_space<hbm>>) target(%dma_start3A_96 : memref<125x128xf32, #tpu.memory_space<vmem>>) offsets(%dma_start3A_99 : memref<125xi32, #tpu.memory_space<vmem>>) semaphore(%arg10 : memref<!tpu.dma_semaphore, #tpu.memory_space<semaphore_mem>>)
        %add3A_103 = arith.constant 1 : i32
        %add3A_104 = arith.addi %mul3A_75, %add3A_103 : i32
        %dma_wait3A_105 = arith.constant 1 : i32
        %dma_wait3A_106 = arith.constant 0 : i32
        %dma_wait3A_107 = arith.constant 0 : i32
        %dma_wait3A_108 = tpu.memref_slice %arg9[%dma_wait3A_105, %dma_wait3A_106, %dma_wait3A_107] : memref<2x125x128xf32, #tpu.memory_space<vmem>> -> memref<1x125x128xf32, #tpu.memory_space<vmem>>
        %dma_wait3A_109 = tpu.memref_squeeze %dma_wait3A_108 : memref<1x125x128xf32, #tpu.memory_space<vmem>> -> memref<125x128xf32, #tpu.memory_space<vmem>>
        %dma_wait3A_110 = arith.constant 0 : i32
        %dma_wait3A_111 = tpu.memref_slice %arg7[%add3A_104, %dma_wait3A_110] : memref<40x125xi32, #tpu.memory_space<vmem>> -> memref<1x125xi32, #tpu.memory_space<vmem>>
        %dma_wait3A_112 = tpu.memref_squeeze %dma_wait3A_111 : memref<1x125xi32, #tpu.memory_space<vmem>> -> memref<125xi32, #tpu.memory_space<vmem>>
        %dma_wait3A_113 = arith.constant 0 : i32
        %dma_wait3A_114 = arith.constant 0 : i32
        %dma_wait3A_115 = tpu.memref_slice %arg2[%dma_wait3A_113, %dma_wait3A_114] : memref<20000x128xf32, #tpu.memory_space<hbm>> -> memref<20000x128xf32, #tpu.memory_space<hbm>>
        tpu.wait_indirect_dma semaphore(%arg11 : memref<!tpu.dma_semaphore, #tpu.memory_space<semaphore_mem>>) src(%dma_wait3A_115 : memref<20000x128xf32, #tpu.memory_space<hbm>>) dst(%dma_wait3A_109 : memref<125x128xf32, #tpu.memory_space<vmem>>)
        %run_scoped3A_116 = arith.constant 1 : i32
        "tpu.region"() ({
          %run_scoped3A_130 = tpu.sem_alloc : memref<!tpu.dma_semaphore, #tpu.memory_space<semaphore_mem>>
          %dma_start3A_131 = arith.constant 0 : i32
          %dma_start3A_132 = arith.constant 0 : i32
          %dma_start3A_133 = tpu.memref_slice %arg9[%run_scoped3A_116, %dma_start3A_131, %dma_start3A_132] : memref<2x125x128xf32, #tpu.memory_space<vmem>> -> memref<1x125x128xf32, #tpu.memory_space<vmem>>
          %dma_start3A_134 = tpu.memref_squeeze %dma_start3A_133 : memref<1x125x128xf32, #tpu.memory_space<vmem>> -> memref<125x128xf32, #tpu.memory_space<vmem>>
          %dma_start3A_135 = arith.constant 0 : i32
          %dma_start3A_136 = tpu.memref_slice %arg8[%add3A_104, %dma_start3A_135] : memref<40x125xi32, #tpu.memory_space<vmem>> -> memref<1x125xi32, #tpu.memory_space<vmem>>
          %dma_start3A_137 = tpu.memref_squeeze %dma_start3A_136 : memref<1x125xi32, #tpu.memory_space<vmem>> -> memref<125xi32, #tpu.memory_space<vmem>>
          %dma_start3A_138 = arith.constant 0 : i32
          %dma_start3A_139 = arith.constant 0 : i32
          %dma_start3A_140 = tpu.memref_slice %arg12[%dma_start3A_138, %dma_start3A_139] : memref<10000x128xf32, #tpu.memory_space<vmem_shared>> -> memref<10000x128xf32, #tpu.memory_space<vmem_shared>>
          tpu.enqueue_indirect_dma source(%dma_start3A_134 : memref<125x128xf32, #tpu.memory_space<vmem>>) target(%dma_start3A_140 : memref<10000x128xf32, #tpu.memory_space<vmem_shared>>) offsets(%dma_start3A_137 : memref<125xi32, #tpu.memory_space<vmem>>) semaphore(%run_scoped3A_130 : memref<!tpu.dma_semaphore, #tpu.memory_space<semaphore_mem>>) {add = true}
          %dma_wait3A_141 = arith.constant 0 : i32
          %dma_wait3A_142 = arith.constant 0 : i32
          %dma_wait3A_143 = tpu.memref_slice %arg9[%run_scoped3A_116, %dma_wait3A_141, %dma_wait3A_142] : memref<2x125x128xf32, #tpu.memory_space<vmem>> -> memref<1x125x128xf32, #tpu.memory_space<vmem>>
          %dma_wait3A_144 = tpu.memref_squeeze %dma_wait3A_143 : memref<1x125x128xf32, #tpu.memory_space<vmem>> -> memref<125x128xf32, #tpu.memory_space<vmem>>
          %dma_wait3A_145 = arith.constant 0 : i32
          %dma_wait3A_146 = tpu.memref_slice %arg8[%add3A_104, %dma_wait3A_145] : memref<40x125xi32, #tpu.memory_space<vmem>> -> memref<1x125xi32, #tpu.memory_space<vmem>>
          %dma_wait3A_147 = tpu.memref_squeeze %dma_wait3A_146 : memref<1x125xi32, #tpu.memory_space<vmem>> -> memref<125xi32, #tpu.memory_space<vmem>>
          %dma_wait3A_148 = arith.constant 0 : i32
          %dma_wait3A_149 = arith.constant 0 : i32
          %dma_wait3A_150 = tpu.memref_slice %arg12[%dma_wait3A_148, %dma_wait3A_149] : memref<10000x128xf32, #tpu.memory_space<vmem_shared>> -> memref<10000x128xf32, #tpu.memory_space<vmem_shared>>
          tpu.wait_indirect_dma semaphore(%run_scoped3A_130 : memref<!tpu.dma_semaphore, #tpu.memory_space<semaphore_mem>>) src(%dma_wait3A_144 : memref<125x128xf32, #tpu.memory_space<vmem>>) dst(%dma_wait3A_150 : memref<10000x128xf32, #tpu.memory_space<vmem_shared>>)
          tpu.yield
        }) : () -> ()
        %add3A_117 = arith.constant 2 : i32
        %add3A_118 = arith.addi %add3A_104, %add3A_117 : i32
        %dma_start3A_119 = arith.constant 1 : i32
        %dma_start3A_120 = arith.constant 0 : i32
        %dma_start3A_121 = arith.constant 0 : i32
        %dma_start3A_122 = tpu.memref_slice %arg9[%dma_start3A_119, %dma_start3A_120, %dma_start3A_121] : memref<2x125x128xf32, #tpu.memory_space<vmem>> -> memref<1x125x128xf32, #tpu.memory_space<vmem>>
        %dma_start3A_123 = tpu.memref_squeeze %dma_start3A_122 : memref<1x125x128xf32, #tpu.memory_space<vmem>> -> memref<125x128xf32, #tpu.memory_space<vmem>>
        %dma_start3A_124 = arith.constant 0 : i32
        %dma_start3A_125 = tpu.memref_slice %arg7[%add3A_118, %dma_start3A_124] : memref<40x125xi32, #tpu.memory_space<vmem>> -> memref<1x125xi32, #tpu.memory_space<vmem>>
        %dma_start3A_126 = tpu.memref_squeeze %dma_start3A_125 : memref<1x125xi32, #tpu.memory_space<vmem>> -> memref<125xi32, #tpu.memory_space<vmem>>
        %dma_start3A_127 = arith.constant 0 : i32
        %dma_start3A_128 = arith.constant 0 : i32
        %dma_start3A_129 = tpu.memref_slice %arg2[%dma_start3A_127, %dma_start3A_128] : memref<20000x128xf32, #tpu.memory_space<hbm>> -> memref<20000x128xf32, #tpu.memory_space<hbm>>
        tpu.enqueue_indirect_dma source(%dma_start3A_129 : memref<20000x128xf32, #tpu.memory_space<hbm>>) target(%dma_start3A_123 : memref<125x128xf32, #tpu.memory_space<vmem>>) offsets(%dma_start3A_126 : memref<125xi32, #tpu.memory_space<vmem>>) semaphore(%arg11 : memref<!tpu.dma_semaphore, #tpu.memory_space<semaphore_mem>>)
      }
      %scan3A_46 = arith.constant 19 : i32
      %dma_wait3A = arith.constant 38 : i32
      %dma_wait3A_47 = arith.constant 0 : i32
      %dma_wait3A_48 = arith.constant 0 : i32
      %dma_wait3A_49 = arith.constant 0 : i32
      %dma_wait3A_50 = tpu.memref_slice %arg9[%dma_wait3A_47, %dma_wait3A_48, %dma_wait3A_49] : memref<2x125x128xf32, #tpu.memory_space<vmem>> -> memref<1x125x128xf32, #tpu.memory_space<vmem>>
      %dma_wait3A_51 = tpu.memref_squeeze %dma_wait3A_50 : memref<1x125x128xf32, #tpu.memory_space<vmem>> -> memref<125x128xf32, #tpu.memory_space<vmem>>
      %dma_wait3A_52 = arith.constant 0 : i32
      %dma_wait3A_53 = tpu.memref_slice %arg7[%dma_wait3A, %dma_wait3A_52] : memref<40x125xi32, #tpu.memory_space<vmem>> -> memref<1x125xi32, #tpu.memory_space<vmem>>
      %dma_wait3A_54 = tpu.memref_squeeze %dma_wait3A_53 : memref<1x125xi32, #tpu.memory_space<vmem>> -> memref<125xi32, #tpu.memory_space<vmem>>
      %dma_wait3A_55 = arith.constant 0 : i32
      %dma_wait3A_56 = arith.constant 0 : i32
      %dma_wait3A_57 = tpu.memref_slice %arg2[%dma_wait3A_55, %dma_wait3A_56] : memref<20000x128xf32, #tpu.memory_space<hbm>> -> memref<20000x128xf32, #tpu.memory_space<hbm>>
      tpu.wait_indirect_dma semaphore(%arg10 : memref<!tpu.dma_semaphore, #tpu.memory_space<semaphore_mem>>) src(%dma_wait3A_57 : memref<20000x128xf32, #tpu.memory_space<hbm>>) dst(%dma_wait3A_51 : memref<125x128xf32, #tpu.memory_space<vmem>>)
      %run_scoped3A = arith.constant 0 : i32
      %run_scoped3A_58 = arith.constant 38 : i32
      "tpu.region"() ({
        %run_scoped3A_73 = tpu.sem_alloc : memref<!tpu.dma_semaphore, #tpu.memory_space<semaphore_mem>>
        %dma_start3A_74 = arith.constant 0 : i32
        %dma_start3A_75 = arith.constant 0 : i32
        %dma_start3A_76 = tpu.memref_slice %arg9[%run_scoped3A, %dma_start3A_74, %dma_start3A_75] : memref<2x125x128xf32, #tpu.memory_space<vmem>> -> memref<1x125x128xf32, #tpu.memory_space<vmem>>
        %dma_start3A_77 = tpu.memref_squeeze %dma_start3A_76 : memref<1x125x128xf32, #tpu.memory_space<vmem>> -> memref<125x128xf32, #tpu.memory_space<vmem>>
        %dma_start3A_78 = arith.constant 0 : i32
        %dma_start3A_79 = tpu.memref_slice %arg8[%run_scoped3A_58, %dma_start3A_78] : memref<40x125xi32, #tpu.memory_space<vmem>> -> memref<1x125xi32, #tpu.memory_space<vmem>>
        %dma_start3A_80 = tpu.memref_squeeze %dma_start3A_79 : memref<1x125xi32, #tpu.memory_space<vmem>> -> memref<125xi32, #tpu.memory_space<vmem>>
        %dma_start3A_81 = arith.constant 0 : i32
        %dma_start3A_82 = arith.constant 0 : i32
        %dma_start3A_83 = tpu.memref_slice %arg12[%dma_start3A_81, %dma_start3A_82] : memref<10000x128xf32, #tpu.memory_space<vmem_shared>> -> memref<10000x128xf32, #tpu.memory_space<vmem_shared>>
        tpu.enqueue_indirect_dma source(%dma_start3A_77 : memref<125x128xf32, #tpu.memory_space<vmem>>) target(%dma_start3A_83 : memref<10000x128xf32, #tpu.memory_space<vmem_shared>>) offsets(%dma_start3A_80 : memref<125xi32, #tpu.memory_space<vmem>>) semaphore(%run_scoped3A_73 : memref<!tpu.dma_semaphore, #tpu.memory_space<semaphore_mem>>) {add = true}
        %dma_wait3A_84 = arith.constant 0 : i32
        %dma_wait3A_85 = arith.constant 0 : i32
        %dma_wait3A_86 = tpu.memref_slice %arg9[%run_scoped3A, %dma_wait3A_84, %dma_wait3A_85] : memref<2x125x128xf32, #tpu.memory_space<vmem>> -> memref<1x125x128xf32, #tpu.memory_space<vmem>>
        %dma_wait3A_87 = tpu.memref_squeeze %dma_wait3A_86 : memref<1x125x128xf32, #tpu.memory_space<vmem>> -> memref<125x128xf32, #tpu.memory_space<vmem>>
        %dma_wait3A_88 = arith.constant 0 : i32
        %dma_wait3A_89 = tpu.memref_slice %arg8[%run_scoped3A_58, %dma_wait3A_88] : memref<40x125xi32, #tpu.memory_space<vmem>> -> memref<1x125xi32, #tpu.memory_space<vmem>>
        %dma_wait3A_90 = tpu.memref_squeeze %dma_wait3A_89 : memref<1x125xi32, #tpu.memory_space<vmem>> -> memref<125xi32, #tpu.memory_space<vmem>>
        %dma_wait3A_91 = arith.constant 0 : i32
        %dma_wait3A_92 = arith.constant 0 : i32
        %dma_wait3A_93 = tpu.memref_slice %arg12[%dma_wait3A_91, %dma_wait3A_92] : memref<10000x128xf32, #tpu.memory_space<vmem_shared>> -> memref<10000x128xf32, #tpu.memory_space<vmem_shared>>
        tpu.wait_indirect_dma semaphore(%run_scoped3A_73 : memref<!tpu.dma_semaphore, #tpu.memory_space<semaphore_mem>>) src(%dma_wait3A_87 : memref<125x128xf32, #tpu.memory_space<vmem>>) dst(%dma_wait3A_93 : memref<10000x128xf32, #tpu.memory_space<vmem_shared>>)
        tpu.yield
      }) : () -> ()
      %dma_wait3A_59 = arith.constant 39 : i32
      %dma_wait3A_60 = arith.constant 1 : i32
      %dma_wait3A_61 = arith.constant 0 : i32
      %dma_wait3A_62 = arith.constant 0 : i32
      %dma_wait3A_63 = tpu.memref_slice %arg9[%dma_wait3A_60, %dma_wait3A_61, %dma_wait3A_62] : memref<2x125x128xf32, #tpu.memory_space<vmem>> -> memref<1x125x128xf32, #tpu.memory_space<vmem>>
      %dma_wait3A_64 = tpu.memref_squeeze %dma_wait3A_63 : memref<1x125x128xf32, #tpu.memory_space<vmem>> -> memref<125x128xf32, #tpu.memory_space<vmem>>
      %dma_wait3A_65 = arith.constant 0 : i32
      %dma_wait3A_66 = tpu.memref_slice %arg7[%dma_wait3A_59, %dma_wait3A_65] : memref<40x125xi32, #tpu.memory_space<vmem>> -> memref<1x125xi32, #tpu.memory_space<vmem>>
      %dma_wait3A_67 = tpu.memref_squeeze %dma_wait3A_66 : memref<1x125xi32, #tpu.memory_space<vmem>> -> memref<125xi32, #tpu.memory_space<vmem>>
      %dma_wait3A_68 = arith.constant 0 : i32
      %dma_wait3A_69 = arith.constant 0 : i32
      %dma_wait3A_70 = tpu.memref_slice %arg2[%dma_wait3A_68, %dma_wait3A_69] : memref<20000x128xf32, #tpu.memory_space<hbm>> -> memref<20000x128xf32, #tpu.memory_space<hbm>>
      tpu.wait_indirect_dma semaphore(%arg11 : memref<!tpu.dma_semaphore, #tpu.memory_space<semaphore_mem>>) src(%dma_wait3A_70 : memref<20000x128xf32, #tpu.memory_space<hbm>>) dst(%dma_wait3A_64 : memref<125x128xf32, #tpu.memory_space<vmem>>)
      %run_scoped3A_71 = arith.constant 1 : i32
      %run_scoped3A_72 = arith.constant 39 : i32
      "tpu.region"() ({
        %run_scoped3A_73 = tpu.sem_alloc : memref<!tpu.dma_semaphore, #tpu.memory_space<semaphore_mem>>
        %dma_start3A_74 = arith.constant 0 : i32
        %dma_start3A_75 = arith.constant 0 : i32
        %dma_start3A_76 = tpu.memref_slice %arg9[%run_scoped3A_71, %dma_start3A_74, %dma_start3A_75] : memref<2x125x128xf32, #tpu.memory_space<vmem>> -> memref<1x125x128xf32, #tpu.memory_space<vmem>>
        %dma_start3A_77 = tpu.memref_squeeze %dma_start3A_76 : memref<1x125x128xf32, #tpu.memory_space<vmem>> -> memref<125x128xf32, #tpu.memory_space<vmem>>
        %dma_start3A_78 = arith.constant 0 : i32
        %dma_start3A_79 = tpu.memref_slice %arg8[%run_scoped3A_72, %dma_start3A_78] : memref<40x125xi32, #tpu.memory_space<vmem>> -> memref<1x125xi32, #tpu.memory_space<vmem>>
        %dma_start3A_80 = tpu.memref_squeeze %dma_start3A_79 : memref<1x125xi32, #tpu.memory_space<vmem>> -> memref<125xi32, #tpu.memory_space<vmem>>
        %dma_start3A_81 = arith.constant 0 : i32
        %dma_start3A_82 = arith.constant 0 : i32
        %dma_start3A_83 = tpu.memref_slice %arg12[%dma_start3A_81, %dma_start3A_82] : memref<10000x128xf32, #tpu.memory_space<vmem_shared>> -> memref<10000x128xf32, #tpu.memory_space<vmem_shared>>
        tpu.enqueue_indirect_dma source(%dma_start3A_77 : memref<125x128xf32, #tpu.memory_space<vmem>>) target(%dma_start3A_83 : memref<10000x128xf32, #tpu.memory_space<vmem_shared>>) offsets(%dma_start3A_80 : memref<125xi32, #tpu.memory_space<vmem>>) semaphore(%run_scoped3A_73 : memref<!tpu.dma_semaphore, #tpu.memory_space<semaphore_mem>>) {add = true}
        %dma_wait3A_84 = arith.constant 0 : i32
        %dma_wait3A_85 = arith.constant 0 : i32
        %dma_wait3A_86 = tpu.memref_slice %arg9[%run_scoped3A_71, %dma_wait3A_84, %dma_wait3A_85] : memref<2x125x128xf32, #tpu.memory_space<vmem>> -> memref<1x125x128xf32, #tpu.memory_space<vmem>>
        %dma_wait3A_87 = tpu.memref_squeeze %dma_wait3A_86 : memref<1x125x128xf32, #tpu.memory_space<vmem>> -> memref<125x128xf32, #tpu.memory_space<vmem>>
        %dma_wait3A_88 = arith.constant 0 : i32
        %dma_wait3A_89 = tpu.memref_slice %arg8[%run_scoped3A_72, %dma_wait3A_88] : memref<40x125xi32, #tpu.memory_space<vmem>> -> memref<1x125xi32, #tpu.memory_space<vmem>>
        %dma_wait3A_90 = tpu.memref_squeeze %dma_wait3A_89 : memref<1x125xi32, #tpu.memory_space<vmem>> -> memref<125xi32, #tpu.memory_space<vmem>>
        %dma_wait3A_91 = arith.constant 0 : i32
        %dma_wait3A_92 = arith.constant 0 : i32
        %dma_wait3A_93 = tpu.memref_slice %arg12[%dma_wait3A_91, %dma_wait3A_92] : memref<10000x128xf32, #tpu.memory_space<vmem_shared>> -> memref<10000x128xf32, #tpu.memory_space<vmem_shared>>
        tpu.wait_indirect_dma semaphore(%run_scoped3A_73 : memref<!tpu.dma_semaphore, #tpu.memory_space<semaphore_mem>>) src(%dma_wait3A_87 : memref<125x128xf32, #tpu.memory_space<vmem>>) dst(%dma_wait3A_93 : memref<10000x128xf32, #tpu.memory_space<vmem_shared>>)
        tpu.yield
      }) : () -> ()
    }
    %scan3A_7 = arith.constant 4 : i32
    %barrier3A_8 = arith.constant 0 : index
    tpu.barrier barrier_id(%barrier3A_8)
    %mul3A_9 = arith.constant 10000 : i32
    %mul3A_10 = arith.muli %arg0, %mul3A_9 : i32
    %add3A = arith.addi %mul3A_10, %multiple_of3A : i32
    %multiple_of3A_11 = tpu.assume_multiple %add3A, 8 : i32
    "tpu.region"() ({
      %run_scoped3A = tpu.sem_alloc : memref<!tpu.dma_semaphore, #tpu.memory_space<semaphore_mem>>
      %dma_start3A = arith.constant 0 : i32
      %dma_start3A_17 = tpu.memref_slice %arg6[%multiple_of3A_11, %dma_start3A] : memref<20000x128xf32, #tpu.memory_space<hbm>> -> memref<624x128xf32, #tpu.memory_space<hbm>>
      %dma_start3A_18 = arith.constant 0 : i32
      %dma_start3A_19 = tpu.memref_slice %arg12[%multiple_of3A, %dma_start3A_18] : memref<10000x128xf32, #tpu.memory_space<vmem_shared>> -> memref<624x128xf32, #tpu.memory_space<vmem_shared>>
      tpu.enqueue_dma source(%dma_start3A_19 : memref<624x128xf32, #tpu.memory_space<vmem_shared>>) target(%dma_start3A_17 : memref<624x128xf32, #tpu.memory_space<hbm>>) target_semaphore(%run_scoped3A : memref<!tpu.dma_semaphore, #tpu.memory_space<semaphore_mem>>)
      %dma_wait3A = arith.constant 0 : i32
      %dma_wait3A_20 = tpu.memref_slice %arg6[%multiple_of3A_11, %dma_wait3A] : memref<20000x128xf32, #tpu.memory_space<hbm>> -> memref<624x128xf32, #tpu.memory_space<hbm>>
      %dma_wait3A_21 = arith.constant 0 : i32
      %dma_wait3A_22 = tpu.memref_slice %arg12[%multiple_of3A, %dma_wait3A_21] : memref<10000x128xf32, #tpu.memory_space<vmem_shared>> -> memref<624x128xf32, #tpu.memory_space<vmem_shared>>
      tpu.wait_dma2 semaphore(%run_scoped3A : memref<!tpu.dma_semaphore, #tpu.memory_space<semaphore_mem>>) src(%dma_wait3A_22 : memref<624x128xf32, #tpu.memory_space<vmem_shared>>) dst(%dma_wait3A_20 : memref<624x128xf32, #tpu.memory_space<hbm>>)
      tpu.yield
    }) : () -> ()
    %eq3A_12 = arith.constant 15 : i32
    %eq3A_13 = arith.cmpi eq, %arg1, %eq3A_12 : i32
    %convert_element_type3A_14 = arith.extui %eq3A_13 : i1 to i32
    %cond3A_15 = arith.constant 0 : i32
    %cond3A_16 = arith.cmpi ne, %convert_element_type3A_14, %cond3A_15 : i32
    scf.if %cond3A_16 {
      %mul3A_17 = arith.constant 10000 : i32
      %mul3A_18 = arith.muli %arg0, %mul3A_17 : i32
      %add3A_19 = arith.constant 9984 : i32
      %add3A_20 = arith.addi %mul3A_18, %add3A_19 : i32
      %multiple_of3A_21 = tpu.assume_multiple %add3A_20, 8 : i32
      "tpu.region"() ({
        %run_scoped3A = tpu.sem_alloc : memref<!tpu.dma_semaphore, #tpu.memory_space<semaphore_mem>>
        %dma_start3A = arith.constant 0 : i32
        %dma_start3A_22 = tpu.memref_slice %arg6[%multiple_of3A_21, %dma_start3A] : memref<20000x128xf32, #tpu.memory_space<hbm>> -> memref<16x128xf32, #tpu.memory_space<hbm>>
        %dma_start3A_23 = arith.constant 9984 : i32
        %dma_start3A_24 = arith.constant 0 : i32
        %dma_start3A_25 = tpu.memref_slice %arg12[%dma_start3A_23, %dma_start3A_24] : memref<10000x128xf32, #tpu.memory_space<vmem_shared>> -> memref<16x128xf32, #tpu.memory_space<vmem_shared>>
        tpu.enqueue_dma source(%dma_start3A_25 : memref<16x128xf32, #tpu.memory_space<vmem_shared>>) target(%dma_start3A_22 : memref<16x128xf32, #tpu.memory_space<hbm>>) target_semaphore(%run_scoped3A : memref<!tpu.dma_semaphore, #tpu.memory_space<semaphore_mem>>)
        %dma_wait3A = arith.constant 0 : i32
        %dma_wait3A_26 = tpu.memref_slice %arg6[%multiple_of3A_21, %dma_wait3A] : memref<20000x128xf32, #tpu.memory_space<hbm>> -> memref<16x128xf32, #tpu.memory_space<hbm>>
        %dma_wait3A_27 = arith.constant 9984 : i32
        %dma_wait3A_28 = arith.constant 0 : i32
        %dma_wait3A_29 = tpu.memref_slice %arg12[%dma_wait3A_27, %dma_wait3A_28] : memref<10000x128xf32, #tpu.memory_space<vmem_shared>> -> memref<16x128xf32, #tpu.memory_space<vmem_shared>>
        tpu.wait_dma2 semaphore(%run_scoped3A : memref<!tpu.dma_semaphore, #tpu.memory_space<semaphore_mem>>) src(%dma_wait3A_29 : memref<16x128xf32, #tpu.memory_space<vmem_shared>>) dst(%dma_wait3A_26 : memref<16x128xf32, #tpu.memory_space<hbm>>)
        tpu.yield
      }) : () -> ()
    } else {
    }
    return
  }
}

module attributes {stable_mosaic.version = 14 : i64} {
  func.func @_enc_body(%arg0: i32, %arg1: memref<1000x128xf32, #tpu.memory_space<vmem>>, %arg2: memref<128x128xf32, #tpu.memory_space<vmem>>, %arg3: memref<1x128xf32, #tpu.memory_space<vmem>>, %arg4: memref<1000x128xf32, #tpu.memory_space<vmem>>, %arg5: memref<2x1000x128xf32, #tpu.memory_space<vmem>>) attributes {dimension_semantics = [#tpu.dimension_semantics<arbitrary>], iteration_bounds = array<i64: 10>, scalar_prefetch = 0 : i64, scratch_operands = 0 : i64, tpu.core_type = #tpu.core_type<tc>, window_params = [{transform_indices = @transform_0, window_bounds = array<i64: 1000, 128>}, {pipeline_mode = #tpu.pipeline_mode<synchronous>, transform_indices = @transform_1, window_bounds = array<i64: 128, 128>}, {pipeline_mode = #tpu.pipeline_mode<synchronous>, transform_indices = @transform_2, window_bounds = array<i64: 1, 128>}, {transform_indices = @transform_3, window_bounds = array<i64: 1000, 128>}, {transform_indices = @transform_4, window_bounds = array<i64: 2, 1000, 128>}]} {
    %get3A = arith.constant 0 : index
    %get3A_0 = arith.constant 0 : index
    %get3A_1 = vector.load %arg1[%get3A, %get3A_0] : memref<1000x128xf32, #tpu.memory_space<vmem>>, vector<1000x128xf32>
    %get3A_2 = arith.constant 0 : index
    %get3A_3 = arith.constant 0 : index
    %get3A_4 = vector.load %arg2[%get3A_2, %get3A_3] : memref<128x128xf32, #tpu.memory_space<vmem>>, vector<128x128xf32>
    %dot_general3A = arith.constant dense<0.000000e+00> : vector<1000x128xf32>
    %dot_general3A_5 = tpu.matmul %get3A_1, %get3A_4, %dot_general3A {dimension_numbers = #tpu.dot_dimension_numbers<[1], [0], [0], [1], [0, 0, 1, 1], [], []>, transpose_lhs_hint = false} : vector<1000x128xf32>, vector<128x128xf32>, vector<1000x128xf32> -> vector<1000x128xf32>
    %get3A_6 = arith.constant 0 : index
    %get3A_7 = arith.constant 0 : index
    %get3A_8 = vector.load %arg3[%get3A_6, %get3A_7] : memref<1x128xf32, #tpu.memory_space<vmem>>, vector<1x128xf32>
    %add3A = vector.broadcast %get3A_8 : vector<1x128xf32> to vector<1000x128xf32>
    %add3A_9 = arith.addf %dot_general3A_5, %add3A : vector<1000x128xf32>
    %swap3A = arith.constant 0 : index
    %swap3A_10 = arith.constant 0 : index
    %swap3A_11 = vector.load %arg4[%swap3A, %swap3A_10] : memref<1000x128xf32, #tpu.memory_space<vmem>>, vector<1000x128xf32>
    tpu.vector_store %arg4[%swap3A, %swap3A_10], %add3A_9 {strides = array<i32>} : memref<1000x128xf32, #tpu.memory_space<vmem>>, vector<1000x128xf32>,
    %max3A = arith.constant 0.000000e+00 : f32
    %max3A_12 = vector.broadcast %max3A : f32 to vector<1000x128xf32>
    %max3A_13 = arith.maximumf %add3A_9, %max3A_12 : vector<1000x128xf32>
    %add3A_14 = arith.constant 1.000000e-07 : f32
    %add3A_15 = vector.broadcast %add3A_14 : f32 to vector<1000x128xf32>
    %add3A_16 = arith.addf %max3A_13, %add3A_15 : vector<1000x128xf32>
    %exp3A = math.exp %add3A_16 : vector<1000x128xf32>
    %mul3A = arith.mulf %add3A_16, %exp3A : vector<1000x128xf32>
    %swap3A_17 = arith.constant 0 : index
    %swap3A_18 = arith.constant 0 : index
    %swap3A_19 = arith.constant 0 : index
    %swap3A_20 = vector.load %arg5[%swap3A_17, %swap3A_18, %swap3A_19] : memref<2x1000x128xf32, #tpu.memory_space<vmem>>, vector<1x1000x128xf32>
    %swap3A_21 = vector.shape_cast %swap3A_20 : vector<1x1000x128xf32> to vector<1000x128xf32>
    %swap3A_22 = vector.shape_cast %mul3A : vector<1000x128xf32> to vector<1x1000x128xf32>
    tpu.vector_store %arg5[%swap3A_17, %swap3A_18, %swap3A_19], %swap3A_22 {strides = array<i32>} : memref<2x1000x128xf32, #tpu.memory_space<vmem>>, vector<1x1000x128xf32>,
    %swap3A_23 = arith.constant 1 : index
    %swap3A_24 = arith.constant 0 : index
    %swap3A_25 = arith.constant 0 : index
    %swap3A_26 = vector.load %arg5[%swap3A_23, %swap3A_24, %swap3A_25] : memref<2x1000x128xf32, #tpu.memory_space<vmem>>, vector<1x1000x128xf32>
    %swap3A_27 = vector.shape_cast %swap3A_26 : vector<1x1000x128xf32> to vector<1000x128xf32>
    %swap3A_28 = vector.shape_cast %exp3A : vector<1000x128xf32> to vector<1x1000x128xf32>
    tpu.vector_store %arg5[%swap3A_23, %swap3A_24, %swap3A_25], %swap3A_28 {strides = array<i32>} : memref<2x1000x128xf32, #tpu.memory_space<vmem>>, vector<1x1000x128xf32>,
    return
  }
  func.func @transform_0(%arg0: i32) -> (i32, i32) {
    %c0_i32 = arith.constant 0 : i32
    %c0_i32_0 = arith.constant 0 : i32
    return %arg0, %c0_i32 : i32, i32
  }
  func.func @transform_1(%arg0: i32) -> (i32, i32) {
    %c0_i32 = arith.constant 0 : i32
    %c0_i32_0 = arith.constant 0 : i32
    %c0_i32_1 = arith.constant 0 : i32
    return %c0_i32, %c0_i32_0 : i32, i32
  }
  func.func @transform_2(%arg0: i32) -> (i32, i32) {
    %c0_i32 = arith.constant 0 : i32
    %c0_i32_0 = arith.constant 0 : i32
    %c0_i32_1 = arith.constant 0 : i32
    return %c0_i32, %c0_i32_0 : i32, i32
  }
  func.func @transform_3(%arg0: i32) -> (i32, i32) {
    %c0_i32 = arith.constant 0 : i32
    %c0_i32_0 = arith.constant 0 : i32
    return %arg0, %c0_i32 : i32, i32
  }
  func.func @transform_4(%arg0: i32) -> (i32, i32, i32) {
    %c0_i32 = arith.constant 0 : i32
    %c0_i32_0 = arith.constant 0 : i32
    %c0_i32_1 = arith.constant 0 : i32
    return %c0_i32, %arg0, %c0_i32_0 : i32, i32, i32
  }
}

module attributes {stable_mosaic.version = 14 : i64} {
  func.func @_mid_body(%arg0: i32, %arg1: memref<1000x128xf32, #tpu.memory_space<vmem>>, %arg2: memref<1000x128xf32, #tpu.memory_space<vmem>>, %arg3: memref<2x1000x128xf32, #tpu.memory_space<vmem>>, %arg4: memref<128x128xf32, #tpu.memory_space<vmem>>, %arg5: memref<1x128xf32, #tpu.memory_space<vmem>>, %arg6: memref<1x128xf32, #tpu.memory_space<vmem>>, %arg7: memref<1x128xf32, #tpu.memory_space<vmem>>, %arg8: memref<1000x128xf32, #tpu.memory_space<vmem>>, %arg9: memref<1000x128xf32, #tpu.memory_space<vmem>>, %arg10: memref<2x1000x128xf32, #tpu.memory_space<vmem>>) attributes {dimension_semantics = [#tpu.dimension_semantics<arbitrary>], iteration_bounds = array<i64: 10>, scalar_prefetch = 0 : i64, scratch_operands = 0 : i64, tpu.core_type = #tpu.core_type<tc>, window_params = [{transform_indices = @transform_0, window_bounds = array<i64: 1000, 128>}, {transform_indices = @transform_1, window_bounds = array<i64: 1000, 128>}, {transform_indices = @transform_2, window_bounds = array<i64: 2, 1000, 128>}, {pipeline_mode = #tpu.pipeline_mode<synchronous>, transform_indices = @transform_3, window_bounds = array<i64: 128, 128>}, {pipeline_mode = #tpu.pipeline_mode<synchronous>, transform_indices = @transform_4, window_bounds = array<i64: 1, 128>}, {pipeline_mode = #tpu.pipeline_mode<synchronous>, transform_indices = @transform_5, window_bounds = array<i64: 1, 128>}, {pipeline_mode = #tpu.pipeline_mode<synchronous>, transform_indices = @transform_6, window_bounds = array<i64: 1, 128>}, {transform_indices = @transform_7, window_bounds = array<i64: 1000, 128>}, {transform_indices = @transform_8, window_bounds = array<i64: 1000, 128>}, {transform_indices = @transform_9, window_bounds = array<i64: 2, 1000, 128>}]} {
    %get3A = arith.constant 0 : index
    %get3A_0 = arith.constant 0 : index
    %get3A_1 = arith.constant 0 : index
    %get3A_2 = vector.load %arg3[%get3A, %get3A_0, %get3A_1] : memref<2x1000x128xf32, #tpu.memory_space<vmem>>, vector<1x1000x128xf32>
    %get3A_3 = vector.shape_cast %get3A_2 : vector<1x1000x128xf32> to vector<1000x128xf32>
    %get3A_4 = arith.constant 1 : index
    %get3A_5 = arith.constant 0 : index
    %get3A_6 = arith.constant 0 : index
    %get3A_7 = vector.load %arg3[%get3A_4, %get3A_5, %get3A_6] : memref<2x1000x128xf32, #tpu.memory_space<vmem>>, vector<1x1000x128xf32>
    %get3A_8 = vector.shape_cast %get3A_7 : vector<1x1000x128xf32> to vector<1000x128xf32>
    %add3A = arith.constant 1.000000e-16 : f32
    %add3A_9 = vector.broadcast %add3A : f32 to vector<1000x128xf32>
    %add3A_10 = arith.addf %get3A_8, %add3A_9 : vector<1000x128xf32>
    %div3A = arith.divf %get3A_3, %add3A_10 : vector<1000x128xf32>
    %get3A_11 = arith.constant 0 : index
    %get3A_12 = arith.constant 0 : index
    %get3A_13 = vector.load %arg1[%get3A_11, %get3A_12] : memref<1000x128xf32, #tpu.memory_space<vmem>>, vector<1000x128xf32>
    %add3A_14 = arith.addf %get3A_13, %div3A : vector<1000x128xf32>
    %get3A_15 = arith.constant 0 : index
    %get3A_16 = arith.constant 0 : index
    %get3A_17 = vector.load %arg4[%get3A_15, %get3A_16] : memref<128x128xf32, #tpu.memory_space<vmem>>, vector<128x128xf32>
    %dot_general3A = arith.constant dense<0.000000e+00> : vector<1000x128xf32>
    %dot_general3A_18 = tpu.matmul %add3A_14, %get3A_17, %dot_general3A {dimension_numbers = #tpu.dot_dimension_numbers<[1], [0], [0], [1], [0, 0, 1, 1], [], []>, transpose_lhs_hint = false} : vector<1000x128xf32>, vector<128x128xf32>, vector<1000x128xf32> -> vector<1000x128xf32>
    %get3A_19 = arith.constant 0 : index
    %get3A_20 = arith.constant 0 : index
    %get3A_21 = vector.load %arg5[%get3A_19, %get3A_20] : memref<1x128xf32, #tpu.memory_space<vmem>>, vector<1x128xf32>
    %add3A_22 = vector.broadcast %get3A_21 : vector<1x128xf32> to vector<1000x128xf32>
    %add3A_23 = arith.addf %dot_general3A_18, %add3A_22 : vector<1000x128xf32>
    %get3A_24 = arith.constant 0 : index
    %get3A_25 = arith.constant 0 : index
    %get3A_26 = vector.load %arg2[%get3A_24, %get3A_25] : memref<1000x128xf32, #tpu.memory_space<vmem>>, vector<1000x128xf32>
    %add3A_27 = arith.addf %add3A_23, %get3A_26 : vector<1000x128xf32>
    %swap3A = arith.constant 0 : index
    %swap3A_28 = arith.constant 0 : index
    %swap3A_29 = vector.load %arg8[%swap3A, %swap3A_28] : memref<1000x128xf32, #tpu.memory_space<vmem>>, vector<1000x128xf32>
    tpu.vector_store %arg8[%swap3A, %swap3A_28], %add3A_27 {strides = array<i32>} : memref<1000x128xf32, #tpu.memory_space<vmem>>, vector<1000x128xf32>,
    %reduce_sum3A = arith.constant dense<0.000000e+00> : vector<1000xf32>
    %reduce_sum3A_30 = vector.multi_reduction <add>, %add3A_27, %reduce_sum3A [1] : vector<1000x128xf32> to vector<1000xf32>
    %broadcast_in_dim3A = vector.shape_cast %reduce_sum3A_30 : vector<1000xf32> to vector<1000x1xf32>
    %div3A_31 = arith.constant 1.280000e+02 : f32
    %div3A_32 = vector.broadcast %div3A_31 : f32 to vector<1000x1xf32>
    %div3A_33 = arith.divf %broadcast_in_dim3A, %div3A_32 : vector<1000x1xf32>
    %sub3A = vector.broadcast %div3A_33 : vector<1000x1xf32> to vector<1000x128xf32>
    %sub3A_34 = arith.subf %add3A_27, %sub3A : vector<1000x128xf32>
    %mul3A = arith.mulf %sub3A_34, %sub3A_34 : vector<1000x128xf32>
    %reduce_sum3A_35 = arith.constant dense<0.000000e+00> : vector<1000xf32>
    %reduce_sum3A_36 = vector.multi_reduction <add>, %mul3A, %reduce_sum3A_35 [1] : vector<1000x128xf32> to vector<1000xf32>
    %broadcast_in_dim3A_37 = vector.shape_cast %reduce_sum3A_36 : vector<1000xf32> to vector<1000x1xf32>
    %div3A_38 = arith.constant 1.280000e+02 : f32
    %div3A_39 = vector.broadcast %div3A_38 : f32 to vector<1000x1xf32>
    %div3A_40 = arith.divf %broadcast_in_dim3A_37, %div3A_39 : vector<1000x1xf32>
    %add3A_41 = arith.constant 9.99999974E-6 : f32
    %add3A_42 = vector.broadcast %add3A_41 : f32 to vector<1000x1xf32>
    %add3A_43 = arith.addf %div3A_40, %add3A_42 : vector<1000x1xf32>
    %sqrt3A = math.sqrt %add3A_43 : vector<1000x1xf32>
    %div3A_44 = vector.broadcast %sqrt3A : vector<1000x1xf32> to vector<1000x128xf32>
    %div3A_45 = arith.divf %sub3A_34, %div3A_44 : vector<1000x128xf32>
    %get3A_46 = arith.constant 0 : index
    %get3A_47 = arith.constant 0 : index
    %get3A_48 = vector.load %arg6[%get3A_46, %get3A_47] : memref<1x128xf32, #tpu.memory_space<vmem>>, vector<1x128xf32>
    %mul3A_49 = vector.broadcast %get3A_48 : vector<1x128xf32> to vector<1000x128xf32>
    %mul3A_50 = arith.mulf %div3A_45, %mul3A_49 : vector<1000x128xf32>
    %get3A_51 = arith.constant 0 : index
    %get3A_52 = arith.constant 0 : index
    %get3A_53 = vector.load %arg7[%get3A_51, %get3A_52] : memref<1x128xf32, #tpu.memory_space<vmem>>, vector<1x128xf32>
    %add3A_54 = vector.broadcast %get3A_53 : vector<1x128xf32> to vector<1000x128xf32>
    %add3A_55 = arith.addf %mul3A_50, %add3A_54 : vector<1000x128xf32>
    %max3A = arith.constant 0.000000e+00 : f32
    %max3A_56 = vector.broadcast %max3A : f32 to vector<1000x128xf32>
    %max3A_57 = arith.maximumf %add3A_55, %max3A_56 : vector<1000x128xf32>
    %swap3A_58 = arith.constant 0 : index
    %swap3A_59 = arith.constant 0 : index
    %swap3A_60 = vector.load %arg9[%swap3A_58, %swap3A_59] : memref<1000x128xf32, #tpu.memory_space<vmem>>, vector<1000x128xf32>
    tpu.vector_store %arg9[%swap3A_58, %swap3A_59], %max3A_57 {strides = array<i32>} : memref<1000x128xf32, #tpu.memory_space<vmem>>, vector<1000x128xf32>,
    %add3A_61 = arith.constant 1.000000e-07 : f32
    %add3A_62 = vector.broadcast %add3A_61 : f32 to vector<1000x128xf32>
    %add3A_63 = arith.addf %max3A_57, %add3A_62 : vector<1000x128xf32>
    %exp3A = math.exp %add3A_63 : vector<1000x128xf32>
    %mul3A_64 = arith.mulf %add3A_63, %exp3A : vector<1000x128xf32>
    %swap3A_65 = arith.constant 0 : index
    %swap3A_66 = arith.constant 0 : index
    %swap3A_67 = arith.constant 0 : index
    %swap3A_68 = vector.load %arg10[%swap3A_65, %swap3A_66, %swap3A_67] : memref<2x1000x128xf32, #tpu.memory_space<vmem>>, vector<1x1000x128xf32>
    %swap3A_69 = vector.shape_cast %swap3A_68 : vector<1x1000x128xf32> to vector<1000x128xf32>
    %swap3A_70 = vector.shape_cast %mul3A_64 : vector<1000x128xf32> to vector<1x1000x128xf32>
    tpu.vector_store %arg10[%swap3A_65, %swap3A_66, %swap3A_67], %swap3A_70 {strides = array<i32>} : memref<2x1000x128xf32, #tpu.memory_space<vmem>>, vector<1x1000x128xf32>,
    %swap3A_71 = arith.constant 1 : index
    %swap3A_72 = arith.constant 0 : index
    %swap3A_73 = arith.constant 0 : index
    %swap3A_74 = vector.load %arg10[%swap3A_71, %swap3A_72, %swap3A_73] : memref<2x1000x128xf32, #tpu.memory_space<vmem>>, vector<1x1000x128xf32>
    %swap3A_75 = vector.shape_cast %swap3A_74 : vector<1x1000x128xf32> to vector<1000x128xf32>
    %swap3A_76 = vector.shape_cast %exp3A : vector<1000x128xf32> to vector<1x1000x128xf32>
    tpu.vector_store %arg10[%swap3A_71, %swap3A_72, %swap3A_73], %swap3A_76 {strides = array<i32>} : memref<2x1000x128xf32, #tpu.memory_space<vmem>>, vector<1x1000x128xf32>,
    return
  }
  func.func @transform_0(%arg0: i32) -> (i32, i32) {
    %c0_i32 = arith.constant 0 : i32
    %c0_i32_0 = arith.constant 0 : i32
    return %arg0, %c0_i32 : i32, i32
  }
  func.func @transform_1(%arg0: i32) -> (i32, i32) {
    %c0_i32 = arith.constant 0 : i32
    %c0_i32_0 = arith.constant 0 : i32
    return %arg0, %c0_i32 : i32, i32
  }
  func.func @transform_2(%arg0: i32) -> (i32, i32, i32) {
    %c0_i32 = arith.constant 0 : i32
    %c0_i32_0 = arith.constant 0 : i32
    %c0_i32_1 = arith.constant 0 : i32
    return %c0_i32, %arg0, %c0_i32_0 : i32, i32, i32
  }
  func.func @transform_3(%arg0: i32) -> (i32, i32) {
    %c0_i32 = arith.constant 0 : i32
    %c0_i32_0 = arith.constant 0 : i32
    %c0_i32_1 = arith.constant 0 : i32
    return %c0_i32, %c0_i32_0 : i32, i32
  }
  func.func @transform_4(%arg0: i32) -> (i32, i32) {
    %c0_i32 = arith.constant 0 : i32
    %c0_i32_0 = arith.constant 0 : i32
    %c0_i32_1 = arith.constant 0 : i32
    return %c0_i32, %c0_i32_0 : i32, i32
  }
  func.func @transform_5(%arg0: i32) -> (i32, i32) {
    %c0_i32 = arith.constant 0 : i32
    %c0_i32_0 = arith.constant 0 : i32
    %c0_i32_1 = arith.constant 0 : i32
    return %c0_i32, %c0_i32_0 : i32, i32
  }
  func.func @transform_6(%arg0: i32) -> (i32, i32) {
    %c0_i32 = arith.constant 0 : i32
    %c0_i32_0 = arith.constant 0 : i32
    %c0_i32_1 = arith.constant 0 : i32
    return %c0_i32, %c0_i32_0 : i32, i32
  }
  func.func @transform_7(%arg0: i32) -> (i32, i32) {
    %c0_i32 = arith.constant 0 : i32
    %c0_i32_0 = arith.constant 0 : i32
    return %arg0, %c0_i32 : i32, i32
  }
  func.func @transform_8(%arg0: i32) -> (i32, i32) {
    %c0_i32 = arith.constant 0 : i32
    %c0_i32_0 = arith.constant 0 : i32
    return %arg0, %c0_i32 : i32, i32
  }
  func.func @transform_9(%arg0: i32) -> (i32, i32, i32) {
    %c0_i32 = arith.constant 0 : i32
    %c0_i32_0 = arith.constant 0 : i32
    %c0_i32_1 = arith.constant 0 : i32
    return %c0_i32, %arg0, %c0_i32_0 : i32, i32, i32
  }
}

module attributes {stable_mosaic.version = 14 : i64} {
  func.func @_fin_body(%arg0: i32, %arg1: memref<1000x128xf32, #tpu.memory_space<vmem>>, %arg2: memref<1000x128xf32, #tpu.memory_space<vmem>>, %arg3: memref<2x1000x128xf32, #tpu.memory_space<vmem>>, %arg4: memref<128x128xf32, #tpu.memory_space<vmem>>, %arg5: memref<1x128xf32, #tpu.memory_space<vmem>>, %arg6: memref<1x128xf32, #tpu.memory_space<vmem>>, %arg7: memref<1x128xf32, #tpu.memory_space<vmem>>, %arg8: memref<128x40xf32, #tpu.memory_space<vmem>>, %arg9: memref<1x40xf32, #tpu.memory_space<vmem>>, %arg10: memref<1000x40xf32, #tpu.memory_space<vmem>>) attributes {dimension_semantics = [#tpu.dimension_semantics<arbitrary>], iteration_bounds = array<i64: 10>, scalar_prefetch = 0 : i64, scratch_operands = 0 : i64, tpu.core_type = #tpu.core_type<tc>, window_params = [{transform_indices = @transform_0, window_bounds = array<i64: 1000, 128>}, {transform_indices = @transform_1, window_bounds = array<i64: 1000, 128>}, {transform_indices = @transform_2, window_bounds = array<i64: 2, 1000, 128>}, {pipeline_mode = #tpu.pipeline_mode<synchronous>, transform_indices = @transform_3, window_bounds = array<i64: 128, 128>}, {pipeline_mode = #tpu.pipeline_mode<synchronous>, transform_indices = @transform_4, window_bounds = array<i64: 1, 128>}, {pipeline_mode = #tpu.pipeline_mode<synchronous>, transform_indices = @transform_5, window_bounds = array<i64: 1, 128>}, {pipeline_mode = #tpu.pipeline_mode<synchronous>, transform_indices = @transform_6, window_bounds = array<i64: 1, 128>}, {pipeline_mode = #tpu.pipeline_mode<synchronous>, transform_indices = @transform_7, window_bounds = array<i64: 128, 40>}, {pipeline_mode = #tpu.pipeline_mode<synchronous>, transform_indices = @transform_8, window_bounds = array<i64: 1, 40>}, {transform_indices = @transform_9, window_bounds = array<i64: 1000, 40>}]} {
    %get3A = arith.constant 0 : index
    %get3A_0 = arith.constant 0 : index
    %get3A_1 = arith.constant 0 : index
    %get3A_2 = vector.load %arg3[%get3A, %get3A_0, %get3A_1] : memref<2x1000x128xf32, #tpu.memory_space<vmem>>, vector<1x1000x128xf32>
    %get3A_3 = vector.shape_cast %get3A_2 : vector<1x1000x128xf32> to vector<1000x128xf32>
    %get3A_4 = arith.constant 1 : index
    %get3A_5 = arith.constant 0 : index
    %get3A_6 = arith.constant 0 : index
    %get3A_7 = vector.load %arg3[%get3A_4, %get3A_5, %get3A_6] : memref<2x1000x128xf32, #tpu.memory_space<vmem>>, vector<1x1000x128xf32>
    %get3A_8 = vector.shape_cast %get3A_7 : vector<1x1000x128xf32> to vector<1000x128xf32>
    %add3A = arith.constant 1.000000e-16 : f32
    %add3A_9 = vector.broadcast %add3A : f32 to vector<1000x128xf32>
    %add3A_10 = arith.addf %get3A_8, %add3A_9 : vector<1000x128xf32>
    %div3A = arith.divf %get3A_3, %add3A_10 : vector<1000x128xf32>
    %get3A_11 = arith.constant 0 : index
    %get3A_12 = arith.constant 0 : index
    %get3A_13 = vector.load %arg1[%get3A_11, %get3A_12] : memref<1000x128xf32, #tpu.memory_space<vmem>>, vector<1000x128xf32>
    %add3A_14 = arith.addf %get3A_13, %div3A : vector<1000x128xf32>
    %get3A_15 = arith.constant 0 : index
    %get3A_16 = arith.constant 0 : index
    %get3A_17 = vector.load %arg4[%get3A_15, %get3A_16] : memref<128x128xf32, #tpu.memory_space<vmem>>, vector<128x128xf32>
    %dot_general3A = arith.constant dense<0.000000e+00> : vector<1000x128xf32>
    %dot_general3A_18 = tpu.matmul %add3A_14, %get3A_17, %dot_general3A {dimension_numbers = #tpu.dot_dimension_numbers<[1], [0], [0], [1], [0, 0, 1, 1], [], []>, transpose_lhs_hint = false} : vector<1000x128xf32>, vector<128x128xf32>, vector<1000x128xf32> -> vector<1000x128xf32>
    %get3A_19 = arith.constant 0 : index
    %get3A_20 = arith.constant 0 : index
    %get3A_21 = vector.load %arg5[%get3A_19, %get3A_20] : memref<1x128xf32, #tpu.memory_space<vmem>>, vector<1x128xf32>
    %add3A_22 = vector.broadcast %get3A_21 : vector<1x128xf32> to vector<1000x128xf32>
    %add3A_23 = arith.addf %dot_general3A_18, %add3A_22 : vector<1000x128xf32>
    %get3A_24 = arith.constant 0 : index
    %get3A_25 = arith.constant 0 : index
    %get3A_26 = vector.load %arg2[%get3A_24, %get3A_25] : memref<1000x128xf32, #tpu.memory_space<vmem>>, vector<1000x128xf32>
    %add3A_27 = arith.addf %add3A_23, %get3A_26 : vector<1000x128xf32>
    %reduce_sum3A = arith.constant dense<0.000000e+00> : vector<1000xf32>
    %reduce_sum3A_28 = vector.multi_reduction <add>, %add3A_27, %reduce_sum3A [1] : vector<1000x128xf32> to vector<1000xf32>
    %broadcast_in_dim3A = vector.shape_cast %reduce_sum3A_28 : vector<1000xf32> to vector<1000x1xf32>
    %div3A_29 = arith.constant 1.280000e+02 : f32
    %div3A_30 = vector.broadcast %div3A_29 : f32 to vector<1000x1xf32>
    %div3A_31 = arith.divf %broadcast_in_dim3A, %div3A_30 : vector<1000x1xf32>
    %sub3A = vector.broadcast %div3A_31 : vector<1000x1xf32> to vector<1000x128xf32>
    %sub3A_32 = arith.subf %add3A_27, %sub3A : vector<1000x128xf32>
    %mul3A = arith.mulf %sub3A_32, %sub3A_32 : vector<1000x128xf32>
    %reduce_sum3A_33 = arith.constant dense<0.000000e+00> : vector<1000xf32>
    %reduce_sum3A_34 = vector.multi_reduction <add>, %mul3A, %reduce_sum3A_33 [1] : vector<1000x128xf32> to vector<1000xf32>
    %broadcast_in_dim3A_35 = vector.shape_cast %reduce_sum3A_34 : vector<1000xf32> to vector<1000x1xf32>
    %div3A_36 = arith.constant 1.280000e+02 : f32
    %div3A_37 = vector.broadcast %div3A_36 : f32 to vector<1000x1xf32>
    %div3A_38 = arith.divf %broadcast_in_dim3A_35, %div3A_37 : vector<1000x1xf32>
    %add3A_39 = arith.constant 9.99999974E-6 : f32
    %add3A_40 = vector.broadcast %add3A_39 : f32 to vector<1000x1xf32>
    %add3A_41 = arith.addf %div3A_38, %add3A_40 : vector<1000x1xf32>
    %sqrt3A = math.sqrt %add3A_41 : vector<1000x1xf32>
    %div3A_42 = vector.broadcast %sqrt3A : vector<1000x1xf32> to vector<1000x128xf32>
    %div3A_43 = arith.divf %sub3A_32, %div3A_42 : vector<1000x128xf32>
    %get3A_44 = arith.constant 0 : index
    %get3A_45 = arith.constant 0 : index
    %get3A_46 = vector.load %arg6[%get3A_44, %get3A_45] : memref<1x128xf32, #tpu.memory_space<vmem>>, vector<1x128xf32>
    %mul3A_47 = vector.broadcast %get3A_46 : vector<1x128xf32> to vector<1000x128xf32>
    %mul3A_48 = arith.mulf %div3A_43, %mul3A_47 : vector<1000x128xf32>
    %get3A_49 = arith.constant 0 : index
    %get3A_50 = arith.constant 0 : index
    %get3A_51 = vector.load %arg7[%get3A_49, %get3A_50] : memref<1x128xf32, #tpu.memory_space<vmem>>, vector<1x128xf32>
    %add3A_52 = vector.broadcast %get3A_51 : vector<1x128xf32> to vector<1000x128xf32>
    %add3A_53 = arith.addf %mul3A_48, %add3A_52 : vector<1000x128xf32>
    %max3A = arith.constant 0.000000e+00 : f32
    %max3A_54 = vector.broadcast %max3A : f32 to vector<1000x128xf32>
    %max3A_55 = arith.maximumf %add3A_53, %max3A_54 : vector<1000x128xf32>
    %get3A_56 = arith.constant 0 : index
    %get3A_57 = arith.constant 0 : index
    %get3A_58 = vector.load %arg8[%get3A_56, %get3A_57] : memref<128x40xf32, #tpu.memory_space<vmem>>, vector<128x40xf32>
    %dot_general3A_59 = arith.constant dense<0.000000e+00> : vector<1000x40xf32>
    %dot_general3A_60 = tpu.matmul %max3A_55, %get3A_58, %dot_general3A_59 {dimension_numbers = #tpu.dot_dimension_numbers<[1], [0], [0], [1], [0, 0, 1, 1], [], []>, transpose_lhs_hint = false} : vector<1000x128xf32>, vector<128x40xf32>, vector<1000x40xf32> -> vector<1000x40xf32>
    %get3A_61 = arith.constant 0 : index
    %get3A_62 = arith.constant 0 : index
    %get3A_63 = vector.load %arg9[%get3A_61, %get3A_62] : memref<1x40xf32, #tpu.memory_space<vmem>>, vector<1x40xf32>
    %add3A_64 = vector.broadcast %get3A_63 : vector<1x40xf32> to vector<1000x40xf32>
    %add3A_65 = arith.addf %dot_general3A_60, %add3A_64 : vector<1000x40xf32>
    %reduce_max3A = arith.constant dense<0xFF800000> : vector<1000xf32>
    %reduce_max3A_66 = vector.multi_reduction <maximumf>, %add3A_65, %reduce_max3A [1] : vector<1000x40xf32> to vector<1000xf32>
    %broadcast_in_dim3A_67 = vector.shape_cast %reduce_max3A_66 : vector<1000xf32> to vector<1000x1xf32>
    %sub3A_68 = vector.broadcast %broadcast_in_dim3A_67 : vector<1000x1xf32> to vector<1000x40xf32>
    %sub3A_69 = arith.subf %add3A_65, %sub3A_68 : vector<1000x40xf32>
    %exp3A = math.exp %sub3A_69 : vector<1000x40xf32>
    %reduce_sum3A_70 = arith.constant dense<0.000000e+00> : vector<1000xf32>
    %reduce_sum3A_71 = vector.multi_reduction <add>, %exp3A, %reduce_sum3A_70 [1] : vector<1000x40xf32> to vector<1000xf32>
    %broadcast_in_dim3A_72 = vector.shape_cast %reduce_sum3A_71 : vector<1000xf32> to vector<1000x1xf32>
    %log3A = math.log %broadcast_in_dim3A_72 : vector<1000x1xf32>
    %sub3A_73 = vector.broadcast %broadcast_in_dim3A_67 : vector<1000x1xf32> to vector<1000x40xf32>
    %sub3A_74 = arith.subf %add3A_65, %sub3A_73 : vector<1000x40xf32>
    %sub3A_75 = vector.broadcast %log3A : vector<1000x1xf32> to vector<1000x40xf32>
    %sub3A_76 = arith.subf %sub3A_74, %sub3A_75 : vector<1000x40xf32>
    %swap3A = arith.constant 0 : index
    %swap3A_77 = arith.constant 0 : index
    %swap3A_78 = vector.load %arg10[%swap3A, %swap3A_77] : memref<1000x40xf32, #tpu.memory_space<vmem>>, vector<1000x40xf32>
    tpu.vector_store %arg10[%swap3A, %swap3A_77], %sub3A_76 {strides = array<i32>} : memref<1000x40xf32, #tpu.memory_space<vmem>>, vector<1000x40xf32>,
    return
  }
  func.func @transform_0(%arg0: i32) -> (i32, i32) {
    %c0_i32 = arith.constant 0 : i32
    %c0_i32_0 = arith.constant 0 : i32
    return %arg0, %c0_i32 : i32, i32
  }
  func.func @transform_1(%arg0: i32) -> (i32, i32) {
    %c0_i32 = arith.constant 0 : i32
    %c0_i32_0 = arith.constant 0 : i32
    return %arg0, %c0_i32 : i32, i32
  }
  func.func @transform_2(%arg0: i32) -> (i32, i32, i32) {
    %c0_i32 = arith.constant 0 : i32
    %c0_i32_0 = arith.constant 0 : i32
    %c0_i32_1 = arith.constant 0 : i32
    return %c0_i32, %arg0, %c0_i32_0 : i32, i32, i32
  }
  func.func @transform_3(%arg0: i32) -> (i32, i32) {
    %c0_i32 = arith.constant 0 : i32
    %c0_i32_0 = arith.constant 0 : i32
    %c0_i32_1 = arith.constant 0 : i32
    return %c0_i32, %c0_i32_0 : i32, i32
  }
  func.func @transform_4(%arg0: i32) -> (i32, i32) {
    %c0_i32 = arith.constant 0 : i32
    %c0_i32_0 = arith.constant 0 : i32
    %c0_i32_1 = arith.constant 0 : i32
    return %c0_i32, %c0_i32_0 : i32, i32
  }
  func.func @transform_5(%arg0: i32) -> (i32, i32) {
    %c0_i32 = arith.constant 0 : i32
    %c0_i32_0 = arith.constant 0 : i32
    %c0_i32_1 = arith.constant 0 : i32
    return %c0_i32, %c0_i32_0 : i32, i32
  }
  func.func @transform_6(%arg0: i32) -> (i32, i32) {
    %c0_i32 = arith.constant 0 : i32
    %c0_i32_0 = arith.constant 0 : i32
    %c0_i32_1 = arith.constant 0 : i32
    return %c0_i32, %c0_i32_0 : i32, i32
  }
  func.func @transform_7(%arg0: i32) -> (i32, i32) {
    %c0_i32 = arith.constant 0 : i32
    %c0_i32_0 = arith.constant 0 : i32
    %c0_i32_1 = arith.constant 0 : i32
    return %c0_i32, %c0_i32_0 : i32, i32
  }
  func.func @transform_8(%arg0: i32) -> (i32, i32) {
    %c0_i32 = arith.constant 0 : i32
    %c0_i32_0 = arith.constant 0 : i32
    %c0_i32_1 = arith.constant 0 : i32
    return %c0_i32, %c0_i32_0 : i32, i32
  }
  func.func @transform_9(%arg0: i32) -> (i32, i32) {
    %c0_i32 = arith.constant 0 : i32
    %c0_i32_0 = arith.constant 0 : i32
    return %arg0, %c0_i32 : i32, i32
  }
}

</mosaic_0001>

<sc_bundles>
// kernel: kernel.12.cloned.1.call-start
scs
__scs_entry_jumppad:
0x0: {  	(pc) =	sbr.rel $0x88, $3  }
0x1: {  	(tag) =	ssettag $0x0;
	lr =	simm.s32 $0x1  }
0x2: {  	[smem:$0x3F8F] =	sst lr;
	_ =	strace $0xD0000000  }
0x3: {  	_ = 	snop  }
0x4: {  	_ = 	snop  }
0x5: {  	_ = 	snop  }
0x6: {  	_ = 	snop  }
0x7: {  	_ = 	snop  }
__scs_overlays_trampoline_lowered:
0x8: {  	[smem:$0x3F9E] =	sst s0  }
0x9: {  	[smem:$0x3F9F] =	sst s1  }
0xa: {  	[smem:$0x3FA0] =	sst s2  }
0xb: {  	[smem:$0x3FA1] =	sst s3  }
0xc: {  	[smem:$0x3FA2] =	sst s4  }
0xd: {  	[smem:$0x3FA3] =	sst s5  }
0xe: {  	[smem:$0x3FA4] =	sst s6  }
0xf: {  	[smem:$0x3FA5] =	sst s7  }
0x10: {  	[smem:$0x3FA6] =	sst s8  }
0x11: {  	[smem:$0x3FA7] =	sst s9;
	s0 =	simm.s32 @!p0 $0x0  }
0x12: {  	s1 =	sld [smem:$0x3F8D];
	s0 =	simm.s32 @p0 $0x1  }
0x13: {  	[smem:$0x3FA8] =	sst s0;
	s0 =	simm.s32 @!p1 $0x0  }
0x14: {  	s2 =	sld [smem:$0x3F8C];
	s0 =	simm.s32 @p1 $0x1  }
0x15: {  	[smem:$0x3FA9] =	sst s0;
	s0 =	simm.s32 @!p2 $0x0  }
0x16: {  	s3 =	sld [smem:$0x3FDB];
	s0 =	simm.s32 @p2 $0x1  }
0x17: {  	s4 =	simm.s32 $0x1BF5;
	[smem:$0x3FAB] =	sst s0  }
0x18: {  	s0 =	sld [smem:$0x3F8E];
	_ =	swait.ge [sflag:s4], $0x0  }
0x19: {  	s7 =	sld [smem:$0x3F8F]  }
0x1a: {  	s8 =	sadd.s32 $0xFFFFE003, lr  }
0x1b: {  	s9 =	sadd.s32 $0xFFFFFEF7, lr;
	s5 =	simm.s32 $0xFFFFFFFF;
	p2 =	slt.u32 s8, $0xFFFFF086  }
0x1c: {  	p1 =	slt.u32 s9, $0xF7A;
	s5 =	simm.s32 @!p2 $0x0  }
0x1d: {  	s5 =	simm.s32 @p1 $0x1;
	p0 =	seq.s32 s7, s2  }
0x1e: {  	s7 =	smul.u32 @!p0 $0xF7A, s2;
	p2 =	seq.s32 @!p0 s5, $0x0  }
0x1f: {  	s9 =	smul.u32 $0xF7A, s1;
	s8 =	simm.s32 @!p0 $0x1BF5;
	p2 =	por !p2, p0  }
0x20: {  	[sflag:s8] =	ssyncset.s32 @!p0 $0xFFFFF086;
	s6 =	sadd.s32 @!p0 s3, s7;
	s7 =	simm.s32 @!p0 $0x108  }
0x21: {  	s3 =	sadd.s32 s3, s9;
	s6 =	sadd.s32 @!p0 $0x88, s6;
	s7 =	simm.s32 @p2 $0x1082  }
0x22: {  	[simem:s7], [sflag:s8] =	dma.local @!p0 [hbm:s6], $0xF7A  }
0x23: {  	s9 =	sor.u32 $0xD0000000, s2;
	s6 =	simm.s32 $0x108;
	_ =	swait.ge @!p0 [sflag:s8], $0x0  }
0x24: {  	s3 =	sadd.s32 $0x88, s3;
	s6 =	simm.s32 @!p1 $0x1082;
	[sflag:s4] =	ssyncset.s32 $0xFFFFF086  }
0x25: {  	[simem:s6], [sflag:s4] =	dma.local [hbm:s3], $0xF7A  }
0x26: {  	[smem:$0x3F8F] =	sst s1;
	(tag) =	ssettag s2;
	_ =	strace s9  }
0x27: {  	s1 =	sld [smem:$0x3F9F]  }
0x28: {  	s2 =	sld [smem:$0x3FA0]  }
0x29: {  	s4 =	sld [smem:$0x3FA2]  }
0x2a: {  	p0 =	seq.s32 s5, $0x0;
	s5 =	sld [smem:$0x3FA3]  }
0x2b: {  	s6 =	sld [smem:$0x3FA4]  }
0x2c: {  	s7 =	sld [smem:$0x3FA5]  }
0x2d: {  	s3 =	simm.s32 $0x108;
	s8 =	sld [smem:$0x3FA6]  }
0x2e: {  	s3 =	simm.s32 @!p0 $0x1082;
	s9 =	sld [smem:$0x3FA7]  }
0x2f: {  	lr =	sadd.s32 s0, s3;
	s0 =	sld [smem:$0x3F9E]  }
0x30: {  	s3 =	sld [smem:$0x3FA1]  }
0x31: {  	[smem:$0x3FAA] =	sst s10  }
0x32: {  	s10 =	sld [smem:$0x3FA8];
	_ =	sdelay $0x3  }
0x33: {  	p0 =	seq.s32 s10, $0x1;
	s10 =	sld [smem:$0x3FAA];
	_ =	sdelay $0x3  }
0x34: {  	[smem:$0x3FAA] =	sst s10  }
0x35: {  	s10 =	sld [smem:$0x3FA9];
	_ =	sdelay $0x3  }
0x36: {  	p1 =	seq.s32 s10, $0x1;
	s10 =	sld [smem:$0x3FAA];
	_ =	sdelay $0x3  }
0x37: {  	[smem:$0x3FAA] =	sst s10  }
0x38: {  	s10 =	sld [smem:$0x3FAB]  }
0x39: {  	_ = 	snop;
	(pc) =	sbr.ind lr, $3  }
0x3a: {  	_ = 	snop  }
0x3b: {  	_ = 	snop  }
0x3c: {  	p2 =	seq.s32 s10, $0x1;
	s10 =	sld [smem:$0x3FAA]  }
0x3d: {  	_ =	shalt  }
0x3e: {  	_ =	shalt  }
0x3f: {  	_ =	shalt  }
0x40: {  	_ =	shalt  }
0x41: {  	_ =	shalt  }
0x42: {  	_ =	shalt  }
0x43: {  	_ =	shalt  }
0x44: {  	_ =	shalt  }
0x45: {  	_ =	shalt  }
0x46: {  	_ =	shalt  }
0x47: {  	_ =	shalt  }
0x48: {  	_ =	shalt  }
0x49: {  	_ =	shalt  }
0x4a: {  	_ =	shalt  }
0x4b: {  	_ =	shalt  }
0x4c: {  	_ =	shalt  }
0x4d: {  	_ =	shalt  }
0x4e: {  	_ =	shalt  }
0x4f: {  	_ =	shalt  }
0x50: {  	_ =	shalt  }
0x51: {  	_ =	shalt  }
0x52: {  	_ =	shalt  }
0x53: {  	_ =	shalt  }
0x54: {  	_ =	shalt  }
0x55: {  	_ =	shalt  }
0x56: {  	_ =	shalt  }
0x57: {  	_ =	shalt  }
0x58: {  	_ =	shalt  }
0x59: {  	_ =	shalt  }
0x5a: {  	_ =	shalt  }
0x5b: {  	_ =	shalt  }
0x5c: {  	_ =	shalt  }
0x5d: {  	_ =	shalt  }
0x5e: {  	_ =	shalt  }
0x5f: {  	_ =	shalt  }
0x60: {  	_ =	shalt  }
0x61: {  	_ =	shalt  }
0x62: {  	_ =	shalt  }
0x63: {  	_ =	shalt  }
0x64: {  	_ =	shalt  }
0x65: {  	_ =	shalt  }
0x66: {  	_ =	shalt  }
0x67: {  	_ =	shalt  }
0x68: {  	_ =	shalt  }
0x69: {  	_ =	shalt  }
0x6a: {  	_ =	shalt  }
0x6b: {  	_ =	shalt  }
0x6c: {  	_ =	shalt  }
0x6d: {  	_ =	shalt  }
0x6e: {  	_ =	shalt  }
0x6f: {  	_ =	shalt  }
0x70: {  	_ =	shalt  }
0x71: {  	_ =	shalt  }
0x72: {  	_ =	shalt  }
0x73: {  	_ =	shalt  }
0x74: {  	_ =	shalt  }
0x75: {  	_ =	shalt  }
0x76: {  	_ =	shalt  }
0x77: {  	_ =	shalt  }
0x78: {  	_ =	shalt  }
0x79: {  	_ =	shalt  }
0x7a: {  	_ =	shalt  }
0x7b: {  	_ =	shalt  }
0x7c: {  	_ =	shalt  }
0x7d: {  	_ =	shalt  }
0x7e: {  	_ =	shalt  }
0x7f: {  	_ =	shalt  }
0x80: {  	_ =	shalt  }
0x81: {  	_ =	shalt  }
0x82: {  	_ =	shalt  }
0x83: {  	_ =	shalt  }
0x84: {  	_ =	shalt  }
0x85: {  	_ =	shalt  }
0x86: {  	_ =	shalt  }
0x87: {  	_ =	shalt  }
.Lfunc_end0:
.L_simem_size_0:
called_computation.1_lowered:
.L_overlay_start_0:
0x88: {  	s2 =	sld [smem:$0x3FD9]  }
0x89: {  	s3 =	sld [smem:$0x3FFE];
	_ =	sdelay $0x1  }
0x8a: {  	s1 =	srdreg.scid  }
0x8b: {  	s0 =	sand.u32 $0x1, s1  }
0x8c: {  	s17 =	sshll.u32 s0, $0xA;
	s2 =	sadd.s32 s3, s2  }
0x8d: {  	s2 =	sadd.s32 s2, s17  }
0x8e: {  	[smem:$0x3FB6] =	sst s2  }
0x8f: {  	_ = 	snop  }
0x90: {  	s2 =	sld [smem:$0x3FD0];
	(tm) =	ssettm $0x1  }
0x91: {  	s18 =	sld [smem:$0x3FFB];
	_ =	sdelay $0x3  }
0x92: {  	_ =	strace s18  }
0x93: {  	s3 =	sld [smem:$0x3FFC];
	_ =	sdelay $0x3  }
0x94: {  	_ =	strace s3  }
0x95: {  	s3 =	sld [smem:$0x3FFD];
	_ =	sdelay $0x3  }
0x96: {  	_ =	strace s3  }
0x97: {  	_ =	strace $0x8FFFFFFF  }
0x98: {  	s19 =	sld [smem:$0x3FDB];
	_ =	sdelay $0x1  }
0x99: {  	s4 =	simm.s32 $_scs_section_size  }
0x9a: {  	s5 =	simm.s32 $_size__tile_overlayer_lowered;
	s6 =	simm.s32 $_tile_overlayer_lowered  }
0x9b: {  	s22 =	simm.s32 $0x1BFF;
	s21 =	sshll.u32 s6, $0x1;
	s3 =	sadd.s32 s4, s19  }
0x9c: {  	s7 =	simm.s32 $0x0;
	s20 =	sshll.u32 s5, $0x1;
	s5 =	sadd.s32 s21, s3  }
0x9d: {  	[timem:s7], [sflag:s22] =	dma.local [hbm:s5], s20  }
0x9e: {  	_ =	swait.ge [sflag:s22], s20  }
0x9f: {  	s4 =	ssub.s32 $0x0, s20;
	[sflag:s22] =	ssyncset.done $0x0  }
0xa0: {  	[sflag:s22] =	ssyncadd.s32 s4;
	_ =	sdelay $0x1  }
0xa1: {  	s23 =	simm.s32 $0x1B8B  }
0xa2: {  	_ =	swait.ge [sflag:s23], $0x1  }
0xa3: {  	[sflag:s23] =	ssyncset.done $0x0  }
0xa4: {  	s25 =	simm.s32 $0x1B8E;
	s24 =	sld [smem:$0x3FFE];
	[sflag:s23] =	ssyncadd.s32 $0xFFFFFFFF  }
0xa5: {  	s26 =	simm.s32 $execute0_lowered;
	[smem:$0x3FD2] =	sst s25  }
0xa6: {  	s5 =	sshll.u32 s26, $0x1;
	_ =	strace $0x80000049;
	[dreg:$0x1] =	wrdreg $0xFFFFFFFF  }
0xa7: {  	s28 =	simm.s32 $_size_execute0_lowered;
	s3 =	sadd.s32 s3, s5;
	[dreg:$0x0] =	wrdreg $0x0  }
0xa8: {  	s5 =	sshll.u32 s28, $0x1;
	[dreg:$0x2] =	wrdreg s3  }
0xa9: {  	[dreg:$0x3] =	wrdreg s5  }
0xaa: {  	[dreg:$0x4] =	wrdreg $0xC0  }
0xab: {  	_ =	task [dreg:s7], $0x5FFFF  }
0xac: {  	[dreg:$0x1] =	wrdreg $0xFFFFFFFF  }
0xad: {  	[dreg:$0x0] =	wrdreg $0x60  }
0xae: {  	[dreg:$0x2] =	wrdreg s24  }
0xaf: {  	[dreg:$0x3] =	wrdreg s2  }
0xb0: {  	[dreg:$0x4] =	wrdreg $0xA8000  }
0xb1: {  	[dreg:$0x5] =	wrdreg $0x9  }
0xb2: {  	_ =	task.clear_ibuf [dreg:s7], $0x6FFFF;
	_ =	strace $0x90000049  }
0xb3: {  	s29 =	simm.s32 $0x9;
	_ =	strace $0x8000004B  }
0xb4: {  	_ =	swait.ge [sflag:s29], $0x1  }
0xb5: {  	[sflag:s29] =	ssyncadd.s32 $0xFFFFFFFF  }
0xb6: {  	_ =	strace $0x9000004B  }
0xb7: {  	_ =	sfence  }
0xb8: {  	s30 =	sld [smem:$0x0];
	_ =	sdelay $0x2  }
0xb9: {  	s31 =	sshll.u32 s1, $0xD;
	s1 =	sshrl.u32 s1, $0x2  }
0xba: {  	s3 =	sand.u32 $0x4000, s31;
	s1 =	sadd.s32 s1, s30  }
0xbb: {  	s0 =	sor.u32 s3, s0;
	s1 =	sshll.u32 s1, $0x11  }
0xbc: {  	s0 =	sor.u32 s1, s0  }
0xbd: {  	s0 =	sadd.s32 $0x8F2B, s0  }
0xbe: {  	[sflag:s0] =	ssyncadd.remote.s32 $0x1  }
0xbf: {  	_ =	sfence.sel $0xFFFF  }
0xc0: {  	[dreg:$0x0] =	wrdreg $0xFFFFFFFF;
	(pc) =	sbr.abs _section_cstart, $3  }
0xc1: {  	[dreg:$0x1] =	wrdreg $0xFFFFFFFF  }
0xc2: {  	_ =	task.clear_ibuf [dreg:s7], $0x2FFFF;
	_ =	strace $0x9FFFFFFF  }
0xc3: {  	(tm) =	ssettm $0x7FFFFFFF  }
tec
execute0_lowered:
.L_overlay_start_1:
0x0: {  	(tag) =	ssettag $0x1  }
0x1: {  	s10 =	rddreg [dreg:$0x0]  }
0x2: {  	s1 =	rddreg [dreg:$0x1]  }
0x3: {  	s2 =	rddreg [dreg:$0x2]  }
0x4: {  	s0 =	rddreg [dreg:$0x3];
	s4 =	simm.s32 $0x0  }
0x5: {  	s3 =	stileid.u32;
	s7 =	srdreg.scid;
	s19 =	simm.s32 $0x7D  }
0x6: {  	s20 =	simm.s32 $0x2800;
	s21 =	simm.s32 $0x80;
	s22 =	simm.s32 $0x6800  }
0x7: {  	s23 =	simm.s32 $0x1;
	s24 =	simm.s32 $0x2;
	s25 =	simm.s32 $0x2700  }
0x8: {  	s26 =	simm.s32 $0x2780;
	[smem:$0x7FF] =	sst s4;
	s5 =	sadd.s32 $0x17800, s10  }
0x9: {  	s11 =	smul.u32 $0x2700, s3;
	s6 =	sadd.s32 $0x3800, s10;
	s8 =	sand.u32 $0x1, s7  }
0xa: {  	s29 =	smul.u32 $0x4E000, s3;
	s13 =	sadd.s32 $0x8CC00, s10;
	s31 =	sshll.u32 s3, $0x6  }
0xb: {  	s18 =	sadd.s32 $0x138000, s2;
	p0 =	sne.s32 s3, $0xF;
	s15 =	smul.u32 $0x50000, s8  }
0xc: {  	_ =	strace $0x8000004A;
	s12 =	ssub.s32 $0x2, s8;
	s30 =	smul.u32 $0x27100, s8  }
0xd: {  	s17 =	smul.u32 $0x138800, s8;
	s8 =	sor.u32 $0x1C03, s31;
	s9 =	sadd.s32 s11, s10  }
0xe: {  	s14 =	sshrl.u32 s12, $0x1;
	s7 =	sshrl.u32 s29, $0x2;
	s10 =	sadd.s32 $0x8CA00, s10  }
0xf: {  	s14 =	ssub.s32 s12, s14;
	s16 =	sadd.s32 s7, s2;
	s7 =	sadd.s32 $0x65A00, s9  }
0x10: {  	s9 =	smul.u32 $0x5000, s3;
	s12 =	sadd.s32 s11, s30;
	s17 =	sshrl.u32 s17, $0x3  }
0x11: {  	s12 =	sadd.s32 s13, s12;
	s13 =	sadd.s32 s13, s17;
	s14 =	smax.u32 s14, $0x1  }
0x12: {  	s17 =	sshrl.u32 @!p0 s18, $0x3;
	s18 =	simm.s32 $0x1400;
	s11 =	sadd.s32 s15, s9  }
0x13: {  	s13 =	sadd.s32 $0x27000, s13;
	s15 =	sshrl.u32 s16, $0x3;
	s16 =	simm.s32 $0x3  }
.LBB2_1:
0x14: {  	[spmem:s15], [sflag:s8] =	dma.local [hbm:s7], $0x2700  }
0x15: {  	_ =	swait.ge [sflag:s16], $0x2700  }
0x16: {  	[sflag:s16] =	ssyncset.done $0x0  }
0x17: {  	s28 =	simm.s32 @!p0 $0x3;
	[sflag:s16] =	ssyncadd.s32 $0xFFFFD900  }
0x18: {  	[spmem:s17], [sflag:s8] =	dma.local @!p0 [hbm:s10], $0x100  }
0x19: {  	_ =	swait.ge @!p0 [sflag:s28], $0x100  }
0x1a: {  	[sflag:s28] =	ssyncset.done @!p0 $0x0  }
0x1b: {  	[sflag:s28] =	ssyncadd.s32 @!p0 $0xFFFFFF00  }
0x1c: {  	s28 =	simm.s32 $0x0;
	[bflag:$0x0] =	sbarrier.arrive $0xFFFF  }
.LBB2_2:
0x1d: {  	s29 =	smul.u32 $0x1400, s28;
	_ =	sdelay $0x1  }
0x1e: {  	s30 =	sadd.s32 s11, s29  }
0x1f: {  	s30 =	sshrl.u32 s30, $0x3  }
0x20: {  	s31 =	simm.s32 $0x0;
	s30 =	sadd.s32 s6, s30  }
0x21: {  	[tilespmem:s31], [sflag:$0x3] =	stream.linear.gather [hbm4b:s30+s31], $0x1400, $0x38;
	[tilespmem:$0x1E080] =	vst v63  }
0x22: {  	s29 =	sadd.s32 s9, s29;
	_ =	swait.ge [sflag:s16], $0x1400  }
0x23: {  	s29 =	sshrl.u32 s29, $0x3;
	[sflag:s16] =	ssyncset.done $0x0  }
0x24: {  	s29 =	sadd.s32 s1, s29;
	[sflag:s16] =	ssyncadd.s32 $0xFFFFEC00  }
0x25: {  	[tilespmem:s18], [sflag:$0x3] =	stream.linear.gather [hbm4b:s29+s31], $0x1400, $0x38;
	[tilespmem:$0x1E080] =	vst v63  }
0x26: {  	_ =	swait.ge [sflag:s16], $0x1400  }
0x27: {  	[sflag:s16] =	ssyncset.done $0x0  }
0x28: {  	[sflag:s16] =	ssyncadd.s32 $0xFFFFEC00  }
0x29: {  	[tilespmem:s20], [sflag:$0x1] =	stream.indirect.gather [hbm4b:s5+s19], $0x80, s31, s19, $0xb8;
	[tilespmem:$0x1E080] =	vst v63  }
0x2a: {  	_ = 	snop  }
0x2b: {  	[tilespmem:s22], [sflag:$0x2] =	stream.indirect.gather [hbm4b:s5+s19], $0x80, s21, s19, $0xb8;
	[tilespmem:$0x1E080] =	vst v63  }
0x2c: {  	_ =	swait.ge [sflag:s23], $0x3E80  }
0x2d: {  	[sflag:s23] =	ssyncset.done $0x0  }
0x2e: {  	s29 =	simm.s32 $0x1400;
	[sflag:s23] =	ssyncadd.s32 $0xFFFFC180  }
0x2f: {  	[spmem:s2] =	stream.indirect.scatter.add.f32 [tilespmem:s20], [sflag:$0x3], $0x80, s29, s19, $0xb8;
	[tilespmem:$0x1E080] =	vst v63  }
0x30: {  	_ =	swait.ge [sflag:s16], $0x3E80  }
0x31: {  	[sflag:s16] =	ssyncset.done $0x0  }
0x32: {  	s29 =	simm.s32 $0x100;
	[sflag:s16] =	ssyncadd.s32 $0xFFFFC180  }
0x33: {  	[tilespmem:s20], [sflag:$0x1] =	stream.indirect.gather [hbm4b:s5+s19], $0x80, s29, s19, $0xb8;
	[tilespmem:$0x1E080] =	vst v63  }
0x34: {  	_ =	swait.ge [sflag:s24], $0x3E80  }
0x35: {  	[sflag:s24] =	ssyncset.done $0x0  }
0x36: {  	s29 =	simm.s32 $0x1480;
	[sflag:s24] =	ssyncadd.s32 $0xFFFFC180  }
0x37: {  	[spmem:s2] =	stream.indirect.scatter.add.f32 [tilespmem:s22], [sflag:$0x3], $0x80, s29, s19, $0xb8;
	[tilespmem:$0x1E080] =	vst v63  }
0x38: {  	_ =	swait.ge [sflag:s16], $0x3E80  }
0x39: {  	[sflag:s16] =	ssyncset.done $0x0  }
0x3a: {  	s30 =	simm.s32 $0x180;
	s29 =	simm.s32 $0x400;
	[sflag:s16] =	ssyncadd.s32 $0xFFFFC180  }
.LBB2_3:
0x3b: {  	[tilespmem:s22], [sflag:$0x2] =	stream.indirect.gather [hbm4b:s5+s19], $0x80, s30, s19, $0xb8;
	[tilespmem:$0x1E080] =	vst v63  }
0x3c: {  	s30 =	smov.u32 s29  }
0x3d: {  	p1 =	sne.s32 s29, $0x4800;
	s29 =	sadd.s32 $0x400, s29;
	_ =	swait.ge [sflag:s23], $0x3E80  }
0x3e: {  	s30 =	sshra.s32 s30, $0x2;
	[sflag:s23] =	ssyncset.done $0x0  }
0x3f: {  	s31 =	sadd.s32 $0x1400, s30;
	[sflag:s23] =	ssyncadd.s32 $0xFFFFC180  }
0x40: {  	[spmem:s2] =	stream.indirect.scatter.add.f32 [tilespmem:s20], [sflag:$0x3], $0x80, s31, s19, $0xb8;
	[tilespmem:$0x1E080] =	vst v63  }
0x41: {  	_ =	swait.ge [sflag:s16], $0x3E80  }
0x42: {  	[sflag:s16] =	ssyncset.done $0x0  }
0x43: {  	s31 =	sadd.s32 $0x100, s30;
	[sflag:s16] =	ssyncadd.s32 $0xFFFFC180  }
0x44: {  	[tilespmem:s20], [sflag:$0x1] =	stream.indirect.gather [hbm4b:s5+s19], $0x80, s31, s19, $0xb8;
	[tilespmem:$0x1E080] =	vst v63  }
0x45: {  	_ =	swait.ge [sflag:s24], $0x3E80  }
0x46: {  	[sflag:s24] =	ssyncset.done $0x0  }
.Ltmp0:
0x47: {  	s31 =	sadd.s32 $0x1480, s30;
	[sflag:s24] =	ssyncadd.s32 $0xFFFFC180;
	(pc) =	sbr.rel @p1 .LBB2_3-.Ltmp0, $4  }
0x48: {  	[spmem:s2] =	stream.indirect.scatter.add.f32 [tilespmem:s22], [sflag:$0x3], $0x80, s31, s19, $0xb8;
	[tilespmem:$0x1E080] =	vst v63  }
0x49: {  	_ =	swait.ge [sflag:s16], $0x3E80  }
0x4a: {  	[sflag:s16] =	ssyncset.done $0x0  }
0x4b: {  	s30 =	sadd.s32 $0x180, s30;
	[sflag:s16] =	ssyncadd.s32 $0xFFFFC180  }
0x4c: {  	[tilespmem:s22], [sflag:$0x2] =	stream.indirect.gather [hbm4b:s5+s19], $0x80, s30, s19, $0xb8;
	[tilespmem:$0x1E080] =	vst v63  }
0x4d: {  	_ =	swait.ge [sflag:s23], $0x3E80  }
0x4e: {  	[sflag:s23] =	ssyncset.done $0x0  }
0x4f: {  	[sflag:s23] =	ssyncadd.s32 $0xFFFFC180  }
0x50: {  	[spmem:s2] =	stream.indirect.scatter.add.f32 [tilespmem:s20], [sflag:$0x3], $0x80, s25, s19, $0xb8;
	[tilespmem:$0x1E080] =	vst v63  }
0x51: {  	_ =	swait.ge [sflag:s16], $0x3E80  }
0x52: {  	[sflag:s16] =	ssyncset.done $0x0  }
0x53: {  	[sflag:s16] =	ssyncadd.s32 $0xFFFFC180  }
0x54: {  	s28 =	sadd.s32 $0x1, s28;
	_ =	swait.ge [sflag:s24], $0x3E80  }
0x55: {  	p1 =	sne.s32 s28, $0x4;
	[sflag:s24] =	ssyncset.done $0x0  }
.Ltmp1:
0x56: {  	[sflag:s24] =	ssyncadd.s32 $0xFFFFC180;
	(pc) =	sbr.rel @p1 .LBB2_2-.Ltmp1, $4  }
0x57: {  	[spmem:s2] =	stream.indirect.scatter.add.f32 [tilespmem:s22], [sflag:$0x3], $0x80, s26, s19, $0xb8;
	[tilespmem:$0x1E080] =	vst v63  }
0x58: {  	_ =	swait.ge [sflag:s16], $0x3E80  }
0x59: {  	[sflag:s16] =	ssyncset.done $0x0  }
0x5a: {  	[sflag:s16] =	ssyncadd.s32 $0xFFFFC180  }
0x5b: {  	[bflag:$0x0] =	sbarrier.arrive $0xFFFF  }
0x5c: {  	[hbm:s12], [sflag:s8] =	dma.local [spmem:s15], $0x2700  }
0x5d: {  	s4 =	sadd.s32 $0x1, s4;
	_ =	swait.ge [sflag:s16], $0x2700  }
0x5e: {  	p1 =	sne.s32 s4, s14;
	[sflag:s16] =	ssyncset.done $0x0  }
.Ltmp2:
0x5f: {  	s28 =	simm.s32 @!p0 $0x3;
	[sflag:s16] =	ssyncadd.s32 $0xFFFFD900;
	(pc) =	sbr.rel @p1 .LBB2_1-.Ltmp2, $4  }
0x60: {  	[hbm:s13], [sflag:s8] =	dma.local @!p0 [spmem:s17], $0x100  }
0x61: {  	_ =	swait.ge @!p0 [sflag:s28], $0x100  }
0x62: {  	[sflag:s28] =	ssyncset.done @!p0 $0x0  }
0x63: {  	[sflag:s28] =	ssyncadd.s32 @!p0 $0xFFFFFF00  }
0x64: {  	_ =	sfence.sel $0x180000  }
0x65: {  	[bflag:$0x0] =	sbarrier.arrive $0xFFFF  }
0x66: {  	p0 =	sne.s32 s3, $0x0;
	_ =	strace $0x9000004A  }
0x67: {  	s0 =	sadd.s32 @!p0 $0x100000, s0;
	[bflag:$0x2] =	sbarrier.arrive $0xFFFF  }
0x68: {  	[sflag:s0] =	ssyncadd.tile.s32 @!p0 $0x1;
	_ =	shalt  }
.Lfunc_end2:
_tile_overlayer_lowered:
.L_overlay_start_2:
0x69: {  	(tag) =	ssettag $0x2  }
0x6a: {  	s0 =	rddreg [dreg:$0x0];
	s2 =	stileid.u32  }
0x6b: {  	s1 =	rddreg [dreg:$0x1];
	p0 =	sne.s32 s2, $0x0  }
0x6c: {  	s3 =	rddreg [dreg:$0x2];
	[bflag:$0x3] =	sbarrier.arrive $0xFFFF;
	s2 =	simm.s32 @!p0 $0x1C03  }
0x6d: {  	[timem:s3], [sflag:s2] =	dma.local @!p0 [hbm:s0], s1  }
0x6e: {  	s0 =	simm.s32 @!p0 $0x3  }
0x6f: {  	_ =	swait.ge @!p0 [sflag:s0], s1  }
0x70: {  	s1 =	ssub.s32 @!p0 $0x0, s1;
	[sflag:s0] =	ssyncset.done @!p0 $0x0  }
0x71: {  	[sflag:s0] =	ssyncadd.s32 @!p0 s1  }
0x72: {  	[bflag:$0x3] =	sbarrier.arrive $0xFFFF  }
0x73: {  	_ =	shalt  }

// kernel: kernel.15.cloned.1.call-start
scs
__scs_entry_jumppad:
0x0: {  	(pc) =	sbr.rel $0x88, $3  }
0x1: {  	(tag) =	ssettag $0x0;
	lr =	simm.s32 $0x1  }
0x2: {  	[smem:$0x3F8F] =	sst lr;
	_ =	strace $0xD0000000  }
0x3: {  	_ = 	snop  }
0x4: {  	_ = 	snop  }
0x5: {  	_ = 	snop  }
0x6: {  	_ = 	snop  }
0x7: {  	_ = 	snop  }
__scs_overlays_trampoline_lowered:
0x8: {  	[smem:$0x3F9E] =	sst s0  }
0x9: {  	[smem:$0x3F9F] =	sst s1  }
0xa: {  	[smem:$0x3FA0] =	sst s2  }
0xb: {  	[smem:$0x3FA1] =	sst s3  }
0xc: {  	[smem:$0x3FA2] =	sst s4  }
0xd: {  	[smem:$0x3FA3] =	sst s5  }
0xe: {  	[smem:$0x3FA4] =	sst s6  }
0xf: {  	[smem:$0x3FA5] =	sst s7  }
0x10: {  	[smem:$0x3FA6] =	sst s8  }
0x11: {  	[smem:$0x3FA7] =	sst s9;
	s0 =	simm.s32 @!p0 $0x0  }
0x12: {  	s1 =	sld [smem:$0x3F8D];
	s0 =	simm.s32 @p0 $0x1  }
0x13: {  	[smem:$0x3FA8] =	sst s0;
	s0 =	simm.s32 @!p1 $0x0  }
0x14: {  	s2 =	sld [smem:$0x3F8C];
	s0 =	simm.s32 @p1 $0x1  }
0x15: {  	[smem:$0x3FA9] =	sst s0;
	s0 =	simm.s32 @!p2 $0x0  }
0x16: {  	s3 =	sld [smem:$0x3FDB];
	s0 =	simm.s32 @p2 $0x1  }
0x17: {  	s4 =	simm.s32 $0x1BF5;
	[smem:$0x3FAB] =	sst s0  }
0x18: {  	s0 =	sld [smem:$0x3F8E];
	_ =	swait.ge [sflag:s4], $0x0  }
0x19: {  	s7 =	sld [smem:$0x3F8F]  }
0x1a: {  	s8 =	sadd.s32 $0xFFFFE003, lr  }
0x1b: {  	s9 =	sadd.s32 $0xFFFFFEF7, lr;
	s5 =	simm.s32 $0xFFFFFFFF;
	p2 =	slt.u32 s8, $0xFFFFF086  }
0x1c: {  	p1 =	slt.u32 s9, $0xF7A;
	s5 =	simm.s32 @!p2 $0x0  }
0x1d: {  	s5 =	simm.s32 @p1 $0x1;
	p0 =	seq.s32 s7, s2  }
0x1e: {  	s7 =	smul.u32 @!p0 $0xF7A, s2;
	p2 =	seq.s32 @!p0 s5, $0x0  }
0x1f: {  	s9 =	smul.u32 $0xF7A, s1;
	s8 =	simm.s32 @!p0 $0x1BF5;
	p2 =	por !p2, p0  }
0x20: {  	[sflag:s8] =	ssyncset.s32 @!p0 $0xFFFFF086;
	s6 =	sadd.s32 @!p0 s3, s7;
	s7 =	simm.s32 @!p0 $0x108  }
0x21: {  	s3 =	sadd.s32 s3, s9;
	s6 =	sadd.s32 @!p0 $0x88, s6;
	s7 =	simm.s32 @p2 $0x1082  }
0x22: {  	[simem:s7], [sflag:s8] =	dma.local @!p0 [hbm:s6], $0xF7A  }
0x23: {  	s9 =	sor.u32 $0xD0000000, s2;
	s6 =	simm.s32 $0x108;
	_ =	swait.ge @!p0 [sflag:s8], $0x0  }
0x24: {  	s3 =	sadd.s32 $0x88, s3;
	s6 =	simm.s32 @!p1 $0x1082;
	[sflag:s4] =	ssyncset.s32 $0xFFFFF086  }
0x25: {  	[simem:s6], [sflag:s4] =	dma.local [hbm:s3], $0xF7A  }
0x26: {  	[smem:$0x3F8F] =	sst s1;
	(tag) =	ssettag s2;
	_ =	strace s9  }
0x27: {  	s1 =	sld [smem:$0x3F9F]  }
0x28: {  	s2 =	sld [smem:$0x3FA0]  }
0x29: {  	s4 =	sld [smem:$0x3FA2]  }
0x2a: {  	p0 =	seq.s32 s5, $0x0;
	s5 =	sld [smem:$0x3FA3]  }
0x2b: {  	s6 =	sld [smem:$0x3FA4]  }
0x2c: {  	s7 =	sld [smem:$0x3FA5]  }
0x2d: {  	s3 =	simm.s32 $0x108;
	s8 =	sld [smem:$0x3FA6]  }
0x2e: {  	s3 =	simm.s32 @!p0 $0x1082;
	s9 =	sld [smem:$0x3FA7]  }
0x2f: {  	lr =	sadd.s32 s0, s3;
	s0 =	sld [smem:$0x3F9E]  }
0x30: {  	s3 =	sld [smem:$0x3FA1]  }
0x31: {  	[smem:$0x3FAA] =	sst s10  }
0x32: {  	s10 =	sld [smem:$0x3FA8];
	_ =	sdelay $0x3  }
0x33: {  	p0 =	seq.s32 s10, $0x1;
	s10 =	sld [smem:$0x3FAA];
	_ =	sdelay $0x3  }
0x34: {  	[smem:$0x3FAA] =	sst s10  }
0x35: {  	s10 =	sld [smem:$0x3FA9];
	_ =	sdelay $0x3  }
0x36: {  	p1 =	seq.s32 s10, $0x1;
	s10 =	sld [smem:$0x3FAA];
	_ =	sdelay $0x3  }
0x37: {  	[smem:$0x3FAA] =	sst s10  }
0x38: {  	s10 =	sld [smem:$0x3FAB]  }
0x39: {  	_ = 	snop;
	(pc) =	sbr.ind lr, $3  }
0x3a: {  	_ = 	snop  }
0x3b: {  	_ = 	snop  }
0x3c: {  	p2 =	seq.s32 s10, $0x1;
	s10 =	sld [smem:$0x3FAA]  }
0x3d: {  	_ =	shalt  }
0x3e: {  	_ =	shalt  }
0x3f: {  	_ =	shalt  }
0x40: {  	_ =	shalt  }
0x41: {  	_ =	shalt  }
0x42: {  	_ =	shalt  }
0x43: {  	_ =	shalt  }
0x44: {  	_ =	shalt  }
0x45: {  	_ =	shalt  }
0x46: {  	_ =	shalt  }
0x47: {  	_ =	shalt  }
0x48: {  	_ =	shalt  }
0x49: {  	_ =	shalt  }
0x4a: {  	_ =	shalt  }
0x4b: {  	_ =	shalt  }
0x4c: {  	_ =	shalt  }
0x4d: {  	_ =	shalt  }
0x4e: {  	_ =	shalt  }
0x4f: {  	_ =	shalt  }
0x50: {  	_ =	shalt  }
0x51: {  	_ =	shalt  }
0x52: {  	_ =	shalt  }
0x53: {  	_ =	shalt  }
0x54: {  	_ =	shalt  }
0x55: {  	_ =	shalt  }
0x56: {  	_ =	shalt  }
0x57: {  	_ =	shalt  }
0x58: {  	_ =	shalt  }
0x59: {  	_ =	shalt  }
0x5a: {  	_ =	shalt  }
0x5b: {  	_ =	shalt  }
0x5c: {  	_ =	shalt  }
0x5d: {  	_ =	shalt  }
0x5e: {  	_ =	shalt  }
0x5f: {  	_ =	shalt  }
0x60: {  	_ =	shalt  }
0x61: {  	_ =	shalt  }
0x62: {  	_ =	shalt  }
0x63: {  	_ =	shalt  }
0x64: {  	_ =	shalt  }
0x65: {  	_ =	shalt  }
0x66: {  	_ =	shalt  }
0x67: {  	_ =	shalt  }
0x68: {  	_ =	shalt  }
0x69: {  	_ =	shalt  }
0x6a: {  	_ =	shalt  }
0x6b: {  	_ =	shalt  }
0x6c: {  	_ =	shalt  }
0x6d: {  	_ =	shalt  }
0x6e: {  	_ =	shalt  }
0x6f: {  	_ =	shalt  }
0x70: {  	_ =	shalt  }
0x71: {  	_ =	shalt  }
0x72: {  	_ =	shalt  }
0x73: {  	_ =	shalt  }
0x74: {  	_ =	shalt  }
0x75: {  	_ =	shalt  }
0x76: {  	_ =	shalt  }
0x77: {  	_ =	shalt  }
0x78: {  	_ =	shalt  }
0x79: {  	_ =	shalt  }
0x7a: {  	_ =	shalt  }
0x7b: {  	_ =	shalt  }
0x7c: {  	_ =	shalt  }
0x7d: {  	_ =	shalt  }
0x7e: {  	_ =	shalt  }
0x7f: {  	_ =	shalt  }
0x80: {  	_ =	shalt  }
0x81: {  	_ =	shalt  }
0x82: {  	_ =	shalt  }
0x83: {  	_ =	shalt  }
0x84: {  	_ =	shalt  }
0x85: {  	_ =	shalt  }
0x86: {  	_ =	shalt  }
0x87: {  	_ =	shalt  }
.Lfunc_end0:
.L_simem_size_0:
called_computation.2_lowered:
.L_overlay_start_0:
0x88: {  	s2 =	sld [smem:$0x3FD9]  }
0x89: {  	s3 =	sld [smem:$0x3FFE];
	_ =	sdelay $0x1  }
0x8a: {  	s1 =	srdreg.scid  }
0x8b: {  	s0 =	sand.u32 $0x1, s1  }
0x8c: {  	s17 =	sshll.u32 s0, $0xA;
	s2 =	sadd.s32 s3, s2  }
0x8d: {  	s2 =	sadd.s32 s2, s17  }
0x8e: {  	[smem:$0x3FB6] =	sst s2  }
0x8f: {  	_ = 	snop  }
0x90: {  	s2 =	sld [smem:$0x3FD0];
	(tm) =	ssettm $0x1  }
0x91: {  	s18 =	sld [smem:$0x3FFB];
	_ =	sdelay $0x3  }
0x92: {  	_ =	strace s18  }
0x93: {  	s3 =	sld [smem:$0x3FFC];
	_ =	sdelay $0x3  }
0x94: {  	_ =	strace s3  }
0x95: {  	s3 =	sld [smem:$0x3FFD];
	_ =	sdelay $0x3  }
0x96: {  	_ =	strace s3  }
0x97: {  	_ =	strace $0x8FFFFFFF  }
0x98: {  	s19 =	sld [smem:$0x3FDB];
	_ =	sdelay $0x1  }
0x99: {  	s4 =	simm.s32 $_scs_section_size  }
0x9a: {  	s5 =	simm.s32 $_size__tile_overlayer_lowered;
	s6 =	simm.s32 $_tile_overlayer_lowered  }
0x9b: {  	s22 =	simm.s32 $0x1BFF;
	s21 =	sshll.u32 s6, $0x1;
	s3 =	sadd.s32 s4, s19  }
0x9c: {  	s7 =	simm.s32 $0x0;
	s20 =	sshll.u32 s5, $0x1;
	s5 =	sadd.s32 s21, s3  }
0x9d: {  	[timem:s7], [sflag:s22] =	dma.local [hbm:s5], s20  }
0x9e: {  	_ =	swait.ge [sflag:s22], s20  }
0x9f: {  	s4 =	ssub.s32 $0x0, s20;
	[sflag:s22] =	ssyncset.done $0x0  }
0xa0: {  	[sflag:s22] =	ssyncadd.s32 s4;
	_ =	sdelay $0x1  }
0xa1: {  	s23 =	simm.s32 $0x1B8B  }
0xa2: {  	_ =	swait.ge [sflag:s23], $0x1  }
0xa3: {  	[sflag:s23] =	ssyncset.done $0x0  }
0xa4: {  	s25 =	simm.s32 $0x1B8E;
	s24 =	sld [smem:$0x3FFE];
	[sflag:s23] =	ssyncadd.s32 $0xFFFFFFFF  }
0xa5: {  	s26 =	simm.s32 $execute0_lowered;
	[smem:$0x3FD2] =	sst s25  }
0xa6: {  	s5 =	sshll.u32 s26, $0x1;
	_ =	strace $0x8000004C;
	[dreg:$0x1] =	wrdreg $0xFFFFFFFF  }
0xa7: {  	s28 =	simm.s32 $_size_execute0_lowered;
	s3 =	sadd.s32 s3, s5;
	[dreg:$0x0] =	wrdreg $0x0  }
0xa8: {  	s5 =	sshll.u32 s28, $0x1;
	[dreg:$0x2] =	wrdreg s3  }
0xa9: {  	[dreg:$0x3] =	wrdreg s5  }
0xaa: {  	[dreg:$0x4] =	wrdreg $0xC0  }
0xab: {  	_ =	task [dreg:s7], $0x5FFFF  }
0xac: {  	[dreg:$0x1] =	wrdreg $0xFFFFFFFF  }
0xad: {  	[dreg:$0x0] =	wrdreg $0x60  }
0xae: {  	[dreg:$0x2] =	wrdreg s24  }
0xaf: {  	[dreg:$0x3] =	wrdreg s2  }
0xb0: {  	[dreg:$0x4] =	wrdreg $0xA8000  }
0xb1: {  	[dreg:$0x5] =	wrdreg $0x9  }
0xb2: {  	_ =	task.clear_ibuf [dreg:s7], $0x6FFFF;
	_ =	strace $0x9000004C  }
0xb3: {  	s29 =	simm.s32 $0x9;
	_ =	strace $0x8000004E  }
0xb4: {  	_ =	swait.ge [sflag:s29], $0x1  }
0xb5: {  	[sflag:s29] =	ssyncadd.s32 $0xFFFFFFFF  }
0xb6: {  	_ =	strace $0x9000004E  }
0xb7: {  	_ =	sfence  }
0xb8: {  	s30 =	sld [smem:$0x0];
	_ =	sdelay $0x2  }
0xb9: {  	s31 =	sshll.u32 s1, $0xD;
	s1 =	sshrl.u32 s1, $0x2  }
0xba: {  	s3 =	sand.u32 $0x4000, s31;
	s1 =	sadd.s32 s1, s30  }
0xbb: {  	s0 =	sor.u32 s3, s0;
	s1 =	sshll.u32 s1, $0x11  }
0xbc: {  	s0 =	sor.u32 s1, s0  }
0xbd: {  	s0 =	sadd.s32 $0x8F2B, s0  }
0xbe: {  	[sflag:s0] =	ssyncadd.remote.s32 $0x1  }
0xbf: {  	_ =	sfence.sel $0xFFFF  }
0xc0: {  	[dreg:$0x0] =	wrdreg $0xFFFFFFFF;
	(pc) =	sbr.abs _section_cstart, $3  }
0xc1: {  	[dreg:$0x1] =	wrdreg $0xFFFFFFFF  }
0xc2: {  	_ =	task.clear_ibuf [dreg:s7], $0x2FFFF;
	_ =	strace $0x9FFFFFFF  }
0xc3: {  	(tm) =	ssettm $0x7FFFFFFF  }
tec
execute0_lowered:
.L_overlay_start_1:
0x0: {  	(tag) =	ssettag $0x1  }
0x1: {  	s10 =	rddreg [dreg:$0x0]  }
0x2: {  	s1 =	rddreg [dreg:$0x1]  }
0x3: {  	s2 =	rddreg [dreg:$0x2]  }
0x4: {  	s0 =	rddreg [dreg:$0x3];
	s4 =	simm.s32 $0x0  }
0x5: {  	s3 =	stileid.u32;
	s7 =	srdreg.scid;
	s19 =	simm.s32 $0x7D  }
0x6: {  	s20 =	simm.s32 $0x2800;
	s21 =	simm.s32 $0x80;
	s22 =	simm.s32 $0x6800  }
0x7: {  	s23 =	simm.s32 $0x1;
	s24 =	simm.s32 $0x2;
	s25 =	simm.s32 $0x2700  }
0x8: {  	s26 =	simm.s32 $0x2780;
	[smem:$0x7FF] =	sst s4;
	s5 =	sadd.s32 $0x17800, s10  }
0x9: {  	s11 =	smul.u32 $0x2700, s3;
	s6 =	sadd.s32 $0x3800, s10;
	s8 =	sand.u32 $0x1, s7  }
0xa: {  	s29 =	smul.u32 $0x4E000, s3;
	s13 =	sadd.s32 $0x8CC00, s10;
	s31 =	sshll.u32 s3, $0x6  }
0xb: {  	s18 =	sadd.s32 $0x138000, s2;
	p0 =	sne.s32 s3, $0xF;
	s15 =	smul.u32 $0x50000, s8  }
0xc: {  	_ =	strace $0x8000004D;
	s12 =	ssub.s32 $0x2, s8;
	s30 =	smul.u32 $0x27100, s8  }
0xd: {  	s17 =	smul.u32 $0x138800, s8;
	s8 =	sor.u32 $0x1C03, s31;
	s9 =	sadd.s32 s11, s10  }
0xe: {  	s14 =	sshrl.u32 s12, $0x1;
	s7 =	sshrl.u32 s29, $0x2;
	s10 =	sadd.s32 $0x8CA00, s10  }
0xf: {  	s14 =	ssub.s32 s12, s14;
	s16 =	sadd.s32 s7, s2;
	s7 =	sadd.s32 $0x65A00, s9  }
0x10: {  	s9 =	smul.u32 $0x5000, s3;
	s12 =	sadd.s32 s11, s30;
	s17 =	sshrl.u32 s17, $0x3  }
0x11: {  	s12 =	sadd.s32 s13, s12;
	s13 =	sadd.s32 s13, s17;
	s14 =	smax.u32 s14, $0x1  }
0x12: {  	s17 =	sshrl.u32 @!p0 s18, $0x3;
	s18 =	simm.s32 $0x1400;
	s11 =	sadd.s32 s15, s9  }
0x13: {  	s13 =	sadd.s32 $0x27000, s13;
	s15 =	sshrl.u32 s16, $0x3;
	s16 =	simm.s32 $0x3  }
.LBB2_1:
0x14: {  	[spmem:s15], [sflag:s8] =	dma.local [hbm:s7], $0x2700  }
0x15: {  	_ =	swait.ge [sflag:s16], $0x2700  }
0x16: {  	[sflag:s16] =	ssyncset.done $0x0  }
0x17: {  	s28 =	simm.s32 @!p0 $0x3;
	[sflag:s16] =	ssyncadd.s32 $0xFFFFD900  }
0x18: {  	[spmem:s17], [sflag:s8] =	dma.local @!p0 [hbm:s10], $0x100  }
0x19: {  	_ =	swait.ge @!p0 [sflag:s28], $0x100  }
0x1a: {  	[sflag:s28] =	ssyncset.done @!p0 $0x0  }
0x1b: {  	[sflag:s28] =	ssyncadd.s32 @!p0 $0xFFFFFF00  }
0x1c: {  	s28 =	simm.s32 $0x0;
	[bflag:$0x0] =	sbarrier.arrive $0xFFFF  }
.LBB2_2:
0x1d: {  	s29 =	smul.u32 $0x1400, s28;
	_ =	sdelay $0x1  }
0x1e: {  	s30 =	sadd.s32 s11, s29  }
0x1f: {  	s30 =	sshrl.u32 s30, $0x3  }
0x20: {  	s31 =	simm.s32 $0x0;
	s30 =	sadd.s32 s6, s30  }
0x21: {  	[tilespmem:s31], [sflag:$0x3] =	stream.linear.gather [hbm4b:s30+s31], $0x1400, $0x38;
	[tilespmem:$0x1E080] =	vst v63  }
0x22: {  	s29 =	sadd.s32 s9, s29;
	_ =	swait.ge [sflag:s16], $0x1400  }
0x23: {  	s29 =	sshrl.u32 s29, $0x3;
	[sflag:s16] =	ssyncset.done $0x0  }
0x24: {  	s29 =	sadd.s32 s1, s29;
	[sflag:s16] =	ssyncadd.s32 $0xFFFFEC00  }
0x25: {  	[tilespmem:s18], [sflag:$0x3] =	stream.linear.gather [hbm4b:s29+s31], $0x1400, $0x38;
	[tilespmem:$0x1E080] =	vst v63  }
0x26: {  	_ =	swait.ge [sflag:s16], $0x1400  }
0x27: {  	[sflag:s16] =	ssyncset.done $0x0  }
0x28: {  	[sflag:s16] =	ssyncadd.s32 $0xFFFFEC00  }
0x29: {  	[tilespmem:s20], [sflag:$0x1] =	stream.indirect.gather [hbm4b:s5+s19], $0x80, s31, s19, $0xb8;
	[tilespmem:$0x1E080] =	vst v63  }
0x2a: {  	_ = 	snop  }
0x2b: {  	[tilespmem:s22], [sflag:$0x2] =	stream.indirect.gather [hbm4b:s5+s19], $0x80, s21, s19, $0xb8;
	[tilespmem:$0x1E080] =	vst v63  }
0x2c: {  	_ =	swait.ge [sflag:s23], $0x3E80  }
0x2d: {  	[sflag:s23] =	ssyncset.done $0x0  }
0x2e: {  	s29 =	simm.s32 $0x1400;
	[sflag:s23] =	ssyncadd.s32 $0xFFFFC180  }
0x2f: {  	[spmem:s2] =	stream.indirect.scatter.add.f32 [tilespmem:s20], [sflag:$0x3], $0x80, s29, s19, $0xb8;
	[tilespmem:$0x1E080] =	vst v63  }
0x30: {  	_ =	swait.ge [sflag:s16], $0x3E80  }
0x31: {  	[sflag:s16] =	ssyncset.done $0x0  }
0x32: {  	s29 =	simm.s32 $0x100;
	[sflag:s16] =	ssyncadd.s32 $0xFFFFC180  }
0x33: {  	[tilespmem:s20], [sflag:$0x1] =	stream.indirect.gather [hbm4b:s5+s19], $0x80, s29, s19, $0xb8;
	[tilespmem:$0x1E080] =	vst v63  }
0x34: {  	_ =	swait.ge [sflag:s24], $0x3E80  }
0x35: {  	[sflag:s24] =	ssyncset.done $0x0  }
0x36: {  	s29 =	simm.s32 $0x1480;
	[sflag:s24] =	ssyncadd.s32 $0xFFFFC180  }
0x37: {  	[spmem:s2] =	stream.indirect.scatter.add.f32 [tilespmem:s22], [sflag:$0x3], $0x80, s29, s19, $0xb8;
	[tilespmem:$0x1E080] =	vst v63  }
0x38: {  	_ =	swait.ge [sflag:s16], $0x3E80  }
0x39: {  	[sflag:s16] =	ssyncset.done $0x0  }
0x3a: {  	s30 =	simm.s32 $0x180;
	s29 =	simm.s32 $0x400;
	[sflag:s16] =	ssyncadd.s32 $0xFFFFC180  }
.LBB2_3:
0x3b: {  	[tilespmem:s22], [sflag:$0x2] =	stream.indirect.gather [hbm4b:s5+s19], $0x80, s30, s19, $0xb8;
	[tilespmem:$0x1E080] =	vst v63  }
0x3c: {  	s30 =	smov.u32 s29  }
0x3d: {  	p1 =	sne.s32 s29, $0x4800;
	s29 =	sadd.s32 $0x400, s29;
	_ =	swait.ge [sflag:s23], $0x3E80  }
0x3e: {  	s30 =	sshra.s32 s30, $0x2;
	[sflag:s23] =	ssyncset.done $0x0  }
0x3f: {  	s31 =	sadd.s32 $0x1400, s30;
	[sflag:s23] =	ssyncadd.s32 $0xFFFFC180  }
0x40: {  	[spmem:s2] =	stream.indirect.scatter.add.f32 [tilespmem:s20], [sflag:$0x3], $0x80, s31, s19, $0xb8;
	[tilespmem:$0x1E080] =	vst v63  }
0x41: {  	_ =	swait.ge [sflag:s16], $0x3E80  }
0x42: {  	[sflag:s16] =	ssyncset.done $0x0  }
0x43: {  	s31 =	sadd.s32 $0x100, s30;
	[sflag:s16] =	ssyncadd.s32 $0xFFFFC180  }
0x44: {  	[tilespmem:s20], [sflag:$0x1] =	stream.indirect.gather [hbm4b:s5+s19], $0x80, s31, s19, $0xb8;
	[tilespmem:$0x1E080] =	vst v63  }
0x45: {  	_ =	swait.ge [sflag:s24], $0x3E80  }
0x46: {  	[sflag:s24] =	ssyncset.done $0x0  }
.Ltmp0:
0x47: {  	s31 =	sadd.s32 $0x1480, s30;
	[sflag:s24] =	ssyncadd.s32 $0xFFFFC180;
	(pc) =	sbr.rel @p1 .LBB2_3-.Ltmp0, $4  }
0x48: {  	[spmem:s2] =	stream.indirect.scatter.add.f32 [tilespmem:s22], [sflag:$0x3], $0x80, s31, s19, $0xb8;
	[tilespmem:$0x1E080] =	vst v63  }
0x49: {  	_ =	swait.ge [sflag:s16], $0x3E80  }
0x4a: {  	[sflag:s16] =	ssyncset.done $0x0  }
0x4b: {  	s30 =	sadd.s32 $0x180, s30;
	[sflag:s16] =	ssyncadd.s32 $0xFFFFC180  }
0x4c: {  	[tilespmem:s22], [sflag:$0x2] =	stream.indirect.gather [hbm4b:s5+s19], $0x80, s30, s19, $0xb8;
	[tilespmem:$0x1E080] =	vst v63  }
0x4d: {  	_ =	swait.ge [sflag:s23], $0x3E80  }
0x4e: {  	[sflag:s23] =	ssyncset.done $0x0  }
0x4f: {  	[sflag:s23] =	ssyncadd.s32 $0xFFFFC180  }
0x50: {  	[spmem:s2] =	stream.indirect.scatter.add.f32 [tilespmem:s20], [sflag:$0x3], $0x80, s25, s19, $0xb8;
	[tilespmem:$0x1E080] =	vst v63  }
0x51: {  	_ =	swait.ge [sflag:s16], $0x3E80  }
0x52: {  	[sflag:s16] =	ssyncset.done $0x0  }
0x53: {  	[sflag:s16] =	ssyncadd.s32 $0xFFFFC180  }
0x54: {  	s28 =	sadd.s32 $0x1, s28;
	_ =	swait.ge [sflag:s24], $0x3E80  }
0x55: {  	p1 =	sne.s32 s28, $0x4;
	[sflag:s24] =	ssyncset.done $0x0  }
.Ltmp1:
0x56: {  	[sflag:s24] =	ssyncadd.s32 $0xFFFFC180;
	(pc) =	sbr.rel @p1 .LBB2_2-.Ltmp1, $4  }
0x57: {  	[spmem:s2] =	stream.indirect.scatter.add.f32 [tilespmem:s22], [sflag:$0x3], $0x80, s26, s19, $0xb8;
	[tilespmem:$0x1E080] =	vst v63  }
0x58: {  	_ =	swait.ge [sflag:s16], $0x3E80  }
0x59: {  	[sflag:s16] =	ssyncset.done $0x0  }
0x5a: {  	[sflag:s16] =	ssyncadd.s32 $0xFFFFC180  }
0x5b: {  	[bflag:$0x0] =	sbarrier.arrive $0xFFFF  }
0x5c: {  	[hbm:s12], [sflag:s8] =	dma.local [spmem:s15], $0x2700  }
0x5d: {  	s4 =	sadd.s32 $0x1, s4;
	_ =	swait.ge [sflag:s16], $0x2700  }
0x5e: {  	p1 =	sne.s32 s4, s14;
	[sflag:s16] =	ssyncset.done $0x0  }
.Ltmp2:
0x5f: {  	s28 =	simm.s32 @!p0 $0x3;
	[sflag:s16] =	ssyncadd.s32 $0xFFFFD900;
	(pc) =	sbr.rel @p1 .LBB2_1-.Ltmp2, $4  }
0x60: {  	[hbm:s13], [sflag:s8] =	dma.local @!p0 [spmem:s17], $0x100  }
0x61: {  	_ =	swait.ge @!p0 [sflag:s28], $0x100  }
0x62: {  	[sflag:s28] =	ssyncset.done @!p0 $0x0  }
0x63: {  	[sflag:s28] =	ssyncadd.s32 @!p0 $0xFFFFFF00  }
0x64: {  	_ =	sfence.sel $0x180000  }
0x65: {  	[bflag:$0x0] =	sbarrier.arrive $0xFFFF  }
0x66: {  	p0 =	sne.s32 s3, $0x0;
	_ =	strace $0x9000004D  }
0x67: {  	s0 =	sadd.s32 @!p0 $0x100000, s0;
	[bflag:$0x2] =	sbarrier.arrive $0xFFFF  }
0x68: {  	[sflag:s0] =	ssyncadd.tile.s32 @!p0 $0x1;
	_ =	shalt  }
.Lfunc_end2:
_tile_overlayer_lowered:
.L_overlay_start_2:
0x69: {  	(tag) =	ssettag $0x2  }
0x6a: {  	s0 =	rddreg [dreg:$0x0];
	s2 =	stileid.u32  }
0x6b: {  	s1 =	rddreg [dreg:$0x1];
	p0 =	sne.s32 s2, $0x0  }
0x6c: {  	s3 =	rddreg [dreg:$0x2];
	[bflag:$0x3] =	sbarrier.arrive $0xFFFF;
	s2 =	simm.s32 @!p0 $0x1C03  }
0x6d: {  	[timem:s3], [sflag:s2] =	dma.local @!p0 [hbm:s0], s1  }
0x6e: {  	s0 =	simm.s32 @!p0 $0x3  }
0x6f: {  	_ =	swait.ge @!p0 [sflag:s0], s1  }
0x70: {  	s1 =	ssub.s32 @!p0 $0x0, s1;
	[sflag:s0] =	ssyncset.done @!p0 $0x0  }
0x71: {  	[sflag:s0] =	ssyncadd.s32 @!p0 s1  }
0x72: {  	[bflag:$0x3] =	sbarrier.arrive $0xFFFF  }
0x73: {  	_ =	shalt  }

// kernel: kernel.9.cloned.1.call-start
scs
__scs_entry_jumppad:
0x0: {  	(pc) =	sbr.rel $0x88, $3  }
0x1: {  	(tag) =	ssettag $0x0;
	lr =	simm.s32 $0x1  }
0x2: {  	[smem:$0x3F8F] =	sst lr;
	_ =	strace $0xD0000000  }
0x3: {  	_ = 	snop  }
0x4: {  	_ = 	snop  }
0x5: {  	_ = 	snop  }
0x6: {  	_ = 	snop  }
0x7: {  	_ = 	snop  }
__scs_overlays_trampoline_lowered:
0x8: {  	[smem:$0x3F9E] =	sst s0  }
0x9: {  	[smem:$0x3F9F] =	sst s1  }
0xa: {  	[smem:$0x3FA0] =	sst s2  }
0xb: {  	[smem:$0x3FA1] =	sst s3  }
0xc: {  	[smem:$0x3FA2] =	sst s4  }
0xd: {  	[smem:$0x3FA3] =	sst s5  }
0xe: {  	[smem:$0x3FA4] =	sst s6  }
0xf: {  	[smem:$0x3FA5] =	sst s7  }
0x10: {  	[smem:$0x3FA6] =	sst s8  }
0x11: {  	[smem:$0x3FA7] =	sst s9;
	s0 =	simm.s32 @!p0 $0x0  }
0x12: {  	s1 =	sld [smem:$0x3F8D];
	s0 =	simm.s32 @p0 $0x1  }
0x13: {  	[smem:$0x3FA8] =	sst s0;
	s0 =	simm.s32 @!p1 $0x0  }
0x14: {  	s2 =	sld [smem:$0x3F8C];
	s0 =	simm.s32 @p1 $0x1  }
0x15: {  	[smem:$0x3FA9] =	sst s0;
	s0 =	simm.s32 @!p2 $0x0  }
0x16: {  	s3 =	sld [smem:$0x3FDB];
	s0 =	simm.s32 @p2 $0x1  }
0x17: {  	s4 =	simm.s32 $0x1BF5;
	[smem:$0x3FAB] =	sst s0  }
0x18: {  	s0 =	sld [smem:$0x3F8E];
	_ =	swait.ge [sflag:s4], $0x0  }
0x19: {  	s7 =	sld [smem:$0x3F8F]  }
0x1a: {  	s8 =	sadd.s32 $0xFFFFE003, lr  }
0x1b: {  	s9 =	sadd.s32 $0xFFFFFEF7, lr;
	s5 =	simm.s32 $0xFFFFFFFF;
	p2 =	slt.u32 s8, $0xFFFFF086  }
0x1c: {  	p1 =	slt.u32 s9, $0xF7A;
	s5 =	simm.s32 @!p2 $0x0  }
0x1d: {  	s5 =	simm.s32 @p1 $0x1;
	p0 =	seq.s32 s7, s2  }
0x1e: {  	s7 =	smul.u32 @!p0 $0xF7A, s2;
	p2 =	seq.s32 @!p0 s5, $0x0  }
0x1f: {  	s9 =	smul.u32 $0xF7A, s1;
	s8 =	simm.s32 @!p0 $0x1BF5;
	p2 =	por !p2, p0  }
0x20: {  	[sflag:s8] =	ssyncset.s32 @!p0 $0xFFFFF086;
	s6 =	sadd.s32 @!p0 s3, s7;
	s7 =	simm.s32 @!p0 $0x108  }
0x21: {  	s3 =	sadd.s32 s3, s9;
	s6 =	sadd.s32 @!p0 $0x88, s6;
	s7 =	simm.s32 @p2 $0x1082  }
0x22: {  	[simem:s7], [sflag:s8] =	dma.local @!p0 [hbm:s6], $0xF7A  }
0x23: {  	s9 =	sor.u32 $0xD0000000, s2;
	s6 =	simm.s32 $0x108;
	_ =	swait.ge @!p0 [sflag:s8], $0x0  }
0x24: {  	s3 =	sadd.s32 $0x88, s3;
	s6 =	simm.s32 @!p1 $0x1082;
	[sflag:s4] =	ssyncset.s32 $0xFFFFF086  }
0x25: {  	[simem:s6], [sflag:s4] =	dma.local [hbm:s3], $0xF7A  }
0x26: {  	[smem:$0x3F8F] =	sst s1;
	(tag) =	ssettag s2;
	_ =	strace s9  }
0x27: {  	s1 =	sld [smem:$0x3F9F]  }
0x28: {  	s2 =	sld [smem:$0x3FA0]  }
0x29: {  	s4 =	sld [smem:$0x3FA2]  }
0x2a: {  	p0 =	seq.s32 s5, $0x0;
	s5 =	sld [smem:$0x3FA3]  }
0x2b: {  	s6 =	sld [smem:$0x3FA4]  }
0x2c: {  	s7 =	sld [smem:$0x3FA5]  }
0x2d: {  	s3 =	simm.s32 $0x108;
	s8 =	sld [smem:$0x3FA6]  }
0x2e: {  	s3 =	simm.s32 @!p0 $0x1082;
	s9 =	sld [smem:$0x3FA7]  }
0x2f: {  	lr =	sadd.s32 s0, s3;
	s0 =	sld [smem:$0x3F9E]  }
0x30: {  	s3 =	sld [smem:$0x3FA1]  }
0x31: {  	[smem:$0x3FAA] =	sst s10  }
0x32: {  	s10 =	sld [smem:$0x3FA8];
	_ =	sdelay $0x3  }
0x33: {  	p0 =	seq.s32 s10, $0x1;
	s10 =	sld [smem:$0x3FAA];
	_ =	sdelay $0x3  }
0x34: {  	[smem:$0x3FAA] =	sst s10  }
0x35: {  	s10 =	sld [smem:$0x3FA9];
	_ =	sdelay $0x3  }
0x36: {  	p1 =	seq.s32 s10, $0x1;
	s10 =	sld [smem:$0x3FAA];
	_ =	sdelay $0x3  }
0x37: {  	[smem:$0x3FAA] =	sst s10  }
0x38: {  	s10 =	sld [smem:$0x3FAB]  }
0x39: {  	_ = 	snop;
	(pc) =	sbr.ind lr, $3  }
0x3a: {  	_ = 	snop  }
0x3b: {  	_ = 	snop  }
0x3c: {  	p2 =	seq.s32 s10, $0x1;
	s10 =	sld [smem:$0x3FAA]  }
0x3d: {  	_ =	shalt  }
0x3e: {  	_ =	shalt  }
0x3f: {  	_ =	shalt  }
0x40: {  	_ =	shalt  }
0x41: {  	_ =	shalt  }
0x42: {  	_ =	shalt  }
0x43: {  	_ =	shalt  }
0x44: {  	_ =	shalt  }
0x45: {  	_ =	shalt  }
0x46: {  	_ =	shalt  }
0x47: {  	_ =	shalt  }
0x48: {  	_ =	shalt  }
0x49: {  	_ =	shalt  }
0x4a: {  	_ =	shalt  }
0x4b: {  	_ =	shalt  }
0x4c: {  	_ =	shalt  }
0x4d: {  	_ =	shalt  }
0x4e: {  	_ =	shalt  }
0x4f: {  	_ =	shalt  }
0x50: {  	_ =	shalt  }
0x51: {  	_ =	shalt  }
0x52: {  	_ =	shalt  }
0x53: {  	_ =	shalt  }
0x54: {  	_ =	shalt  }
0x55: {  	_ =	shalt  }
0x56: {  	_ =	shalt  }
0x57: {  	_ =	shalt  }
0x58: {  	_ =	shalt  }
0x59: {  	_ =	shalt  }
0x5a: {  	_ =	shalt  }
0x5b: {  	_ =	shalt  }
0x5c: {  	_ =	shalt  }
0x5d: {  	_ =	shalt  }
0x5e: {  	_ =	shalt  }
0x5f: {  	_ =	shalt  }
0x60: {  	_ =	shalt  }
0x61: {  	_ =	shalt  }
0x62: {  	_ =	shalt  }
0x63: {  	_ =	shalt  }
0x64: {  	_ =	shalt  }
0x65: {  	_ =	shalt  }
0x66: {  	_ =	shalt  }
0x67: {  	_ =	shalt  }
0x68: {  	_ =	shalt  }
0x69: {  	_ =	shalt  }
0x6a: {  	_ =	shalt  }
0x6b: {  	_ =	shalt  }
0x6c: {  	_ =	shalt  }
0x6d: {  	_ =	shalt  }
0x6e: {  	_ =	shalt  }
0x6f: {  	_ =	shalt  }
0x70: {  	_ =	shalt  }
0x71: {  	_ =	shalt  }
0x72: {  	_ =	shalt  }
0x73: {  	_ =	shalt  }
0x74: {  	_ =	shalt  }
0x75: {  	_ =	shalt  }
0x76: {  	_ =	shalt  }
0x77: {  	_ =	shalt  }
0x78: {  	_ =	shalt  }
0x79: {  	_ =	shalt  }
0x7a: {  	_ =	shalt  }
0x7b: {  	_ =	shalt  }
0x7c: {  	_ =	shalt  }
0x7d: {  	_ =	shalt  }
0x7e: {  	_ =	shalt  }
0x7f: {  	_ =	shalt  }
0x80: {  	_ =	shalt  }
0x81: {  	_ =	shalt  }
0x82: {  	_ =	shalt  }
0x83: {  	_ =	shalt  }
0x84: {  	_ =	shalt  }
0x85: {  	_ =	shalt  }
0x86: {  	_ =	shalt  }
0x87: {  	_ =	shalt  }
.Lfunc_end0:
.L_simem_size_0:
called_computation_lowered:
.L_overlay_start_0:
0x88: {  	s2 =	sld [smem:$0x3FD9]  }
0x89: {  	s3 =	sld [smem:$0x3FFE];
	_ =	sdelay $0x1  }
0x8a: {  	s1 =	srdreg.scid  }
0x8b: {  	s0 =	sand.u32 $0x1, s1  }
0x8c: {  	s17 =	sshll.u32 s0, $0xA;
	s2 =	sadd.s32 s3, s2  }
0x8d: {  	s2 =	sadd.s32 s2, s17  }
0x8e: {  	[smem:$0x3FB6] =	sst s2  }
0x8f: {  	_ = 	snop  }
0x90: {  	s2 =	sld [smem:$0x3FD0];
	(tm) =	ssettm $0x1  }
0x91: {  	s18 =	sld [smem:$0x3FFB];
	_ =	sdelay $0x3  }
0x92: {  	_ =	strace s18  }
0x93: {  	s3 =	sld [smem:$0x3FFC];
	_ =	sdelay $0x3  }
0x94: {  	_ =	strace s3  }
0x95: {  	s3 =	sld [smem:$0x3FFD];
	_ =	sdelay $0x3  }
0x96: {  	_ =	strace s3  }
0x97: {  	_ =	strace $0x8FFFFFFF  }
0x98: {  	s19 =	sld [smem:$0x3FDB];
	_ =	sdelay $0x1  }
0x99: {  	s4 =	simm.s32 $_scs_section_size  }
0x9a: {  	s5 =	simm.s32 $_size__tile_overlayer_lowered;
	s6 =	simm.s32 $_tile_overlayer_lowered  }
0x9b: {  	s22 =	simm.s32 $0x1BFF;
	s21 =	sshll.u32 s6, $0x1;
	s3 =	sadd.s32 s4, s19  }
0x9c: {  	s7 =	simm.s32 $0x0;
	s20 =	sshll.u32 s5, $0x1;
	s5 =	sadd.s32 s21, s3  }
0x9d: {  	[timem:s7], [sflag:s22] =	dma.local [hbm:s5], s20  }
0x9e: {  	_ =	swait.ge [sflag:s22], s20  }
0x9f: {  	s4 =	ssub.s32 $0x0, s20;
	[sflag:s22] =	ssyncset.done $0x0  }
0xa0: {  	[sflag:s22] =	ssyncadd.s32 s4;
	_ =	sdelay $0x1  }
0xa1: {  	s23 =	simm.s32 $0x1B8B  }
0xa2: {  	_ =	swait.ge [sflag:s23], $0x1  }
0xa3: {  	[sflag:s23] =	ssyncset.done $0x0  }
0xa4: {  	s25 =	simm.s32 $0x1B8E;
	s24 =	sld [smem:$0x3FFE];
	[sflag:s23] =	ssyncadd.s32 $0xFFFFFFFF  }
0xa5: {  	s26 =	simm.s32 $execute0_lowered;
	[smem:$0x3FD2] =	sst s25  }
0xa6: {  	s5 =	sshll.u32 s26, $0x1;
	_ =	strace $0x80000046;
	[dreg:$0x1] =	wrdreg $0xFFFFFFFF  }
0xa7: {  	s28 =	simm.s32 $_size_execute0_lowered;
	s3 =	sadd.s32 s3, s5;
	[dreg:$0x0] =	wrdreg $0x0  }
0xa8: {  	s5 =	sshll.u32 s28, $0x1;
	[dreg:$0x2] =	wrdreg s3  }
0xa9: {  	[dreg:$0x3] =	wrdreg s5  }
0xaa: {  	[dreg:$0x4] =	wrdreg $0xC0  }
0xab: {  	_ =	task [dreg:s7], $0x5FFFF  }
0xac: {  	[dreg:$0x1] =	wrdreg $0xFFFFFFFF  }
0xad: {  	[dreg:$0x0] =	wrdreg $0x60  }
0xae: {  	[dreg:$0x2] =	wrdreg s24  }
0xaf: {  	[dreg:$0x3] =	wrdreg s2  }
0xb0: {  	[dreg:$0x4] =	wrdreg $0xA8000  }
0xb1: {  	[dreg:$0x5] =	wrdreg $0x9  }
0xb2: {  	_ =	task.clear_ibuf [dreg:s7], $0x6FFFF;
	_ =	strace $0x90000046  }
0xb3: {  	s29 =	simm.s32 $0x9;
	_ =	strace $0x80000048  }
0xb4: {  	_ =	swait.ge [sflag:s29], $0x1  }
0xb5: {  	[sflag:s29] =	ssyncadd.s32 $0xFFFFFFFF  }
0xb6: {  	_ =	strace $0x90000048  }
0xb7: {  	_ =	sfence  }
0xb8: {  	s30 =	sld [smem:$0x0];
	_ =	sdelay $0x2  }
0xb9: {  	s31 =	sshll.u32 s1, $0xD;
	s1 =	sshrl.u32 s1, $0x2  }
0xba: {  	s3 =	sand.u32 $0x4000, s31;
	s1 =	sadd.s32 s1, s30  }
0xbb: {  	s0 =	sor.u32 s3, s0;
	s1 =	sshll.u32 s1, $0x11  }
0xbc: {  	s0 =	sor.u32 s1, s0  }
0xbd: {  	s0 =	sadd.s32 $0x8F2B, s0  }
0xbe: {  	[sflag:s0] =	ssyncadd.remote.s32 $0x1  }
0xbf: {  	_ =	sfence.sel $0xFFFF  }
0xc0: {  	[dreg:$0x0] =	wrdreg $0xFFFFFFFF;
	(pc) =	sbr.abs _section_cstart, $3  }
0xc1: {  	[dreg:$0x1] =	wrdreg $0xFFFFFFFF  }
0xc2: {  	_ =	task.clear_ibuf [dreg:s7], $0x2FFFF;
	_ =	strace $0x9FFFFFFF  }
0xc3: {  	(tm) =	ssettm $0x7FFFFFFF  }
tec
execute0_lowered:
.L_overlay_start_1:
0x0: {  	(tag) =	ssettag $0x1  }
0x1: {  	s10 =	rddreg [dreg:$0x0]  }
0x2: {  	s1 =	rddreg [dreg:$0x1]  }
0x3: {  	s2 =	rddreg [dreg:$0x2]  }
0x4: {  	s0 =	rddreg [dreg:$0x3];
	s4 =	simm.s32 $0x0  }
0x5: {  	s3 =	stileid.u32;
	s7 =	srdreg.scid;
	s19 =	simm.s32 $0x7D  }
0x6: {  	s20 =	simm.s32 $0x2800;
	s21 =	simm.s32 $0x80;
	s22 =	simm.s32 $0x6800  }
0x7: {  	s23 =	simm.s32 $0x1;
	s24 =	simm.s32 $0x2;
	s25 =	simm.s32 $0x2700  }
0x8: {  	s26 =	simm.s32 $0x2780;
	[smem:$0x7FF] =	sst s4;
	s5 =	sadd.s32 $0x17800, s10  }
0x9: {  	s11 =	smul.u32 $0x2700, s3;
	s6 =	sadd.s32 $0x3800, s10;
	s8 =	sand.u32 $0x1, s7  }
0xa: {  	s29 =	smul.u32 $0x4E000, s3;
	s13 =	sadd.s32 $0x8CC00, s10;
	s31 =	sshll.u32 s3, $0x6  }
0xb: {  	s18 =	sadd.s32 $0x138000, s2;
	p0 =	sne.s32 s3, $0xF;
	s15 =	smul.u32 $0x50000, s8  }
0xc: {  	_ =	strace $0x80000047;
	s12 =	ssub.s32 $0x2, s8;
	s30 =	smul.u32 $0x27100, s8  }
0xd: {  	s17 =	smul.u32 $0x138800, s8;
	s8 =	sor.u32 $0x1C03, s31;
	s9 =	sadd.s32 s11, s10  }
0xe: {  	s14 =	sshrl.u32 s12, $0x1;
	s7 =	sshrl.u32 s29, $0x2;
	s10 =	sadd.s32 $0x8CA00, s10  }
0xf: {  	s14 =	ssub.s32 s12, s14;
	s16 =	sadd.s32 s7, s2;
	s7 =	sadd.s32 $0x65A00, s9  }
0x10: {  	s9 =	smul.u32 $0x5000, s3;
	s12 =	sadd.s32 s11, s30;
	s17 =	sshrl.u32 s17, $0x3  }
0x11: {  	s12 =	sadd.s32 s13, s12;
	s13 =	sadd.s32 s13, s17;
	s14 =	smax.u32 s14, $0x1  }
0x12: {  	s17 =	sshrl.u32 @!p0 s18, $0x3;
	s18 =	simm.s32 $0x1400;
	s11 =	sadd.s32 s15, s9  }
0x13: {  	s13 =	sadd.s32 $0x27000, s13;
	s15 =	sshrl.u32 s16, $0x3;
	s16 =	simm.s32 $0x3  }
.LBB2_1:
0x14: {  	[spmem:s15], [sflag:s8] =	dma.local [hbm:s7], $0x2700  }
0x15: {  	_ =	swait.ge [sflag:s16], $0x2700  }
0x16: {  	[sflag:s16] =	ssyncset.done $0x0  }
0x17: {  	s28 =	simm.s32 @!p0 $0x3;
	[sflag:s16] =	ssyncadd.s32 $0xFFFFD900  }
0x18: {  	[spmem:s17], [sflag:s8] =	dma.local @!p0 [hbm:s10], $0x100  }
0x19: {  	_ =	swait.ge @!p0 [sflag:s28], $0x100  }
0x1a: {  	[sflag:s28] =	ssyncset.done @!p0 $0x0  }
0x1b: {  	[sflag:s28] =	ssyncadd.s32 @!p0 $0xFFFFFF00  }
0x1c: {  	s28 =	simm.s32 $0x0;
	[bflag:$0x0] =	sbarrier.arrive $0xFFFF  }
.LBB2_2:
0x1d: {  	s29 =	smul.u32 $0x1400, s28;
	_ =	sdelay $0x1  }
0x1e: {  	s30 =	sadd.s32 s11, s29  }
0x1f: {  	s30 =	sshrl.u32 s30, $0x3  }
0x20: {  	s31 =	simm.s32 $0x0;
	s30 =	sadd.s32 s6, s30  }
0x21: {  	[tilespmem:s31], [sflag:$0x3] =	stream.linear.gather [hbm4b:s30+s31], $0x1400, $0x38;
	[tilespmem:$0x1E080] =	vst v63  }
0x22: {  	s29 =	sadd.s32 s9, s29;
	_ =	swait.ge [sflag:s16], $0x1400  }
0x23: {  	s29 =	sshrl.u32 s29, $0x3;
	[sflag:s16] =	ssyncset.done $0x0  }
0x24: {  	s29 =	sadd.s32 s1, s29;
	[sflag:s16] =	ssyncadd.s32 $0xFFFFEC00  }
0x25: {  	[tilespmem:s18], [sflag:$0x3] =	stream.linear.gather [hbm4b:s29+s31], $0x1400, $0x38;
	[tilespmem:$0x1E080] =	vst v63  }
0x26: {  	_ =	swait.ge [sflag:s16], $0x1400  }
0x27: {  	[sflag:s16] =	ssyncset.done $0x0  }
0x28: {  	[sflag:s16] =	ssyncadd.s32 $0xFFFFEC00  }
0x29: {  	[tilespmem:s20], [sflag:$0x1] =	stream.indirect.gather [hbm4b:s5+s19], $0x80, s31, s19, $0xb8;
	[tilespmem:$0x1E080] =	vst v63  }
0x2a: {  	_ = 	snop  }
0x2b: {  	[tilespmem:s22], [sflag:$0x2] =	stream.indirect.gather [hbm4b:s5+s19], $0x80, s21, s19, $0xb8;
	[tilespmem:$0x1E080] =	vst v63  }
0x2c: {  	_ =	swait.ge [sflag:s23], $0x3E80  }
0x2d: {  	[sflag:s23] =	ssyncset.done $0x0  }
0x2e: {  	s29 =	simm.s32 $0x1400;
	[sflag:s23] =	ssyncadd.s32 $0xFFFFC180  }
0x2f: {  	[spmem:s2] =	stream.indirect.scatter.add.f32 [tilespmem:s20], [sflag:$0x3], $0x80, s29, s19, $0xb8;
	[tilespmem:$0x1E080] =	vst v63  }
0x30: {  	_ =	swait.ge [sflag:s16], $0x3E80  }
0x31: {  	[sflag:s16] =	ssyncset.done $0x0  }
0x32: {  	s29 =	simm.s32 $0x100;
	[sflag:s16] =	ssyncadd.s32 $0xFFFFC180  }
0x33: {  	[tilespmem:s20], [sflag:$0x1] =	stream.indirect.gather [hbm4b:s5+s19], $0x80, s29, s19, $0xb8;
	[tilespmem:$0x1E080] =	vst v63  }
0x34: {  	_ =	swait.ge [sflag:s24], $0x3E80  }
0x35: {  	[sflag:s24] =	ssyncset.done $0x0  }
0x36: {  	s29 =	simm.s32 $0x1480;
	[sflag:s24] =	ssyncadd.s32 $0xFFFFC180  }
0x37: {  	[spmem:s2] =	stream.indirect.scatter.add.f32 [tilespmem:s22], [sflag:$0x3], $0x80, s29, s19, $0xb8;
	[tilespmem:$0x1E080] =	vst v63  }
0x38: {  	_ =	swait.ge [sflag:s16], $0x3E80  }
0x39: {  	[sflag:s16] =	ssyncset.done $0x0  }
0x3a: {  	s30 =	simm.s32 $0x180;
	s29 =	simm.s32 $0x400;
	[sflag:s16] =	ssyncadd.s32 $0xFFFFC180  }
.LBB2_3:
0x3b: {  	[tilespmem:s22], [sflag:$0x2] =	stream.indirect.gather [hbm4b:s5+s19], $0x80, s30, s19, $0xb8;
	[tilespmem:$0x1E080] =	vst v63  }
0x3c: {  	s30 =	smov.u32 s29  }
0x3d: {  	p1 =	sne.s32 s29, $0x4800;
	s29 =	sadd.s32 $0x400, s29;
	_ =	swait.ge [sflag:s23], $0x3E80  }
0x3e: {  	s30 =	sshra.s32 s30, $0x2;
	[sflag:s23] =	ssyncset.done $0x0  }
0x3f: {  	s31 =	sadd.s32 $0x1400, s30;
	[sflag:s23] =	ssyncadd.s32 $0xFFFFC180  }
0x40: {  	[spmem:s2] =	stream.indirect.scatter.add.f32 [tilespmem:s20], [sflag:$0x3], $0x80, s31, s19, $0xb8;
	[tilespmem:$0x1E080] =	vst v63  }
0x41: {  	_ =	swait.ge [sflag:s16], $0x3E80  }
0x42: {  	[sflag:s16] =	ssyncset.done $0x0  }
0x43: {  	s31 =	sadd.s32 $0x100, s30;
	[sflag:s16] =	ssyncadd.s32 $0xFFFFC180  }
0x44: {  	[tilespmem:s20], [sflag:$0x1] =	stream.indirect.gather [hbm4b:s5+s19], $0x80, s31, s19, $0xb8;
	[tilespmem:$0x1E080] =	vst v63  }
0x45: {  	_ =	swait.ge [sflag:s24], $0x3E80  }
0x46: {  	[sflag:s24] =	ssyncset.done $0x0  }
.Ltmp0:
0x47: {  	s31 =	sadd.s32 $0x1480, s30;
	[sflag:s24] =	ssyncadd.s32 $0xFFFFC180;
	(pc) =	sbr.rel @p1 .LBB2_3-.Ltmp0, $4  }
0x48: {  	[spmem:s2] =	stream.indirect.scatter.add.f32 [tilespmem:s22], [sflag:$0x3], $0x80, s31, s19, $0xb8;
	[tilespmem:$0x1E080] =	vst v63  }
0x49: {  	_ =	swait.ge [sflag:s16], $0x3E80  }
0x4a: {  	[sflag:s16] =	ssyncset.done $0x0  }
0x4b: {  	s30 =	sadd.s32 $0x180, s30;
	[sflag:s16] =	ssyncadd.s32 $0xFFFFC180  }
0x4c: {  	[tilespmem:s22], [sflag:$0x2] =	stream.indirect.gather [hbm4b:s5+s19], $0x80, s30, s19, $0xb8;
	[tilespmem:$0x1E080] =	vst v63  }
0x4d: {  	_ =	swait.ge [sflag:s23], $0x3E80  }
0x4e: {  	[sflag:s23] =	ssyncset.done $0x0  }
0x4f: {  	[sflag:s23] =	ssyncadd.s32 $0xFFFFC180  }
0x50: {  	[spmem:s2] =	stream.indirect.scatter.add.f32 [tilespmem:s20], [sflag:$0x3], $0x80, s25, s19, $0xb8;
	[tilespmem:$0x1E080] =	vst v63  }
0x51: {  	_ =	swait.ge [sflag:s16], $0x3E80  }
0x52: {  	[sflag:s16] =	ssyncset.done $0x0  }
0x53: {  	[sflag:s16] =	ssyncadd.s32 $0xFFFFC180  }
0x54: {  	s28 =	sadd.s32 $0x1, s28;
	_ =	swait.ge [sflag:s24], $0x3E80  }
0x55: {  	p1 =	sne.s32 s28, $0x4;
	[sflag:s24] =	ssyncset.done $0x0  }
.Ltmp1:
0x56: {  	[sflag:s24] =	ssyncadd.s32 $0xFFFFC180;
	(pc) =	sbr.rel @p1 .LBB2_2-.Ltmp1, $4  }
0x57: {  	[spmem:s2] =	stream.indirect.scatter.add.f32 [tilespmem:s22], [sflag:$0x3], $0x80, s26, s19, $0xb8;
	[tilespmem:$0x1E080] =	vst v63  }
0x58: {  	_ =	swait.ge [sflag:s16], $0x3E80  }
0x59: {  	[sflag:s16] =	ssyncset.done $0x0  }
0x5a: {  	[sflag:s16] =	ssyncadd.s32 $0xFFFFC180  }
0x5b: {  	[bflag:$0x0] =	sbarrier.arrive $0xFFFF  }
0x5c: {  	[hbm:s12], [sflag:s8] =	dma.local [spmem:s15], $0x2700  }
0x5d: {  	s4 =	sadd.s32 $0x1, s4;
	_ =	swait.ge [sflag:s16], $0x2700  }
0x5e: {  	p1 =	sne.s32 s4, s14;
	[sflag:s16] =	ssyncset.done $0x0  }
.Ltmp2:
0x5f: {  	s28 =	simm.s32 @!p0 $0x3;
	[sflag:s16] =	ssyncadd.s32 $0xFFFFD900;
	(pc) =	sbr.rel @p1 .LBB2_1-.Ltmp2, $4  }
0x60: {  	[hbm:s13], [sflag:s8] =	dma.local @!p0 [spmem:s17], $0x100  }
0x61: {  	_ =	swait.ge @!p0 [sflag:s28], $0x100  }
0x62: {  	[sflag:s28] =	ssyncset.done @!p0 $0x0  }
0x63: {  	[sflag:s28] =	ssyncadd.s32 @!p0 $0xFFFFFF00  }
0x64: {  	_ =	sfence.sel $0x180000  }
0x65: {  	[bflag:$0x0] =	sbarrier.arrive $0xFFFF  }
0x66: {  	p0 =	sne.s32 s3, $0x0;
	_ =	strace $0x90000047  }
0x67: {  	s0 =	sadd.s32 @!p0 $0x100000, s0;
	[bflag:$0x2] =	sbarrier.arrive $0xFFFF  }
0x68: {  	[sflag:s0] =	ssyncadd.tile.s32 @!p0 $0x1;
	_ =	shalt  }
.Lfunc_end2:
_tile_overlayer_lowered:
.L_overlay_start_2:
0x69: {  	(tag) =	ssettag $0x2  }
0x6a: {  	s0 =	rddreg [dreg:$0x0];
	s2 =	stileid.u32  }
0x6b: {  	s1 =	rddreg [dreg:$0x1];
	p0 =	sne.s32 s2, $0x0  }
0x6c: {  	s3 =	rddreg [dreg:$0x2];
	[bflag:$0x3] =	sbarrier.arrive $0xFFFF;
	s2 =	simm.s32 @!p0 $0x1C03  }
0x6d: {  	[timem:s3], [sflag:s2] =	dma.local @!p0 [hbm:s0], s1  }
0x6e: {  	s0 =	simm.s32 @!p0 $0x3  }
0x6f: {  	_ =	swait.ge @!p0 [sflag:s0], s1  }
0x70: {  	s1 =	ssub.s32 @!p0 $0x0, s1;
	[sflag:s0] =	ssyncset.done @!p0 $0x0  }
0x71: {  	[sflag:s0] =	ssyncadd.s32 @!p0 s1  }
0x72: {  	[bflag:$0x3] =	sbarrier.arrive $0xFFFF  }
0x73: {  	_ =	shalt  }

</sc_bundles>
